<compile_context>
chip_gen: v7x
topology: tpu7x:2x2x1
jax: 0.10.2.dev20260603
libtpu: 0.0.44.dev20260713+nightly
codegen_flags: <defaults>
</compile_context>

<pallas_src>
import functools

import jax
import jax.numpy as jnp
from jax import lax
from jax.experimental import pallas as pl
from jax.experimental.pallas import tpu as pltpu
from jax.experimental.pallas import tpu_sc as plsc

G = 8
S0 = 128
S1 = 72


def _make_gather(batch: int, hist: int, n_dim: int):
    info = plsc.get_sparse_core_info()
    nc, ns = info.num_cores, info.num_subcores
    nw = nc * ns
    b_per_w = batch // nw
    n_chunks = b_per_w // G
    n_pairs = n_chunks // 2

    mesh = plsc.VectorSubcoreMesh(core_axis_name="c", subcore_axis_name="s")

    @functools.partial(
        pl.kernel,
        mesh=mesh,
        out_type=jax.ShapeDtypeStruct((batch, hist, n_dim), jnp.float32),
        scratch_types=[
            pltpu.VMEM((2 * G, hist), jnp.int32),
            pltpu.VMEM((G, hist, n_dim), jnp.float32),
            pltpu.VMEM((G, hist, n_dim), jnp.float32),
            pltpu.SemaphoreType.DMA,
            pltpu.SemaphoreType.DMA,
            pltpu.SemaphoreType.DMA,
            pltpu.SemaphoreType.DMA,
        ],
        compiler_params=pltpu.CompilerParams(use_tc_tiling_on_sc=False),
    )
    def gather_kernel(idx_hbm, table_hbm, out_hbm, idx_v, rows0, rows1,
                      semg0, semg1, semw0, semw1):
        wid = lax.axis_index("s") * nc + lax.axis_index("c")
        w_b0 = wid * b_per_w

        def load_idx(pair):
            pltpu.sync_copy(idx_hbm.at[pl.ds(w_b0 + pair * 2 * G, 2 * G)],
                            idx_v)

        def fire_gathers(rows_v, sem, g0):
            copies = []
            for g in range(G):
                copies.append(pltpu.async_copy(
                    table_hbm.at[idx_v.at[g0 + g, pl.ds(0, S0)]],
                    rows_v.at[g, pl.ds(0, S0)], sem))
                copies.append(pltpu.async_copy(
                    table_hbm.at[idx_v.at[g0 + g, pl.ds(S0, S1)]],
                    rows_v.at[g, pl.ds(S0, S1)], sem))
            return copies

        def fire_write(rows_v, sem, chunk):
            return pltpu.async_copy(
                rows_v, out_hbm.at[pl.ds(w_b0 + chunk * G, G)], sem)

        def wait_write(rows_v, sem):
            pltpu.make_async_copy(
                rows_v, out_hbm.at[pl.ds(0, G)], sem).wait()

        load_idx(0)
        g0 = fire_gathers(rows0, semg0, 0)
        g1 = fire_gathers(rows1, semg1, G)
        for c in g0:
            c.wait()
        fire_write(rows0, semw0, 0)
        for c in g1:
            c.wait()
        fire_write(rows1, semw1, 1)

        def pair_body(p, carry):
            wait_write(rows0, semw0)
            load_idx(p)
            g0 = fire_gathers(rows0, semg0, 0)
            wait_write(rows1, semw1)
            g1 = fire_gathers(rows1, semg1, G)
            for c in g0:
                c.wait()
            fire_write(rows0, semw0, 2 * p)
            for c in g1:
                c.wait()
            fire_write(rows1, semw1, 2 * p + 1)
            return carry

        lax.fori_loop(1, n_pairs, pair_body, 0)
        wait_write(rows0, semw0)
        wait_write(rows1, semw1)

    return gather_kernel


def kernel(node_ids, emb_table):
    b, h = node_ids.shape
    n_nodes, n_dim = emb_table.shape
    return _make_gather(b, h, n_dim)(node_ids.astype(jnp.int32), emb_table)

# --- scband reference (transcript-rebuilt; emitter-appended) ---
"""Pipeline reference for scband-embedding-4166118277126 (READ-ONLY COPY).

The authoritative reference and input builder live on the scoring server;
editing this copy changes nothing except your own understanding.
"""

import jax, jax.numpy as jnp
import numpy as np

N_NODES = 1000000
N_DIM = 32
BATCH = 16384
HIST = 200

def setup_inputs(seed: int = 0) -> dict:
    key = jax.random.key(seed)
    k1, k2 = jax.random.split(key)
    node_ids = jax.random.randint(k1, (BATCH, HIST), 0, N_NODES, dtype=jnp.int64 if jax.config.jax_enable_x64 else jnp.int32)
    emb_table = jax.random.normal(k2, (N_NODES, N_DIM), dtype=jnp.float32)
    return {"node_ids": node_ids, "emb_table": emb_table}

def reference(node_ids, emb_table):
    # torch.nn.Embedding lookup: table[idx]
    return jnp.take(emb_table, node_ids, axis=0)

if __name__ == "__main__":
    import jax
    _d = setup_inputs()
    print(jax.jit(kernel)(*tuple(_d.values())))

</pallas_src>

<mosaic_0001>
#map = affine_map<(d0, d1) -> (0, 0)>
#map1 = affine_map<(d0, d1) -> (0, 0, 0)>
module attributes {stable_mosaic.version = 14 : i64} {
  func.func @gather_kernel(%arg0: i32, %arg1: i32, %arg2: memref<16384x200xi32, #tpu.memory_space<hbm>>, %arg3: memref<1000000x32xf32, #tpu.memory_space<hbm>>, %arg4: memref<16384x200x32xf32, #tpu.memory_space<hbm>>, %arg5: memref<16x200xi32, #tpu.memory_space<vmem>>, %arg6: memref<8x200x32xf32, #tpu.memory_space<vmem>>, %arg7: memref<8x200x32xf32, #tpu.memory_space<vmem>>, %arg8: memref<!tpu.dma_semaphore, #tpu.memory_space<semaphore_mem>>, %arg9: memref<!tpu.dma_semaphore, #tpu.memory_space<semaphore_mem>>, %arg10: memref<!tpu.dma_semaphore, #tpu.memory_space<semaphore_mem>>, %arg11: memref<!tpu.dma_semaphore, #tpu.memory_space<semaphore_mem>>) attributes {dimension_semantics = [#tpu.dimension_semantics<core_parallel>, #tpu.dimension_semantics<subcore_parallel>], iteration_bounds = array<i64: 2, 16>, scalar_prefetch = 0 : i64, scratch_operands = 7 : i64, tpu.core_type = #tpu.core_type<sc_vector_subcore>, window_params = [{transform_indices = #map}, {transform_indices = #map}, {transform_indices = #map1}]} {
    %mul3A = arith.constant 2 : i32
    %mul3A_0 = arith.muli %arg1, %mul3A : i32
    %add3A = arith.addi %mul3A_0, %arg0 : i32
    %mul3A_1 = arith.constant 512 : i32
    %mul3A_2 = arith.muli %add3A, %mul3A_1 : i32
    %add3A_3 = arith.constant 0 : i32
    %add3A_4 = arith.addi %mul3A_2, %add3A_3 : i32
    "tpu.region"() ({
      %run_scoped3A = tpu.sem_alloc : memref<!tpu.dma_semaphore, #tpu.memory_space<semaphore_mem>>
      %dma_start3A_808 = arith.constant 0 : i32
      %dma_start3A_809 = tpu.memref_slice %arg2[%add3A_4, %dma_start3A_808] : memref<16384x200xi32, #tpu.memory_space<hbm>> -> memref<16x200xi32, #tpu.memory_space<hbm>>
      %dma_start3A_810 = arith.constant 0 : i32
      %dma_start3A_811 = tpu.memref_slice %arg2[%add3A_4, %dma_start3A_810] : memref<16384x200xi32, #tpu.memory_space<hbm>> -> memref<16x200xi32, #tpu.memory_space<hbm>>
      tpu.enqueue_dma source(%dma_start3A_811 : memref<16x200xi32, #tpu.memory_space<hbm>>) target(%arg5 : memref<16x200xi32, #tpu.memory_space<vmem>>) target_semaphore(%run_scoped3A : memref<!tpu.dma_semaphore, #tpu.memory_space<semaphore_mem>>)
      %dma_wait3A_812 = arith.constant 0 : i32
      %dma_wait3A_813 = tpu.memref_slice %arg2[%add3A_4, %dma_wait3A_812] : memref<16384x200xi32, #tpu.memory_space<hbm>> -> memref<16x200xi32, #tpu.memory_space<hbm>>
      %dma_wait3A_814 = arith.constant 0 : i32
      %dma_wait3A_815 = tpu.memref_slice %arg2[%add3A_4, %dma_wait3A_814] : memref<16384x200xi32, #tpu.memory_space<hbm>> -> memref<16x200xi32, #tpu.memory_space<hbm>>
      tpu.wait_dma2 semaphore(%run_scoped3A : memref<!tpu.dma_semaphore, #tpu.memory_space<semaphore_mem>>) src(%dma_wait3A_815 : memref<16x200xi32, #tpu.memory_space<hbm>>) dst(%arg5 : memref<16x200xi32, #tpu.memory_space<vmem>>)
      tpu.yield
    }) : () -> ()
    %dma_start3A = arith.constant 0 : i32
    %dma_start3A_5 = arith.constant 0 : i32
    %dma_start3A_6 = arith.constant 0 : i32
    %dma_start3A_7 = arith.constant 0 : i32
    %dma_start3A_8 = tpu.memref_slice %arg6[%dma_start3A_5, %dma_start3A_6, %dma_start3A_7] : memref<8x200x32xf32, #tpu.memory_space<vmem>> -> memref<1x128x32xf32, #tpu.memory_space<vmem>>
    %dma_start3A_9 = tpu.memref_squeeze %dma_start3A_8 : memref<1x128x32xf32, #tpu.memory_space<vmem>> -> memref<128x32xf32, #tpu.memory_space<vmem>>
    %dma_start3A_10 = arith.constant 0 : i32
    %dma_start3A_11 = tpu.memref_slice %arg5[%dma_start3A, %dma_start3A_10] : memref<16x200xi32, #tpu.memory_space<vmem>> -> memref<1x128xi32, #tpu.memory_space<vmem>>
    %dma_start3A_12 = tpu.memref_squeeze %dma_start3A_11 : memref<1x128xi32, #tpu.memory_space<vmem>> -> memref<128xi32, #tpu.memory_space<vmem>>
    %dma_start3A_13 = arith.constant 0 : i32
    %dma_start3A_14 = arith.constant 0 : i32
    %dma_start3A_15 = tpu.memref_slice %arg3[%dma_start3A_13, %dma_start3A_14] : memref<1000000x32xf32, #tpu.memory_space<hbm>> -> memref<1000000x32xf32, #tpu.memory_space<hbm>>
    tpu.enqueue_indirect_dma source(%dma_start3A_15 : memref<1000000x32xf32, #tpu.memory_space<hbm>>) target(%dma_start3A_9 : memref<128x32xf32, #tpu.memory_space<vmem>>) offsets(%dma_start3A_12 : memref<128xi32, #tpu.memory_space<vmem>>) semaphore(%arg8 : memref<!tpu.dma_semaphore, #tpu.memory_space<semaphore_mem>>)
    %dma_start3A_16 = arith.constant 0 : i32
    %dma_start3A_17 = arith.constant 0 : i32
    %dma_start3A_18 = arith.constant 128 : i32
    %dma_start3A_19 = arith.constant 0 : i32
    %dma_start3A_20 = tpu.memref_slice %arg6[%dma_start3A_17, %dma_start3A_18, %dma_start3A_19] : memref<8x200x32xf32, #tpu.memory_space<vmem>> -> memref<1x72x32xf32, #tpu.memory_space<vmem>>
    %dma_start3A_21 = tpu.memref_squeeze %dma_start3A_20 : memref<1x72x32xf32, #tpu.memory_space<vmem>> -> memref<72x32xf32, #tpu.memory_space<vmem>>
    %dma_start3A_22 = arith.constant 128 : i32
    %dma_start3A_23 = tpu.memref_slice %arg5[%dma_start3A_16, %dma_start3A_22] : memref<16x200xi32, #tpu.memory_space<vmem>> -> memref<1x72xi32, #tpu.memory_space<vmem>>
    %dma_start3A_24 = tpu.memref_squeeze %dma_start3A_23 : memref<1x72xi32, #tpu.memory_space<vmem>> -> memref<72xi32, #tpu.memory_space<vmem>>
    %dma_start3A_25 = arith.constant 0 : i32
    %dma_start3A_26 = arith.constant 0 : i32
    %dma_start3A_27 = tpu.memref_slice %arg3[%dma_start3A_25, %dma_start3A_26] : memref<1000000x32xf32, #tpu.memory_space<hbm>> -> memref<1000000x32xf32, #tpu.memory_space<hbm>>
    tpu.enqueue_indirect_dma source(%dma_start3A_27 : memref<1000000x32xf32, #tpu.memory_space<hbm>>) target(%dma_start3A_21 : memref<72x32xf32, #tpu.memory_space<vmem>>) offsets(%dma_start3A_24 : memref<72xi32, #tpu.memory_space<vmem>>) semaphore(%arg8 : memref<!tpu.dma_semaphore, #tpu.memory_space<semaphore_mem>>)
    %dma_start3A_28 = arith.constant 1 : i32
    %dma_start3A_29 = arith.constant 1 : i32
    %dma_start3A_30 = arith.constant 0 : i32
    %dma_start3A_31 = arith.constant 0 : i32
    %dma_start3A_32 = tpu.memref_slice %arg6[%dma_start3A_29, %dma_start3A_30, %dma_start3A_31] : memref<8x200x32xf32, #tpu.memory_space<vmem>> -> memref<1x128x32xf32, #tpu.memory_space<vmem>>
    %dma_start3A_33 = tpu.memref_squeeze %dma_start3A_32 : memref<1x128x32xf32, #tpu.memory_space<vmem>> -> memref<128x32xf32, #tpu.memory_space<vmem>>
    %dma_start3A_34 = arith.constant 0 : i32
    %dma_start3A_35 = tpu.memref_slice %arg5[%dma_start3A_28, %dma_start3A_34] : memref<16x200xi32, #tpu.memory_space<vmem>> -> memref<1x128xi32, #tpu.memory_space<vmem>>
    %dma_start3A_36 = tpu.memref_squeeze %dma_start3A_35 : memref<1x128xi32, #tpu.memory_space<vmem>> -> memref<128xi32, #tpu.memory_space<vmem>>
    %dma_start3A_37 = arith.constant 0 : i32
    %dma_start3A_38 = arith.constant 0 : i32
    %dma_start3A_39 = tpu.memref_slice %arg3[%dma_start3A_37, %dma_start3A_38] : memref<1000000x32xf32, #tpu.memory_space<hbm>> -> memref<1000000x32xf32, #tpu.memory_space<hbm>>
    tpu.enqueue_indirect_dma source(%dma_start3A_39 : memref<1000000x32xf32, #tpu.memory_space<hbm>>) target(%dma_start3A_33 : memref<128x32xf32, #tpu.memory_space<vmem>>) offsets(%dma_start3A_36 : memref<128xi32, #tpu.memory_space<vmem>>) semaphore(%arg8 : memref<!tpu.dma_semaphore, #tpu.memory_space<semaphore_mem>>)
    %dma_start3A_40 = arith.constant 1 : i32
    %dma_start3A_41 = arith.constant 1 : i32
    %dma_start3A_42 = arith.constant 128 : i32
    %dma_start3A_43 = arith.constant 0 : i32
    %dma_start3A_44 = tpu.memref_slice %arg6[%dma_start3A_41, %dma_start3A_42, %dma_start3A_43] : memref<8x200x32xf32, #tpu.memory_space<vmem>> -> memref<1x72x32xf32, #tpu.memory_space<vmem>>
    %dma_start3A_45 = tpu.memref_squeeze %dma_start3A_44 : memref<1x72x32xf32, #tpu.memory_space<vmem>> -> memref<72x32xf32, #tpu.memory_space<vmem>>
    %dma_start3A_46 = arith.constant 128 : i32
    %dma_start3A_47 = tpu.memref_slice %arg5[%dma_start3A_40, %dma_start3A_46] : memref<16x200xi32, #tpu.memory_space<vmem>> -> memref<1x72xi32, #tpu.memory_space<vmem>>
    %dma_start3A_48 = tpu.memref_squeeze %dma_start3A_47 : memref<1x72xi32, #tpu.memory_space<vmem>> -> memref<72xi32, #tpu.memory_space<vmem>>
    %dma_start3A_49 = arith.constant 0 : i32
    %dma_start3A_50 = arith.constant 0 : i32
    %dma_start3A_51 = tpu.memref_slice %arg3[%dma_start3A_49, %dma_start3A_50] : memref<1000000x32xf32, #tpu.memory_space<hbm>> -> memref<1000000x32xf32, #tpu.memory_space<hbm>>
    tpu.enqueue_indirect_dma source(%dma_start3A_51 : memref<1000000x32xf32, #tpu.memory_space<hbm>>) target(%dma_start3A_45 : memref<72x32xf32, #tpu.memory_space<vmem>>) offsets(%dma_start3A_48 : memref<72xi32, #tpu.memory_space<vmem>>) semaphore(%arg8 : memref<!tpu.dma_semaphore, #tpu.memory_space<semaphore_mem>>)
    %dma_start3A_52 = arith.constant 2 : i32
    %dma_start3A_53 = arith.constant 2 : i32
    %dma_start3A_54 = arith.constant 0 : i32
    %dma_start3A_55 = arith.constant 0 : i32
    %dma_start3A_56 = tpu.memref_slice %arg6[%dma_start3A_53, %dma_start3A_54, %dma_start3A_55] : memref<8x200x32xf32, #tpu.memory_space<vmem>> -> memref<1x128x32xf32, #tpu.memory_space<vmem>>
    %dma_start3A_57 = tpu.memref_squeeze %dma_start3A_56 : memref<1x128x32xf32, #tpu.memory_space<vmem>> -> memref<128x32xf32, #tpu.memory_space<vmem>>
    %dma_start3A_58 = arith.constant 0 : i32
    %dma_start3A_59 = tpu.memref_slice %arg5[%dma_start3A_52, %dma_start3A_58] : memref<16x200xi32, #tpu.memory_space<vmem>> -> memref<1x128xi32, #tpu.memory_space<vmem>>
    %dma_start3A_60 = tpu.memref_squeeze %dma_start3A_59 : memref<1x128xi32, #tpu.memory_space<vmem>> -> memref<128xi32, #tpu.memory_space<vmem>>
    %dma_start3A_61 = arith.constant 0 : i32
    %dma_start3A_62 = arith.constant 0 : i32
    %dma_start3A_63 = tpu.memref_slice %arg3[%dma_start3A_61, %dma_start3A_62] : memref<1000000x32xf32, #tpu.memory_space<hbm>> -> memref<1000000x32xf32, #tpu.memory_space<hbm>>
    tpu.enqueue_indirect_dma source(%dma_start3A_63 : memref<1000000x32xf32, #tpu.memory_space<hbm>>) target(%dma_start3A_57 : memref<128x32xf32, #tpu.memory_space<vmem>>) offsets(%dma_start3A_60 : memref<128xi32, #tpu.memory_space<vmem>>) semaphore(%arg8 : memref<!tpu.dma_semaphore, #tpu.memory_space<semaphore_mem>>)
    %dma_start3A_64 = arith.constant 2 : i32
    %dma_start3A_65 = arith.constant 2 : i32
    %dma_start3A_66 = arith.constant 128 : i32
    %dma_start3A_67 = arith.constant 0 : i32
    %dma_start3A_68 = tpu.memref_slice %arg6[%dma_start3A_65, %dma_start3A_66, %dma_start3A_67] : memref<8x200x32xf32, #tpu.memory_space<vmem>> -> memref<1x72x32xf32, #tpu.memory_space<vmem>>
    %dma_start3A_69 = tpu.memref_squeeze %dma_start3A_68 : memref<1x72x32xf32, #tpu.memory_space<vmem>> -> memref<72x32xf32, #tpu.memory_space<vmem>>
    %dma_start3A_70 = arith.constant 128 : i32
    %dma_start3A_71 = tpu.memref_slice %arg5[%dma_start3A_64, %dma_start3A_70] : memref<16x200xi32, #tpu.memory_space<vmem>> -> memref<1x72xi32, #tpu.memory_space<vmem>>
    %dma_start3A_72 = tpu.memref_squeeze %dma_start3A_71 : memref<1x72xi32, #tpu.memory_space<vmem>> -> memref<72xi32, #tpu.memory_space<vmem>>
    %dma_start3A_73 = arith.constant 0 : i32
    %dma_start3A_74 = arith.constant 0 : i32
    %dma_start3A_75 = tpu.memref_slice %arg3[%dma_start3A_73, %dma_start3A_74] : memref<1000000x32xf32, #tpu.memory_space<hbm>> -> memref<1000000x32xf32, #tpu.memory_space<hbm>>
    tpu.enqueue_indirect_dma source(%dma_start3A_75 : memref<1000000x32xf32, #tpu.memory_space<hbm>>) target(%dma_start3A_69 : memref<72x32xf32, #tpu.memory_space<vmem>>) offsets(%dma_start3A_72 : memref<72xi32, #tpu.memory_space<vmem>>) semaphore(%arg8 : memref<!tpu.dma_semaphore, #tpu.memory_space<semaphore_mem>>)
    %dma_start3A_76 = arith.constant 3 : i32
    %dma_start3A_77 = arith.constant 3 : i32
    %dma_start3A_78 = arith.constant 0 : i32
    %dma_start3A_79 = arith.constant 0 : i32
    %dma_start3A_80 = tpu.memref_slice %arg6[%dma_start3A_77, %dma_start3A_78, %dma_start3A_79] : memref<8x200x32xf32, #tpu.memory_space<vmem>> -> memref<1x128x32xf32, #tpu.memory_space<vmem>>
    %dma_start3A_81 = tpu.memref_squeeze %dma_start3A_80 : memref<1x128x32xf32, #tpu.memory_space<vmem>> -> memref<128x32xf32, #tpu.memory_space<vmem>>
    %dma_start3A_82 = arith.constant 0 : i32
    %dma_start3A_83 = tpu.memref_slice %arg5[%dma_start3A_76, %dma_start3A_82] : memref<16x200xi32, #tpu.memory_space<vmem>> -> memref<1x128xi32, #tpu.memory_space<vmem>>
    %dma_start3A_84 = tpu.memref_squeeze %dma_start3A_83 : memref<1x128xi32, #tpu.memory_space<vmem>> -> memref<128xi32, #tpu.memory_space<vmem>>
    %dma_start3A_85 = arith.constant 0 : i32
    %dma_start3A_86 = arith.constant 0 : i32
    %dma_start3A_87 = tpu.memref_slice %arg3[%dma_start3A_85, %dma_start3A_86] : memref<1000000x32xf32, #tpu.memory_space<hbm>> -> memref<1000000x32xf32, #tpu.memory_space<hbm>>
    tpu.enqueue_indirect_dma source(%dma_start3A_87 : memref<1000000x32xf32, #tpu.memory_space<hbm>>) target(%dma_start3A_81 : memref<128x32xf32, #tpu.memory_space<vmem>>) offsets(%dma_start3A_84 : memref<128xi32, #tpu.memory_space<vmem>>) semaphore(%arg8 : memref<!tpu.dma_semaphore, #tpu.memory_space<semaphore_mem>>)
    %dma_start3A_88 = arith.constant 3 : i32
    %dma_start3A_89 = arith.constant 3 : i32
    %dma_start3A_90 = arith.constant 128 : i32
    %dma_start3A_91 = arith.constant 0 : i32
    %dma_start3A_92 = tpu.memref_slice %arg6[%dma_start3A_89, %dma_start3A_90, %dma_start3A_91] : memref<8x200x32xf32, #tpu.memory_space<vmem>> -> memref<1x72x32xf32, #tpu.memory_space<vmem>>
    %dma_start3A_93 = tpu.memref_squeeze %dma_start3A_92 : memref<1x72x32xf32, #tpu.memory_space<vmem>> -> memref<72x32xf32, #tpu.memory_space<vmem>>
    %dma_start3A_94 = arith.constant 128 : i32
    %dma_start3A_95 = tpu.memref_slice %arg5[%dma_start3A_88, %dma_start3A_94] : memref<16x200xi32, #tpu.memory_space<vmem>> -> memref<1x72xi32, #tpu.memory_space<vmem>>
    %dma_start3A_96 = tpu.memref_squeeze %dma_start3A_95 : memref<1x72xi32, #tpu.memory_space<vmem>> -> memref<72xi32, #tpu.memory_space<vmem>>
    %dma_start3A_97 = arith.constant 0 : i32
    %dma_start3A_98 = arith.constant 0 : i32
    %dma_start3A_99 = tpu.memref_slice %arg3[%dma_start3A_97, %dma_start3A_98] : memref<1000000x32xf32, #tpu.memory_space<hbm>> -> memref<1000000x32xf32, #tpu.memory_space<hbm>>
    tpu.enqueue_indirect_dma source(%dma_start3A_99 : memref<1000000x32xf32, #tpu.memory_space<hbm>>) target(%dma_start3A_93 : memref<72x32xf32, #tpu.memory_space<vmem>>) offsets(%dma_start3A_96 : memref<72xi32, #tpu.memory_space<vmem>>) semaphore(%arg8 : memref<!tpu.dma_semaphore, #tpu.memory_space<semaphore_mem>>)
    %dma_start3A_100 = arith.constant 4 : i32
    %dma_start3A_101 = arith.constant 4 : i32
    %dma_start3A_102 = arith.constant 0 : i32
    %dma_start3A_103 = arith.constant 0 : i32
    %dma_start3A_104 = tpu.memref_slice %arg6[%dma_start3A_101, %dma_start3A_102, %dma_start3A_103] : memref<8x200x32xf32, #tpu.memory_space<vmem>> -> memref<1x128x32xf32, #tpu.memory_space<vmem>>
    %dma_start3A_105 = tpu.memref_squeeze %dma_start3A_104 : memref<1x128x32xf32, #tpu.memory_space<vmem>> -> memref<128x32xf32, #tpu.memory_space<vmem>>
    %dma_start3A_106 = arith.constant 0 : i32
    %dma_start3A_107 = tpu.memref_slice %arg5[%dma_start3A_100, %dma_start3A_106] : memref<16x200xi32, #tpu.memory_space<vmem>> -> memref<1x128xi32, #tpu.memory_space<vmem>>
    %dma_start3A_108 = tpu.memref_squeeze %dma_start3A_107 : memref<1x128xi32, #tpu.memory_space<vmem>> -> memref<128xi32, #tpu.memory_space<vmem>>
    %dma_start3A_109 = arith.constant 0 : i32
    %dma_start3A_110 = arith.constant 0 : i32
    %dma_start3A_111 = tpu.memref_slice %arg3[%dma_start3A_109, %dma_start3A_110] : memref<1000000x32xf32, #tpu.memory_space<hbm>> -> memref<1000000x32xf32, #tpu.memory_space<hbm>>
    tpu.enqueue_indirect_dma source(%dma_start3A_111 : memref<1000000x32xf32, #tpu.memory_space<hbm>>) target(%dma_start3A_105 : memref<128x32xf32, #tpu.memory_space<vmem>>) offsets(%dma_start3A_108 : memref<128xi32, #tpu.memory_space<vmem>>) semaphore(%arg8 : memref<!tpu.dma_semaphore, #tpu.memory_space<semaphore_mem>>)
    %dma_start3A_112 = arith.constant 4 : i32
    %dma_start3A_113 = arith.constant 4 : i32
    %dma_start3A_114 = arith.constant 128 : i32
    %dma_start3A_115 = arith.constant 0 : i32
    %dma_start3A_116 = tpu.memref_slice %arg6[%dma_start3A_113, %dma_start3A_114, %dma_start3A_115] : memref<8x200x32xf32, #tpu.memory_space<vmem>> -> memref<1x72x32xf32, #tpu.memory_space<vmem>>
    %dma_start3A_117 = tpu.memref_squeeze %dma_start3A_116 : memref<1x72x32xf32, #tpu.memory_space<vmem>> -> memref<72x32xf32, #tpu.memory_space<vmem>>
    %dma_start3A_118 = arith.constant 128 : i32
    %dma_start3A_119 = tpu.memref_slice %arg5[%dma_start3A_112, %dma_start3A_118] : memref<16x200xi32, #tpu.memory_space<vmem>> -> memref<1x72xi32, #tpu.memory_space<vmem>>
    %dma_start3A_120 = tpu.memref_squeeze %dma_start3A_119 : memref<1x72xi32, #tpu.memory_space<vmem>> -> memref<72xi32, #tpu.memory_space<vmem>>
    %dma_start3A_121 = arith.constant 0 : i32
    %dma_start3A_122 = arith.constant 0 : i32
    %dma_start3A_123 = tpu.memref_slice %arg3[%dma_start3A_121, %dma_start3A_122] : memref<1000000x32xf32, #tpu.memory_space<hbm>> -> memref<1000000x32xf32, #tpu.memory_space<hbm>>
    tpu.enqueue_indirect_dma source(%dma_start3A_123 : memref<1000000x32xf32, #tpu.memory_space<hbm>>) target(%dma_start3A_117 : memref<72x32xf32, #tpu.memory_space<vmem>>) offsets(%dma_start3A_120 : memref<72xi32, #tpu.memory_space<vmem>>) semaphore(%arg8 : memref<!tpu.dma_semaphore, #tpu.memory_space<semaphore_mem>>)
    %dma_start3A_124 = arith.constant 5 : i32
    %dma_start3A_125 = arith.constant 5 : i32
    %dma_start3A_126 = arith.constant 0 : i32
    %dma_start3A_127 = arith.constant 0 : i32
    %dma_start3A_128 = tpu.memref_slice %arg6[%dma_start3A_125, %dma_start3A_126, %dma_start3A_127] : memref<8x200x32xf32, #tpu.memory_space<vmem>> -> memref<1x128x32xf32, #tpu.memory_space<vmem>>
    %dma_start3A_129 = tpu.memref_squeeze %dma_start3A_128 : memref<1x128x32xf32, #tpu.memory_space<vmem>> -> memref<128x32xf32, #tpu.memory_space<vmem>>
    %dma_start3A_130 = arith.constant 0 : i32
    %dma_start3A_131 = tpu.memref_slice %arg5[%dma_start3A_124, %dma_start3A_130] : memref<16x200xi32, #tpu.memory_space<vmem>> -> memref<1x128xi32, #tpu.memory_space<vmem>>
    %dma_start3A_132 = tpu.memref_squeeze %dma_start3A_131 : memref<1x128xi32, #tpu.memory_space<vmem>> -> memref<128xi32, #tpu.memory_space<vmem>>
    %dma_start3A_133 = arith.constant 0 : i32
    %dma_start3A_134 = arith.constant 0 : i32
    %dma_start3A_135 = tpu.memref_slice %arg3[%dma_start3A_133, %dma_start3A_134] : memref<1000000x32xf32, #tpu.memory_space<hbm>> -> memref<1000000x32xf32, #tpu.memory_space<hbm>>
    tpu.enqueue_indirect_dma source(%dma_start3A_135 : memref<1000000x32xf32, #tpu.memory_space<hbm>>) target(%dma_start3A_129 : memref<128x32xf32, #tpu.memory_space<vmem>>) offsets(%dma_start3A_132 : memref<128xi32, #tpu.memory_space<vmem>>) semaphore(%arg8 : memref<!tpu.dma_semaphore, #tpu.memory_space<semaphore_mem>>)
    %dma_start3A_136 = arith.constant 5 : i32
    %dma_start3A_137 = arith.constant 5 : i32
    %dma_start3A_138 = arith.constant 128 : i32
    %dma_start3A_139 = arith.constant 0 : i32
    %dma_start3A_140 = tpu.memref_slice %arg6[%dma_start3A_137, %dma_start3A_138, %dma_start3A_139] : memref<8x200x32xf32, #tpu.memory_space<vmem>> -> memref<1x72x32xf32, #tpu.memory_space<vmem>>
    %dma_start3A_141 = tpu.memref_squeeze %dma_start3A_140 : memref<1x72x32xf32, #tpu.memory_space<vmem>> -> memref<72x32xf32, #tpu.memory_space<vmem>>
    %dma_start3A_142 = arith.constant 128 : i32
    %dma_start3A_143 = tpu.memref_slice %arg5[%dma_start3A_136, %dma_start3A_142] : memref<16x200xi32, #tpu.memory_space<vmem>> -> memref<1x72xi32, #tpu.memory_space<vmem>>
    %dma_start3A_144 = tpu.memref_squeeze %dma_start3A_143 : memref<1x72xi32, #tpu.memory_space<vmem>> -> memref<72xi32, #tpu.memory_space<vmem>>
    %dma_start3A_145 = arith.constant 0 : i32
    %dma_start3A_146 = arith.constant 0 : i32
    %dma_start3A_147 = tpu.memref_slice %arg3[%dma_start3A_145, %dma_start3A_146] : memref<1000000x32xf32, #tpu.memory_space<hbm>> -> memref<1000000x32xf32, #tpu.memory_space<hbm>>
    tpu.enqueue_indirect_dma source(%dma_start3A_147 : memref<1000000x32xf32, #tpu.memory_space<hbm>>) target(%dma_start3A_141 : memref<72x32xf32, #tpu.memory_space<vmem>>) offsets(%dma_start3A_144 : memref<72xi32, #tpu.memory_space<vmem>>) semaphore(%arg8 : memref<!tpu.dma_semaphore, #tpu.memory_space<semaphore_mem>>)
    %dma_start3A_148 = arith.constant 6 : i32
    %dma_start3A_149 = arith.constant 6 : i32
    %dma_start3A_150 = arith.constant 0 : i32
    %dma_start3A_151 = arith.constant 0 : i32
    %dma_start3A_152 = tpu.memref_slice %arg6[%dma_start3A_149, %dma_start3A_150, %dma_start3A_151] : memref<8x200x32xf32, #tpu.memory_space<vmem>> -> memref<1x128x32xf32, #tpu.memory_space<vmem>>
    %dma_start3A_153 = tpu.memref_squeeze %dma_start3A_152 : memref<1x128x32xf32, #tpu.memory_space<vmem>> -> memref<128x32xf32, #tpu.memory_space<vmem>>
    %dma_start3A_154 = arith.constant 0 : i32
    %dma_start3A_155 = tpu.memref_slice %arg5[%dma_start3A_148, %dma_start3A_154] : memref<16x200xi32, #tpu.memory_space<vmem>> -> memref<1x128xi32, #tpu.memory_space<vmem>>
    %dma_start3A_156 = tpu.memref_squeeze %dma_start3A_155 : memref<1x128xi32, #tpu.memory_space<vmem>> -> memref<128xi32, #tpu.memory_space<vmem>>
    %dma_start3A_157 = arith.constant 0 : i32
    %dma_start3A_158 = arith.constant 0 : i32
    %dma_start3A_159 = tpu.memref_slice %arg3[%dma_start3A_157, %dma_start3A_158] : memref<1000000x32xf32, #tpu.memory_space<hbm>> -> memref<1000000x32xf32, #tpu.memory_space<hbm>>
    tpu.enqueue_indirect_dma source(%dma_start3A_159 : memref<1000000x32xf32, #tpu.memory_space<hbm>>) target(%dma_start3A_153 : memref<128x32xf32, #tpu.memory_space<vmem>>) offsets(%dma_start3A_156 : memref<128xi32, #tpu.memory_space<vmem>>) semaphore(%arg8 : memref<!tpu.dma_semaphore, #tpu.memory_space<semaphore_mem>>)
    %dma_start3A_160 = arith.constant 6 : i32
    %dma_start3A_161 = arith.constant 6 : i32
    %dma_start3A_162 = arith.constant 128 : i32
    %dma_start3A_163 = arith.constant 0 : i32
    %dma_start3A_164 = tpu.memref_slice %arg6[%dma_start3A_161, %dma_start3A_162, %dma_start3A_163] : memref<8x200x32xf32, #tpu.memory_space<vmem>> -> memref<1x72x32xf32, #tpu.memory_space<vmem>>
    %dma_start3A_165 = tpu.memref_squeeze %dma_start3A_164 : memref<1x72x32xf32, #tpu.memory_space<vmem>> -> memref<72x32xf32, #tpu.memory_space<vmem>>
    %dma_start3A_166 = arith.constant 128 : i32
    %dma_start3A_167 = tpu.memref_slice %arg5[%dma_start3A_160, %dma_start3A_166] : memref<16x200xi32, #tpu.memory_space<vmem>> -> memref<1x72xi32, #tpu.memory_space<vmem>>
    %dma_start3A_168 = tpu.memref_squeeze %dma_start3A_167 : memref<1x72xi32, #tpu.memory_space<vmem>> -> memref<72xi32, #tpu.memory_space<vmem>>
    %dma_start3A_169 = arith.constant 0 : i32
    %dma_start3A_170 = arith.constant 0 : i32
    %dma_start3A_171 = tpu.memref_slice %arg3[%dma_start3A_169, %dma_start3A_170] : memref<1000000x32xf32, #tpu.memory_space<hbm>> -> memref<1000000x32xf32, #tpu.memory_space<hbm>>
    tpu.enqueue_indirect_dma source(%dma_start3A_171 : memref<1000000x32xf32, #tpu.memory_space<hbm>>) target(%dma_start3A_165 : memref<72x32xf32, #tpu.memory_space<vmem>>) offsets(%dma_start3A_168 : memref<72xi32, #tpu.memory_space<vmem>>) semaphore(%arg8 : memref<!tpu.dma_semaphore, #tpu.memory_space<semaphore_mem>>)
    %dma_start3A_172 = arith.constant 7 : i32
    %dma_start3A_173 = arith.constant 7 : i32
    %dma_start3A_174 = arith.constant 0 : i32
    %dma_start3A_175 = arith.constant 0 : i32
    %dma_start3A_176 = tpu.memref_slice %arg6[%dma_start3A_173, %dma_start3A_174, %dma_start3A_175] : memref<8x200x32xf32, #tpu.memory_space<vmem>> -> memref<1x128x32xf32, #tpu.memory_space<vmem>>
    %dma_start3A_177 = tpu.memref_squeeze %dma_start3A_176 : memref<1x128x32xf32, #tpu.memory_space<vmem>> -> memref<128x32xf32, #tpu.memory_space<vmem>>
    %dma_start3A_178 = arith.constant 0 : i32
    %dma_start3A_179 = tpu.memref_slice %arg5[%dma_start3A_172, %dma_start3A_178] : memref<16x200xi32, #tpu.memory_space<vmem>> -> memref<1x128xi32, #tpu.memory_space<vmem>>
    %dma_start3A_180 = tpu.memref_squeeze %dma_start3A_179 : memref<1x128xi32, #tpu.memory_space<vmem>> -> memref<128xi32, #tpu.memory_space<vmem>>
    %dma_start3A_181 = arith.constant 0 : i32
    %dma_start3A_182 = arith.constant 0 : i32
    %dma_start3A_183 = tpu.memref_slice %arg3[%dma_start3A_181, %dma_start3A_182] : memref<1000000x32xf32, #tpu.memory_space<hbm>> -> memref<1000000x32xf32, #tpu.memory_space<hbm>>
    tpu.enqueue_indirect_dma source(%dma_start3A_183 : memref<1000000x32xf32, #tpu.memory_space<hbm>>) target(%dma_start3A_177 : memref<128x32xf32, #tpu.memory_space<vmem>>) offsets(%dma_start3A_180 : memref<128xi32, #tpu.memory_space<vmem>>) semaphore(%arg8 : memref<!tpu.dma_semaphore, #tpu.memory_space<semaphore_mem>>)
    %dma_start3A_184 = arith.constant 7 : i32
    %dma_start3A_185 = arith.constant 7 : i32
    %dma_start3A_186 = arith.constant 128 : i32
    %dma_start3A_187 = arith.constant 0 : i32
    %dma_start3A_188 = tpu.memref_slice %arg6[%dma_start3A_185, %dma_start3A_186, %dma_start3A_187] : memref<8x200x32xf32, #tpu.memory_space<vmem>> -> memref<1x72x32xf32, #tpu.memory_space<vmem>>
    %dma_start3A_189 = tpu.memref_squeeze %dma_start3A_188 : memref<1x72x32xf32, #tpu.memory_space<vmem>> -> memref<72x32xf32, #tpu.memory_space<vmem>>
    %dma_start3A_190 = arith.constant 128 : i32
    %dma_start3A_191 = tpu.memref_slice %arg5[%dma_start3A_184, %dma_start3A_190] : memref<16x200xi32, #tpu.memory_space<vmem>> -> memref<1x72xi32, #tpu.memory_space<vmem>>
    %dma_start3A_192 = tpu.memref_squeeze %dma_start3A_191 : memref<1x72xi32, #tpu.memory_space<vmem>> -> memref<72xi32, #tpu.memory_space<vmem>>
    %dma_start3A_193 = arith.constant 0 : i32
    %dma_start3A_194 = arith.constant 0 : i32
    %dma_start3A_195 = tpu.memref_slice %arg3[%dma_start3A_193, %dma_start3A_194] : memref<1000000x32xf32, #tpu.memory_space<hbm>> -> memref<1000000x32xf32, #tpu.memory_space<hbm>>
    tpu.enqueue_indirect_dma source(%dma_start3A_195 : memref<1000000x32xf32, #tpu.memory_space<hbm>>) target(%dma_start3A_189 : memref<72x32xf32, #tpu.memory_space<vmem>>) offsets(%dma_start3A_192 : memref<72xi32, #tpu.memory_space<vmem>>) semaphore(%arg8 : memref<!tpu.dma_semaphore, #tpu.memory_space<semaphore_mem>>)
    %dma_start3A_196 = arith.constant 8 : i32
    %dma_start3A_197 = arith.constant 0 : i32
    %dma_start3A_198 = arith.constant 0 : i32
    %dma_start3A_199 = arith.constant 0 : i32
    %dma_start3A_200 = tpu.memref_slice %arg7[%dma_start3A_197, %dma_start3A_198, %dma_start3A_199] : memref<8x200x32xf32, #tpu.memory_space<vmem>> -> memref<1x128x32xf32, #tpu.memory_space<vmem>>
    %dma_start3A_201 = tpu.memref_squeeze %dma_start3A_200 : memref<1x128x32xf32, #tpu.memory_space<vmem>> -> memref<128x32xf32, #tpu.memory_space<vmem>>
    %dma_start3A_202 = arith.constant 0 : i32
    %dma_start3A_203 = tpu.memref_slice %arg5[%dma_start3A_196, %dma_start3A_202] : memref<16x200xi32, #tpu.memory_space<vmem>> -> memref<1x128xi32, #tpu.memory_space<vmem>>
    %dma_start3A_204 = tpu.memref_squeeze %dma_start3A_203 : memref<1x128xi32, #tpu.memory_space<vmem>> -> memref<128xi32, #tpu.memory_space<vmem>>
    %dma_start3A_205 = arith.constant 0 : i32
    %dma_start3A_206 = arith.constant 0 : i32
    %dma_start3A_207 = tpu.memref_slice %arg3[%dma_start3A_205, %dma_start3A_206] : memref<1000000x32xf32, #tpu.memory_space<hbm>> -> memref<1000000x32xf32, #tpu.memory_space<hbm>>
    tpu.enqueue_indirect_dma source(%dma_start3A_207 : memref<1000000x32xf32, #tpu.memory_space<hbm>>) target(%dma_start3A_201 : memref<128x32xf32, #tpu.memory_space<vmem>>) offsets(%dma_start3A_204 : memref<128xi32, #tpu.memory_space<vmem>>) semaphore(%arg9 : memref<!tpu.dma_semaphore, #tpu.memory_space<semaphore_mem>>)
    %dma_start3A_208 = arith.constant 8 : i32
    %dma_start3A_209 = arith.constant 0 : i32
    %dma_start3A_210 = arith.constant 128 : i32
    %dma_start3A_211 = arith.constant 0 : i32
    %dma_start3A_212 = tpu.memref_slice %arg7[%dma_start3A_209, %dma_start3A_210, %dma_start3A_211] : memref<8x200x32xf32, #tpu.memory_space<vmem>> -> memref<1x72x32xf32, #tpu.memory_space<vmem>>
    %dma_start3A_213 = tpu.memref_squeeze %dma_start3A_212 : memref<1x72x32xf32, #tpu.memory_space<vmem>> -> memref<72x32xf32, #tpu.memory_space<vmem>>
    %dma_start3A_214 = arith.constant 128 : i32
    %dma_start3A_215 = tpu.memref_slice %arg5[%dma_start3A_208, %dma_start3A_214] : memref<16x200xi32, #tpu.memory_space<vmem>> -> memref<1x72xi32, #tpu.memory_space<vmem>>
    %dma_start3A_216 = tpu.memref_squeeze %dma_start3A_215 : memref<1x72xi32, #tpu.memory_space<vmem>> -> memref<72xi32, #tpu.memory_space<vmem>>
    %dma_start3A_217 = arith.constant 0 : i32
    %dma_start3A_218 = arith.constant 0 : i32
    %dma_start3A_219 = tpu.memref_slice %arg3[%dma_start3A_217, %dma_start3A_218] : memref<1000000x32xf32, #tpu.memory_space<hbm>> -> memref<1000000x32xf32, #tpu.memory_space<hbm>>
    tpu.enqueue_indirect_dma source(%dma_start3A_219 : memref<1000000x32xf32, #tpu.memory_space<hbm>>) target(%dma_start3A_213 : memref<72x32xf32, #tpu.memory_space<vmem>>) offsets(%dma_start3A_216 : memref<72xi32, #tpu.memory_space<vmem>>) semaphore(%arg9 : memref<!tpu.dma_semaphore, #tpu.memory_space<semaphore_mem>>)
    %dma_start3A_220 = arith.constant 9 : i32
    %dma_start3A_221 = arith.constant 1 : i32
    %dma_start3A_222 = arith.constant 0 : i32
    %dma_start3A_223 = arith.constant 0 : i32
    %dma_start3A_224 = tpu.memref_slice %arg7[%dma_start3A_221, %dma_start3A_222, %dma_start3A_223] : memref<8x200x32xf32, #tpu.memory_space<vmem>> -> memref<1x128x32xf32, #tpu.memory_space<vmem>>
    %dma_start3A_225 = tpu.memref_squeeze %dma_start3A_224 : memref<1x128x32xf32, #tpu.memory_space<vmem>> -> memref<128x32xf32, #tpu.memory_space<vmem>>
    %dma_start3A_226 = arith.constant 0 : i32
    %dma_start3A_227 = tpu.memref_slice %arg5[%dma_start3A_220, %dma_start3A_226] : memref<16x200xi32, #tpu.memory_space<vmem>> -> memref<1x128xi32, #tpu.memory_space<vmem>>
    %dma_start3A_228 = tpu.memref_squeeze %dma_start3A_227 : memref<1x128xi32, #tpu.memory_space<vmem>> -> memref<128xi32, #tpu.memory_space<vmem>>
    %dma_start3A_229 = arith.constant 0 : i32
    %dma_start3A_230 = arith.constant 0 : i32
    %dma_start3A_231 = tpu.memref_slice %arg3[%dma_start3A_229, %dma_start3A_230] : memref<1000000x32xf32, #tpu.memory_space<hbm>> -> memref<1000000x32xf32, #tpu.memory_space<hbm>>
    tpu.enqueue_indirect_dma source(%dma_start3A_231 : memref<1000000x32xf32, #tpu.memory_space<hbm>>) target(%dma_start3A_225 : memref<128x32xf32, #tpu.memory_space<vmem>>) offsets(%dma_start3A_228 : memref<128xi32, #tpu.memory_space<vmem>>) semaphore(%arg9 : memref<!tpu.dma_semaphore, #tpu.memory_space<semaphore_mem>>)
    %dma_start3A_232 = arith.constant 9 : i32
    %dma_start3A_233 = arith.constant 1 : i32
    %dma_start3A_234 = arith.constant 128 : i32
    %dma_start3A_235 = arith.constant 0 : i32
    %dma_start3A_236 = tpu.memref_slice %arg7[%dma_start3A_233, %dma_start3A_234, %dma_start3A_235] : memref<8x200x32xf32, #tpu.memory_space<vmem>> -> memref<1x72x32xf32, #tpu.memory_space<vmem>>
    %dma_start3A_237 = tpu.memref_squeeze %dma_start3A_236 : memref<1x72x32xf32, #tpu.memory_space<vmem>> -> memref<72x32xf32, #tpu.memory_space<vmem>>
    %dma_start3A_238 = arith.constant 128 : i32
    %dma_start3A_239 = tpu.memref_slice %arg5[%dma_start3A_232, %dma_start3A_238] : memref<16x200xi32, #tpu.memory_space<vmem>> -> memref<1x72xi32, #tpu.memory_space<vmem>>
    %dma_start3A_240 = tpu.memref_squeeze %dma_start3A_239 : memref<1x72xi32, #tpu.memory_space<vmem>> -> memref<72xi32, #tpu.memory_space<vmem>>
    %dma_start3A_241 = arith.constant 0 : i32
    %dma_start3A_242 = arith.constant 0 : i32
    %dma_start3A_243 = tpu.memref_slice %arg3[%dma_start3A_241, %dma_start3A_242] : memref<1000000x32xf32, #tpu.memory_space<hbm>> -> memref<1000000x32xf32, #tpu.memory_space<hbm>>
    tpu.enqueue_indirect_dma source(%dma_start3A_243 : memref<1000000x32xf32, #tpu.memory_space<hbm>>) target(%dma_start3A_237 : memref<72x32xf32, #tpu.memory_space<vmem>>) offsets(%dma_start3A_240 : memref<72xi32, #tpu.memory_space<vmem>>) semaphore(%arg9 : memref<!tpu.dma_semaphore, #tpu.memory_space<semaphore_mem>>)
    %dma_start3A_244 = arith.constant 10 : i32
    %dma_start3A_245 = arith.constant 2 : i32
    %dma_start3A_246 = arith.constant 0 : i32
    %dma_start3A_247 = arith.constant 0 : i32
    %dma_start3A_248 = tpu.memref_slice %arg7[%dma_start3A_245, %dma_start3A_246, %dma_start3A_247] : memref<8x200x32xf32, #tpu.memory_space<vmem>> -> memref<1x128x32xf32, #tpu.memory_space<vmem>>
    %dma_start3A_249 = tpu.memref_squeeze %dma_start3A_248 : memref<1x128x32xf32, #tpu.memory_space<vmem>> -> memref<128x32xf32, #tpu.memory_space<vmem>>
    %dma_start3A_250 = arith.constant 0 : i32
    %dma_start3A_251 = tpu.memref_slice %arg5[%dma_start3A_244, %dma_start3A_250] : memref<16x200xi32, #tpu.memory_space<vmem>> -> memref<1x128xi32, #tpu.memory_space<vmem>>
    %dma_start3A_252 = tpu.memref_squeeze %dma_start3A_251 : memref<1x128xi32, #tpu.memory_space<vmem>> -> memref<128xi32, #tpu.memory_space<vmem>>
    %dma_start3A_253 = arith.constant 0 : i32
    %dma_start3A_254 = arith.constant 0 : i32
    %dma_start3A_255 = tpu.memref_slice %arg3[%dma_start3A_253, %dma_start3A_254] : memref<1000000x32xf32, #tpu.memory_space<hbm>> -> memref<1000000x32xf32, #tpu.memory_space<hbm>>
    tpu.enqueue_indirect_dma source(%dma_start3A_255 : memref<1000000x32xf32, #tpu.memory_space<hbm>>) target(%dma_start3A_249 : memref<128x32xf32, #tpu.memory_space<vmem>>) offsets(%dma_start3A_252 : memref<128xi32, #tpu.memory_space<vmem>>) semaphore(%arg9 : memref<!tpu.dma_semaphore, #tpu.memory_space<semaphore_mem>>)
    %dma_start3A_256 = arith.constant 10 : i32
    %dma_start3A_257 = arith.constant 2 : i32
    %dma_start3A_258 = arith.constant 128 : i32
    %dma_start3A_259 = arith.constant 0 : i32
    %dma_start3A_260 = tpu.memref_slice %arg7[%dma_start3A_257, %dma_start3A_258, %dma_start3A_259] : memref<8x200x32xf32, #tpu.memory_space<vmem>> -> memref<1x72x32xf32, #tpu.memory_space<vmem>>
    %dma_start3A_261 = tpu.memref_squeeze %dma_start3A_260 : memref<1x72x32xf32, #tpu.memory_space<vmem>> -> memref<72x32xf32, #tpu.memory_space<vmem>>
    %dma_start3A_262 = arith.constant 128 : i32
    %dma_start3A_263 = tpu.memref_slice %arg5[%dma_start3A_256, %dma_start3A_262] : memref<16x200xi32, #tpu.memory_space<vmem>> -> memref<1x72xi32, #tpu.memory_space<vmem>>
    %dma_start3A_264 = tpu.memref_squeeze %dma_start3A_263 : memref<1x72xi32, #tpu.memory_space<vmem>> -> memref<72xi32, #tpu.memory_space<vmem>>
    %dma_start3A_265 = arith.constant 0 : i32
    %dma_start3A_266 = arith.constant 0 : i32
    %dma_start3A_267 = tpu.memref_slice %arg3[%dma_start3A_265, %dma_start3A_266] : memref<1000000x32xf32, #tpu.memory_space<hbm>> -> memref<1000000x32xf32, #tpu.memory_space<hbm>>
    tpu.enqueue_indirect_dma source(%dma_start3A_267 : memref<1000000x32xf32, #tpu.memory_space<hbm>>) target(%dma_start3A_261 : memref<72x32xf32, #tpu.memory_space<vmem>>) offsets(%dma_start3A_264 : memref<72xi32, #tpu.memory_space<vmem>>) semaphore(%arg9 : memref<!tpu.dma_semaphore, #tpu.memory_space<semaphore_mem>>)
    %dma_start3A_268 = arith.constant 11 : i32
    %dma_start3A_269 = arith.constant 3 : i32
    %dma_start3A_270 = arith.constant 0 : i32
    %dma_start3A_271 = arith.constant 0 : i32
    %dma_start3A_272 = tpu.memref_slice %arg7[%dma_start3A_269, %dma_start3A_270, %dma_start3A_271] : memref<8x200x32xf32, #tpu.memory_space<vmem>> -> memref<1x128x32xf32, #tpu.memory_space<vmem>>
    %dma_start3A_273 = tpu.memref_squeeze %dma_start3A_272 : memref<1x128x32xf32, #tpu.memory_space<vmem>> -> memref<128x32xf32, #tpu.memory_space<vmem>>
    %dma_start3A_274 = arith.constant 0 : i32
    %dma_start3A_275 = tpu.memref_slice %arg5[%dma_start3A_268, %dma_start3A_274] : memref<16x200xi32, #tpu.memory_space<vmem>> -> memref<1x128xi32, #tpu.memory_space<vmem>>
    %dma_start3A_276 = tpu.memref_squeeze %dma_start3A_275 : memref<1x128xi32, #tpu.memory_space<vmem>> -> memref<128xi32, #tpu.memory_space<vmem>>
    %dma_start3A_277 = arith.constant 0 : i32
    %dma_start3A_278 = arith.constant 0 : i32
    %dma_start3A_279 = tpu.memref_slice %arg3[%dma_start3A_277, %dma_start3A_278] : memref<1000000x32xf32, #tpu.memory_space<hbm>> -> memref<1000000x32xf32, #tpu.memory_space<hbm>>
    tpu.enqueue_indirect_dma source(%dma_start3A_279 : memref<1000000x32xf32, #tpu.memory_space<hbm>>) target(%dma_start3A_273 : memref<128x32xf32, #tpu.memory_space<vmem>>) offsets(%dma_start3A_276 : memref<128xi32, #tpu.memory_space<vmem>>) semaphore(%arg9 : memref<!tpu.dma_semaphore, #tpu.memory_space<semaphore_mem>>)
    %dma_start3A_280 = arith.constant 11 : i32
    %dma_start3A_281 = arith.constant 3 : i32
    %dma_start3A_282 = arith.constant 128 : i32
    %dma_start3A_283 = arith.constant 0 : i32
    %dma_start3A_284 = tpu.memref_slice %arg7[%dma_start3A_281, %dma_start3A_282, %dma_start3A_283] : memref<8x200x32xf32, #tpu.memory_space<vmem>> -> memref<1x72x32xf32, #tpu.memory_space<vmem>>
    %dma_start3A_285 = tpu.memref_squeeze %dma_start3A_284 : memref<1x72x32xf32, #tpu.memory_space<vmem>> -> memref<72x32xf32, #tpu.memory_space<vmem>>
    %dma_start3A_286 = arith.constant 128 : i32
    %dma_start3A_287 = tpu.memref_slice %arg5[%dma_start3A_280, %dma_start3A_286] : memref<16x200xi32, #tpu.memory_space<vmem>> -> memref<1x72xi32, #tpu.memory_space<vmem>>
    %dma_start3A_288 = tpu.memref_squeeze %dma_start3A_287 : memref<1x72xi32, #tpu.memory_space<vmem>> -> memref<72xi32, #tpu.memory_space<vmem>>
    %dma_start3A_289 = arith.constant 0 : i32
    %dma_start3A_290 = arith.constant 0 : i32
    %dma_start3A_291 = tpu.memref_slice %arg3[%dma_start3A_289, %dma_start3A_290] : memref<1000000x32xf32, #tpu.memory_space<hbm>> -> memref<1000000x32xf32, #tpu.memory_space<hbm>>
    tpu.enqueue_indirect_dma source(%dma_start3A_291 : memref<1000000x32xf32, #tpu.memory_space<hbm>>) target(%dma_start3A_285 : memref<72x32xf32, #tpu.memory_space<vmem>>) offsets(%dma_start3A_288 : memref<72xi32, #tpu.memory_space<vmem>>) semaphore(%arg9 : memref<!tpu.dma_semaphore, #tpu.memory_space<semaphore_mem>>)
    %dma_start3A_292 = arith.constant 12 : i32
    %dma_start3A_293 = arith.constant 4 : i32
    %dma_start3A_294 = arith.constant 0 : i32
    %dma_start3A_295 = arith.constant 0 : i32
    %dma_start3A_296 = tpu.memref_slice %arg7[%dma_start3A_293, %dma_start3A_294, %dma_start3A_295] : memref<8x200x32xf32, #tpu.memory_space<vmem>> -> memref<1x128x32xf32, #tpu.memory_space<vmem>>
    %dma_start3A_297 = tpu.memref_squeeze %dma_start3A_296 : memref<1x128x32xf32, #tpu.memory_space<vmem>> -> memref<128x32xf32, #tpu.memory_space<vmem>>
    %dma_start3A_298 = arith.constant 0 : i32
    %dma_start3A_299 = tpu.memref_slice %arg5[%dma_start3A_292, %dma_start3A_298] : memref<16x200xi32, #tpu.memory_space<vmem>> -> memref<1x128xi32, #tpu.memory_space<vmem>>
    %dma_start3A_300 = tpu.memref_squeeze %dma_start3A_299 : memref<1x128xi32, #tpu.memory_space<vmem>> -> memref<128xi32, #tpu.memory_space<vmem>>
    %dma_start3A_301 = arith.constant 0 : i32
    %dma_start3A_302 = arith.constant 0 : i32
    %dma_start3A_303 = tpu.memref_slice %arg3[%dma_start3A_301, %dma_start3A_302] : memref<1000000x32xf32, #tpu.memory_space<hbm>> -> memref<1000000x32xf32, #tpu.memory_space<hbm>>
    tpu.enqueue_indirect_dma source(%dma_start3A_303 : memref<1000000x32xf32, #tpu.memory_space<hbm>>) target(%dma_start3A_297 : memref<128x32xf32, #tpu.memory_space<vmem>>) offsets(%dma_start3A_300 : memref<128xi32, #tpu.memory_space<vmem>>) semaphore(%arg9 : memref<!tpu.dma_semaphore, #tpu.memory_space<semaphore_mem>>)
    %dma_start3A_304 = arith.constant 12 : i32
    %dma_start3A_305 = arith.constant 4 : i32
    %dma_start3A_306 = arith.constant 128 : i32
    %dma_start3A_307 = arith.constant 0 : i32
    %dma_start3A_308 = tpu.memref_slice %arg7[%dma_start3A_305, %dma_start3A_306, %dma_start3A_307] : memref<8x200x32xf32, #tpu.memory_space<vmem>> -> memref<1x72x32xf32, #tpu.memory_space<vmem>>
    %dma_start3A_309 = tpu.memref_squeeze %dma_start3A_308 : memref<1x72x32xf32, #tpu.memory_space<vmem>> -> memref<72x32xf32, #tpu.memory_space<vmem>>
    %dma_start3A_310 = arith.constant 128 : i32
    %dma_start3A_311 = tpu.memref_slice %arg5[%dma_start3A_304, %dma_start3A_310] : memref<16x200xi32, #tpu.memory_space<vmem>> -> memref<1x72xi32, #tpu.memory_space<vmem>>
    %dma_start3A_312 = tpu.memref_squeeze %dma_start3A_311 : memref<1x72xi32, #tpu.memory_space<vmem>> -> memref<72xi32, #tpu.memory_space<vmem>>
    %dma_start3A_313 = arith.constant 0 : i32
    %dma_start3A_314 = arith.constant 0 : i32
    %dma_start3A_315 = tpu.memref_slice %arg3[%dma_start3A_313, %dma_start3A_314] : memref<1000000x32xf32, #tpu.memory_space<hbm>> -> memref<1000000x32xf32, #tpu.memory_space<hbm>>
    tpu.enqueue_indirect_dma source(%dma_start3A_315 : memref<1000000x32xf32, #tpu.memory_space<hbm>>) target(%dma_start3A_309 : memref<72x32xf32, #tpu.memory_space<vmem>>) offsets(%dma_start3A_312 : memref<72xi32, #tpu.memory_space<vmem>>) semaphore(%arg9 : memref<!tpu.dma_semaphore, #tpu.memory_space<semaphore_mem>>)
    %dma_start3A_316 = arith.constant 13 : i32
    %dma_start3A_317 = arith.constant 5 : i32
    %dma_start3A_318 = arith.constant 0 : i32
    %dma_start3A_319 = arith.constant 0 : i32
    %dma_start3A_320 = tpu.memref_slice %arg7[%dma_start3A_317, %dma_start3A_318, %dma_start3A_319] : memref<8x200x32xf32, #tpu.memory_space<vmem>> -> memref<1x128x32xf32, #tpu.memory_space<vmem>>
    %dma_start3A_321 = tpu.memref_squeeze %dma_start3A_320 : memref<1x128x32xf32, #tpu.memory_space<vmem>> -> memref<128x32xf32, #tpu.memory_space<vmem>>
    %dma_start3A_322 = arith.constant 0 : i32
    %dma_start3A_323 = tpu.memref_slice %arg5[%dma_start3A_316, %dma_start3A_322] : memref<16x200xi32, #tpu.memory_space<vmem>> -> memref<1x128xi32, #tpu.memory_space<vmem>>
    %dma_start3A_324 = tpu.memref_squeeze %dma_start3A_323 : memref<1x128xi32, #tpu.memory_space<vmem>> -> memref<128xi32, #tpu.memory_space<vmem>>
    %dma_start3A_325 = arith.constant 0 : i32
    %dma_start3A_326 = arith.constant 0 : i32
    %dma_start3A_327 = tpu.memref_slice %arg3[%dma_start3A_325, %dma_start3A_326] : memref<1000000x32xf32, #tpu.memory_space<hbm>> -> memref<1000000x32xf32, #tpu.memory_space<hbm>>
    tpu.enqueue_indirect_dma source(%dma_start3A_327 : memref<1000000x32xf32, #tpu.memory_space<hbm>>) target(%dma_start3A_321 : memref<128x32xf32, #tpu.memory_space<vmem>>) offsets(%dma_start3A_324 : memref<128xi32, #tpu.memory_space<vmem>>) semaphore(%arg9 : memref<!tpu.dma_semaphore, #tpu.memory_space<semaphore_mem>>)
    %dma_start3A_328 = arith.constant 13 : i32
    %dma_start3A_329 = arith.constant 5 : i32
    %dma_start3A_330 = arith.constant 128 : i32
    %dma_start3A_331 = arith.constant 0 : i32
    %dma_start3A_332 = tpu.memref_slice %arg7[%dma_start3A_329, %dma_start3A_330, %dma_start3A_331] : memref<8x200x32xf32, #tpu.memory_space<vmem>> -> memref<1x72x32xf32, #tpu.memory_space<vmem>>
    %dma_start3A_333 = tpu.memref_squeeze %dma_start3A_332 : memref<1x72x32xf32, #tpu.memory_space<vmem>> -> memref<72x32xf32, #tpu.memory_space<vmem>>
    %dma_start3A_334 = arith.constant 128 : i32
    %dma_start3A_335 = tpu.memref_slice %arg5[%dma_start3A_328, %dma_start3A_334] : memref<16x200xi32, #tpu.memory_space<vmem>> -> memref<1x72xi32, #tpu.memory_space<vmem>>
    %dma_start3A_336 = tpu.memref_squeeze %dma_start3A_335 : memref<1x72xi32, #tpu.memory_space<vmem>> -> memref<72xi32, #tpu.memory_space<vmem>>
    %dma_start3A_337 = arith.constant 0 : i32
    %dma_start3A_338 = arith.constant 0 : i32
    %dma_start3A_339 = tpu.memref_slice %arg3[%dma_start3A_337, %dma_start3A_338] : memref<1000000x32xf32, #tpu.memory_space<hbm>> -> memref<1000000x32xf32, #tpu.memory_space<hbm>>
    tpu.enqueue_indirect_dma source(%dma_start3A_339 : memref<1000000x32xf32, #tpu.memory_space<hbm>>) target(%dma_start3A_333 : memref<72x32xf32, #tpu.memory_space<vmem>>) offsets(%dma_start3A_336 : memref<72xi32, #tpu.memory_space<vmem>>) semaphore(%arg9 : memref<!tpu.dma_semaphore, #tpu.memory_space<semaphore_mem>>)
    %dma_start3A_340 = arith.constant 14 : i32
    %dma_start3A_341 = arith.constant 6 : i32
    %dma_start3A_342 = arith.constant 0 : i32
    %dma_start3A_343 = arith.constant 0 : i32
    %dma_start3A_344 = tpu.memref_slice %arg7[%dma_start3A_341, %dma_start3A_342, %dma_start3A_343] : memref<8x200x32xf32, #tpu.memory_space<vmem>> -> memref<1x128x32xf32, #tpu.memory_space<vmem>>
    %dma_start3A_345 = tpu.memref_squeeze %dma_start3A_344 : memref<1x128x32xf32, #tpu.memory_space<vmem>> -> memref<128x32xf32, #tpu.memory_space<vmem>>
    %dma_start3A_346 = arith.constant 0 : i32
    %dma_start3A_347 = tpu.memref_slice %arg5[%dma_start3A_340, %dma_start3A_346] : memref<16x200xi32, #tpu.memory_space<vmem>> -> memref<1x128xi32, #tpu.memory_space<vmem>>
    %dma_start3A_348 = tpu.memref_squeeze %dma_start3A_347 : memref<1x128xi32, #tpu.memory_space<vmem>> -> memref<128xi32, #tpu.memory_space<vmem>>
    %dma_start3A_349 = arith.constant 0 : i32
    %dma_start3A_350 = arith.constant 0 : i32
    %dma_start3A_351 = tpu.memref_slice %arg3[%dma_start3A_349, %dma_start3A_350] : memref<1000000x32xf32, #tpu.memory_space<hbm>> -> memref<1000000x32xf32, #tpu.memory_space<hbm>>
    tpu.enqueue_indirect_dma source(%dma_start3A_351 : memref<1000000x32xf32, #tpu.memory_space<hbm>>) target(%dma_start3A_345 : memref<128x32xf32, #tpu.memory_space<vmem>>) offsets(%dma_start3A_348 : memref<128xi32, #tpu.memory_space<vmem>>) semaphore(%arg9 : memref<!tpu.dma_semaphore, #tpu.memory_space<semaphore_mem>>)
    %dma_start3A_352 = arith.constant 14 : i32
    %dma_start3A_353 = arith.constant 6 : i32
    %dma_start3A_354 = arith.constant 128 : i32
    %dma_start3A_355 = arith.constant 0 : i32
    %dma_start3A_356 = tpu.memref_slice %arg7[%dma_start3A_353, %dma_start3A_354, %dma_start3A_355] : memref<8x200x32xf32, #tpu.memory_space<vmem>> -> memref<1x72x32xf32, #tpu.memory_space<vmem>>
    %dma_start3A_357 = tpu.memref_squeeze %dma_start3A_356 : memref<1x72x32xf32, #tpu.memory_space<vmem>> -> memref<72x32xf32, #tpu.memory_space<vmem>>
    %dma_start3A_358 = arith.constant 128 : i32
    %dma_start3A_359 = tpu.memref_slice %arg5[%dma_start3A_352, %dma_start3A_358] : memref<16x200xi32, #tpu.memory_space<vmem>> -> memref<1x72xi32, #tpu.memory_space<vmem>>
    %dma_start3A_360 = tpu.memref_squeeze %dma_start3A_359 : memref<1x72xi32, #tpu.memory_space<vmem>> -> memref<72xi32, #tpu.memory_space<vmem>>
    %dma_start3A_361 = arith.constant 0 : i32
    %dma_start3A_362 = arith.constant 0 : i32
    %dma_start3A_363 = tpu.memref_slice %arg3[%dma_start3A_361, %dma_start3A_362] : memref<1000000x32xf32, #tpu.memory_space<hbm>> -> memref<1000000x32xf32, #tpu.memory_space<hbm>>
    tpu.enqueue_indirect_dma source(%dma_start3A_363 : memref<1000000x32xf32, #tpu.memory_space<hbm>>) target(%dma_start3A_357 : memref<72x32xf32, #tpu.memory_space<vmem>>) offsets(%dma_start3A_360 : memref<72xi32, #tpu.memory_space<vmem>>) semaphore(%arg9 : memref<!tpu.dma_semaphore, #tpu.memory_space<semaphore_mem>>)
    %dma_start3A_364 = arith.constant 15 : i32
    %dma_start3A_365 = arith.constant 7 : i32
    %dma_start3A_366 = arith.constant 0 : i32
    %dma_start3A_367 = arith.constant 0 : i32
    %dma_start3A_368 = tpu.memref_slice %arg7[%dma_start3A_365, %dma_start3A_366, %dma_start3A_367] : memref<8x200x32xf32, #tpu.memory_space<vmem>> -> memref<1x128x32xf32, #tpu.memory_space<vmem>>
    %dma_start3A_369 = tpu.memref_squeeze %dma_start3A_368 : memref<1x128x32xf32, #tpu.memory_space<vmem>> -> memref<128x32xf32, #tpu.memory_space<vmem>>
    %dma_start3A_370 = arith.constant 0 : i32
    %dma_start3A_371 = tpu.memref_slice %arg5[%dma_start3A_364, %dma_start3A_370] : memref<16x200xi32, #tpu.memory_space<vmem>> -> memref<1x128xi32, #tpu.memory_space<vmem>>
    %dma_start3A_372 = tpu.memref_squeeze %dma_start3A_371 : memref<1x128xi32, #tpu.memory_space<vmem>> -> memref<128xi32, #tpu.memory_space<vmem>>
    %dma_start3A_373 = arith.constant 0 : i32
    %dma_start3A_374 = arith.constant 0 : i32
    %dma_start3A_375 = tpu.memref_slice %arg3[%dma_start3A_373, %dma_start3A_374] : memref<1000000x32xf32, #tpu.memory_space<hbm>> -> memref<1000000x32xf32, #tpu.memory_space<hbm>>
    tpu.enqueue_indirect_dma source(%dma_start3A_375 : memref<1000000x32xf32, #tpu.memory_space<hbm>>) target(%dma_start3A_369 : memref<128x32xf32, #tpu.memory_space<vmem>>) offsets(%dma_start3A_372 : memref<128xi32, #tpu.memory_space<vmem>>) semaphore(%arg9 : memref<!tpu.dma_semaphore, #tpu.memory_space<semaphore_mem>>)
    %dma_start3A_376 = arith.constant 15 : i32
    %dma_start3A_377 = arith.constant 7 : i32
    %dma_start3A_378 = arith.constant 128 : i32
    %dma_start3A_379 = arith.constant 0 : i32
    %dma_start3A_380 = tpu.memref_slice %arg7[%dma_start3A_377, %dma_start3A_378, %dma_start3A_379] : memref<8x200x32xf32, #tpu.memory_space<vmem>> -> memref<1x72x32xf32, #tpu.memory_space<vmem>>
    %dma_start3A_381 = tpu.memref_squeeze %dma_start3A_380 : memref<1x72x32xf32, #tpu.memory_space<vmem>> -> memref<72x32xf32, #tpu.memory_space<vmem>>
    %dma_start3A_382 = arith.constant 128 : i32
    %dma_start3A_383 = tpu.memref_slice %arg5[%dma_start3A_376, %dma_start3A_382] : memref<16x200xi32, #tpu.memory_space<vmem>> -> memref<1x72xi32, #tpu.memory_space<vmem>>
    %dma_start3A_384 = tpu.memref_squeeze %dma_start3A_383 : memref<1x72xi32, #tpu.memory_space<vmem>> -> memref<72xi32, #tpu.memory_space<vmem>>
    %dma_start3A_385 = arith.constant 0 : i32
    %dma_start3A_386 = arith.constant 0 : i32
    %dma_start3A_387 = tpu.memref_slice %arg3[%dma_start3A_385, %dma_start3A_386] : memref<1000000x32xf32, #tpu.memory_space<hbm>> -> memref<1000000x32xf32, #tpu.memory_space<hbm>>
    tpu.enqueue_indirect_dma source(%dma_start3A_387 : memref<1000000x32xf32, #tpu.memory_space<hbm>>) target(%dma_start3A_381 : memref<72x32xf32, #tpu.memory_space<vmem>>) offsets(%dma_start3A_384 : memref<72xi32, #tpu.memory_space<vmem>>) semaphore(%arg9 : memref<!tpu.dma_semaphore, #tpu.memory_space<semaphore_mem>>)
    %dma_wait3A = arith.constant 0 : i32
    %dma_wait3A_388 = arith.constant 0 : i32
    %dma_wait3A_389 = arith.constant 0 : i32
    %dma_wait3A_390 = arith.constant 0 : i32
    %dma_wait3A_391 = tpu.memref_slice %arg6[%dma_wait3A_388, %dma_wait3A_389, %dma_wait3A_390] : memref<8x200x32xf32, #tpu.memory_space<vmem>> -> memref<1x128x32xf32, #tpu.memory_space<vmem>>
    %dma_wait3A_392 = tpu.memref_squeeze %dma_wait3A_391 : memref<1x128x32xf32, #tpu.memory_space<vmem>> -> memref<128x32xf32, #tpu.memory_space<vmem>>
    %dma_wait3A_393 = arith.constant 0 : i32
    %dma_wait3A_394 = tpu.memref_slice %arg5[%dma_wait3A, %dma_wait3A_393] : memref<16x200xi32, #tpu.memory_space<vmem>> -> memref<1x128xi32, #tpu.memory_space<vmem>>
    %dma_wait3A_395 = tpu.memref_squeeze %dma_wait3A_394 : memref<1x128xi32, #tpu.memory_space<vmem>> -> memref<128xi32, #tpu.memory_space<vmem>>
    %dma_wait3A_396 = arith.constant 0 : i32
    %dma_wait3A_397 = arith.constant 0 : i32
    %dma_wait3A_398 = tpu.memref_slice %arg3[%dma_wait3A_396, %dma_wait3A_397] : memref<1000000x32xf32, #tpu.memory_space<hbm>> -> memref<1000000x32xf32, #tpu.memory_space<hbm>>
    tpu.wait_indirect_dma semaphore(%arg8 : memref<!tpu.dma_semaphore, #tpu.memory_space<semaphore_mem>>) src(%dma_wait3A_398 : memref<1000000x32xf32, #tpu.memory_space<hbm>>) dst(%dma_wait3A_392 : memref<128x32xf32, #tpu.memory_space<vmem>>)
    %dma_wait3A_399 = arith.constant 0 : i32
    %dma_wait3A_400 = arith.constant 0 : i32
    %dma_wait3A_401 = arith.constant 128 : i32
    %dma_wait3A_402 = arith.constant 0 : i32
    %dma_wait3A_403 = tpu.memref_slice %arg6[%dma_wait3A_400, %dma_wait3A_401, %dma_wait3A_402] : memref<8x200x32xf32, #tpu.memory_space<vmem>> -> memref<1x72x32xf32, #tpu.memory_space<vmem>>
    %dma_wait3A_404 = tpu.memref_squeeze %dma_wait3A_403 : memref<1x72x32xf32, #tpu.memory_space<vmem>> -> memref<72x32xf32, #tpu.memory_space<vmem>>
    %dma_wait3A_405 = arith.constant 128 : i32
    %dma_wait3A_406 = tpu.memref_slice %arg5[%dma_wait3A_399, %dma_wait3A_405] : memref<16x200xi32, #tpu.memory_space<vmem>> -> memref<1x72xi32, #tpu.memory_space<vmem>>
    %dma_wait3A_407 = tpu.memref_squeeze %dma_wait3A_406 : memref<1x72xi32, #tpu.memory_space<vmem>> -> memref<72xi32, #tpu.memory_space<vmem>>
    %dma_wait3A_408 = arith.constant 0 : i32
    %dma_wait3A_409 = arith.constant 0 : i32
    %dma_wait3A_410 = tpu.memref_slice %arg3[%dma_wait3A_408, %dma_wait3A_409] : memref<1000000x32xf32, #tpu.memory_space<hbm>> -> memref<1000000x32xf32, #tpu.memory_space<hbm>>
    tpu.wait_indirect_dma semaphore(%arg8 : memref<!tpu.dma_semaphore, #tpu.memory_space<semaphore_mem>>) src(%dma_wait3A_410 : memref<1000000x32xf32, #tpu.memory_space<hbm>>) dst(%dma_wait3A_404 : memref<72x32xf32, #tpu.memory_space<vmem>>)
    %dma_wait3A_411 = arith.constant 1 : i32
    %dma_wait3A_412 = arith.constant 1 : i32
    %dma_wait3A_413 = arith.constant 0 : i32
    %dma_wait3A_414 = arith.constant 0 : i32
    %dma_wait3A_415 = tpu.memref_slice %arg6[%dma_wait3A_412, %dma_wait3A_413, %dma_wait3A_414] : memref<8x200x32xf32, #tpu.memory_space<vmem>> -> memref<1x128x32xf32, #tpu.memory_space<vmem>>
    %dma_wait3A_416 = tpu.memref_squeeze %dma_wait3A_415 : memref<1x128x32xf32, #tpu.memory_space<vmem>> -> memref<128x32xf32, #tpu.memory_space<vmem>>
    %dma_wait3A_417 = arith.constant 0 : i32
    %dma_wait3A_418 = tpu.memref_slice %arg5[%dma_wait3A_411, %dma_wait3A_417] : memref<16x200xi32, #tpu.memory_space<vmem>> -> memref<1x128xi32, #tpu.memory_space<vmem>>
    %dma_wait3A_419 = tpu.memref_squeeze %dma_wait3A_418 : memref<1x128xi32, #tpu.memory_space<vmem>> -> memref<128xi32, #tpu.memory_space<vmem>>
    %dma_wait3A_420 = arith.constant 0 : i32
    %dma_wait3A_421 = arith.constant 0 : i32
    %dma_wait3A_422 = tpu.memref_slice %arg3[%dma_wait3A_420, %dma_wait3A_421] : memref<1000000x32xf32, #tpu.memory_space<hbm>> -> memref<1000000x32xf32, #tpu.memory_space<hbm>>
    tpu.wait_indirect_dma semaphore(%arg8 : memref<!tpu.dma_semaphore, #tpu.memory_space<semaphore_mem>>) src(%dma_wait3A_422 : memref<1000000x32xf32, #tpu.memory_space<hbm>>) dst(%dma_wait3A_416 : memref<128x32xf32, #tpu.memory_space<vmem>>)
    %dma_wait3A_423 = arith.constant 1 : i32
    %dma_wait3A_424 = arith.constant 1 : i32
    %dma_wait3A_425 = arith.constant 128 : i32
    %dma_wait3A_426 = arith.constant 0 : i32
    %dma_wait3A_427 = tpu.memref_slice %arg6[%dma_wait3A_424, %dma_wait3A_425, %dma_wait3A_426] : memref<8x200x32xf32, #tpu.memory_space<vmem>> -> memref<1x72x32xf32, #tpu.memory_space<vmem>>
    %dma_wait3A_428 = tpu.memref_squeeze %dma_wait3A_427 : memref<1x72x32xf32, #tpu.memory_space<vmem>> -> memref<72x32xf32, #tpu.memory_space<vmem>>
    %dma_wait3A_429 = arith.constant 128 : i32
    %dma_wait3A_430 = tpu.memref_slice %arg5[%dma_wait3A_423, %dma_wait3A_429] : memref<16x200xi32, #tpu.memory_space<vmem>> -> memref<1x72xi32, #tpu.memory_space<vmem>>
    %dma_wait3A_431 = tpu.memref_squeeze %dma_wait3A_430 : memref<1x72xi32, #tpu.memory_space<vmem>> -> memref<72xi32, #tpu.memory_space<vmem>>
    %dma_wait3A_432 = arith.constant 0 : i32
    %dma_wait3A_433 = arith.constant 0 : i32
    %dma_wait3A_434 = tpu.memref_slice %arg3[%dma_wait3A_432, %dma_wait3A_433] : memref<1000000x32xf32, #tpu.memory_space<hbm>> -> memref<1000000x32xf32, #tpu.memory_space<hbm>>
    tpu.wait_indirect_dma semaphore(%arg8 : memref<!tpu.dma_semaphore, #tpu.memory_space<semaphore_mem>>) src(%dma_wait3A_434 : memref<1000000x32xf32, #tpu.memory_space<hbm>>) dst(%dma_wait3A_428 : memref<72x32xf32, #tpu.memory_space<vmem>>)
    %dma_wait3A_435 = arith.constant 2 : i32
    %dma_wait3A_436 = arith.constant 2 : i32
    %dma_wait3A_437 = arith.constant 0 : i32
    %dma_wait3A_438 = arith.constant 0 : i32
    %dma_wait3A_439 = tpu.memref_slice %arg6[%dma_wait3A_436, %dma_wait3A_437, %dma_wait3A_438] : memref<8x200x32xf32, #tpu.memory_space<vmem>> -> memref<1x128x32xf32, #tpu.memory_space<vmem>>
    %dma_wait3A_440 = tpu.memref_squeeze %dma_wait3A_439 : memref<1x128x32xf32, #tpu.memory_space<vmem>> -> memref<128x32xf32, #tpu.memory_space<vmem>>
    %dma_wait3A_441 = arith.constant 0 : i32
    %dma_wait3A_442 = tpu.memref_slice %arg5[%dma_wait3A_435, %dma_wait3A_441] : memref<16x200xi32, #tpu.memory_space<vmem>> -> memref<1x128xi32, #tpu.memory_space<vmem>>
    %dma_wait3A_443 = tpu.memref_squeeze %dma_wait3A_442 : memref<1x128xi32, #tpu.memory_space<vmem>> -> memref<128xi32, #tpu.memory_space<vmem>>
    %dma_wait3A_444 = arith.constant 0 : i32
    %dma_wait3A_445 = arith.constant 0 : i32
    %dma_wait3A_446 = tpu.memref_slice %arg3[%dma_wait3A_444, %dma_wait3A_445] : memref<1000000x32xf32, #tpu.memory_space<hbm>> -> memref<1000000x32xf32, #tpu.memory_space<hbm>>
    tpu.wait_indirect_dma semaphore(%arg8 : memref<!tpu.dma_semaphore, #tpu.memory_space<semaphore_mem>>) src(%dma_wait3A_446 : memref<1000000x32xf32, #tpu.memory_space<hbm>>) dst(%dma_wait3A_440 : memref<128x32xf32, #tpu.memory_space<vmem>>)
    %dma_wait3A_447 = arith.constant 2 : i32
    %dma_wait3A_448 = arith.constant 2 : i32
    %dma_wait3A_449 = arith.constant 128 : i32
    %dma_wait3A_450 = arith.constant 0 : i32
    %dma_wait3A_451 = tpu.memref_slice %arg6[%dma_wait3A_448, %dma_wait3A_449, %dma_wait3A_450] : memref<8x200x32xf32, #tpu.memory_space<vmem>> -> memref<1x72x32xf32, #tpu.memory_space<vmem>>
    %dma_wait3A_452 = tpu.memref_squeeze %dma_wait3A_451 : memref<1x72x32xf32, #tpu.memory_space<vmem>> -> memref<72x32xf32, #tpu.memory_space<vmem>>
    %dma_wait3A_453 = arith.constant 128 : i32
    %dma_wait3A_454 = tpu.memref_slice %arg5[%dma_wait3A_447, %dma_wait3A_453] : memref<16x200xi32, #tpu.memory_space<vmem>> -> memref<1x72xi32, #tpu.memory_space<vmem>>
    %dma_wait3A_455 = tpu.memref_squeeze %dma_wait3A_454 : memref<1x72xi32, #tpu.memory_space<vmem>> -> memref<72xi32, #tpu.memory_space<vmem>>
    %dma_wait3A_456 = arith.constant 0 : i32
    %dma_wait3A_457 = arith.constant 0 : i32
    %dma_wait3A_458 = tpu.memref_slice %arg3[%dma_wait3A_456, %dma_wait3A_457] : memref<1000000x32xf32, #tpu.memory_space<hbm>> -> memref<1000000x32xf32, #tpu.memory_space<hbm>>
    tpu.wait_indirect_dma semaphore(%arg8 : memref<!tpu.dma_semaphore, #tpu.memory_space<semaphore_mem>>) src(%dma_wait3A_458 : memref<1000000x32xf32, #tpu.memory_space<hbm>>) dst(%dma_wait3A_452 : memref<72x32xf32, #tpu.memory_space<vmem>>)
    %dma_wait3A_459 = arith.constant 3 : i32
    %dma_wait3A_460 = arith.constant 3 : i32
    %dma_wait3A_461 = arith.constant 0 : i32
    %dma_wait3A_462 = arith.constant 0 : i32
    %dma_wait3A_463 = tpu.memref_slice %arg6[%dma_wait3A_460, %dma_wait3A_461, %dma_wait3A_462] : memref<8x200x32xf32, #tpu.memory_space<vmem>> -> memref<1x128x32xf32, #tpu.memory_space<vmem>>
    %dma_wait3A_464 = tpu.memref_squeeze %dma_wait3A_463 : memref<1x128x32xf32, #tpu.memory_space<vmem>> -> memref<128x32xf32, #tpu.memory_space<vmem>>
    %dma_wait3A_465 = arith.constant 0 : i32
    %dma_wait3A_466 = tpu.memref_slice %arg5[%dma_wait3A_459, %dma_wait3A_465] : memref<16x200xi32, #tpu.memory_space<vmem>> -> memref<1x128xi32, #tpu.memory_space<vmem>>
    %dma_wait3A_467 = tpu.memref_squeeze %dma_wait3A_466 : memref<1x128xi32, #tpu.memory_space<vmem>> -> memref<128xi32, #tpu.memory_space<vmem>>
    %dma_wait3A_468 = arith.constant 0 : i32
    %dma_wait3A_469 = arith.constant 0 : i32
    %dma_wait3A_470 = tpu.memref_slice %arg3[%dma_wait3A_468, %dma_wait3A_469] : memref<1000000x32xf32, #tpu.memory_space<hbm>> -> memref<1000000x32xf32, #tpu.memory_space<hbm>>
    tpu.wait_indirect_dma semaphore(%arg8 : memref<!tpu.dma_semaphore, #tpu.memory_space<semaphore_mem>>) src(%dma_wait3A_470 : memref<1000000x32xf32, #tpu.memory_space<hbm>>) dst(%dma_wait3A_464 : memref<128x32xf32, #tpu.memory_space<vmem>>)
    %dma_wait3A_471 = arith.constant 3 : i32
    %dma_wait3A_472 = arith.constant 3 : i32
    %dma_wait3A_473 = arith.constant 128 : i32
    %dma_wait3A_474 = arith.constant 0 : i32
    %dma_wait3A_475 = tpu.memref_slice %arg6[%dma_wait3A_472, %dma_wait3A_473, %dma_wait3A_474] : memref<8x200x32xf32, #tpu.memory_space<vmem>> -> memref<1x72x32xf32, #tpu.memory_space<vmem>>
    %dma_wait3A_476 = tpu.memref_squeeze %dma_wait3A_475 : memref<1x72x32xf32, #tpu.memory_space<vmem>> -> memref<72x32xf32, #tpu.memory_space<vmem>>
    %dma_wait3A_477 = arith.constant 128 : i32
    %dma_wait3A_478 = tpu.memref_slice %arg5[%dma_wait3A_471, %dma_wait3A_477] : memref<16x200xi32, #tpu.memory_space<vmem>> -> memref<1x72xi32, #tpu.memory_space<vmem>>
    %dma_wait3A_479 = tpu.memref_squeeze %dma_wait3A_478 : memref<1x72xi32, #tpu.memory_space<vmem>> -> memref<72xi32, #tpu.memory_space<vmem>>
    %dma_wait3A_480 = arith.constant 0 : i32
    %dma_wait3A_481 = arith.constant 0 : i32
    %dma_wait3A_482 = tpu.memref_slice %arg3[%dma_wait3A_480, %dma_wait3A_481] : memref<1000000x32xf32, #tpu.memory_space<hbm>> -> memref<1000000x32xf32, #tpu.memory_space<hbm>>
    tpu.wait_indirect_dma semaphore(%arg8 : memref<!tpu.dma_semaphore, #tpu.memory_space<semaphore_mem>>) src(%dma_wait3A_482 : memref<1000000x32xf32, #tpu.memory_space<hbm>>) dst(%dma_wait3A_476 : memref<72x32xf32, #tpu.memory_space<vmem>>)
    %dma_wait3A_483 = arith.constant 4 : i32
    %dma_wait3A_484 = arith.constant 4 : i32
    %dma_wait3A_485 = arith.constant 0 : i32
    %dma_wait3A_486 = arith.constant 0 : i32
    %dma_wait3A_487 = tpu.memref_slice %arg6[%dma_wait3A_484, %dma_wait3A_485, %dma_wait3A_486] : memref<8x200x32xf32, #tpu.memory_space<vmem>> -> memref<1x128x32xf32, #tpu.memory_space<vmem>>
    %dma_wait3A_488 = tpu.memref_squeeze %dma_wait3A_487 : memref<1x128x32xf32, #tpu.memory_space<vmem>> -> memref<128x32xf32, #tpu.memory_space<vmem>>
    %dma_wait3A_489 = arith.constant 0 : i32
    %dma_wait3A_490 = tpu.memref_slice %arg5[%dma_wait3A_483, %dma_wait3A_489] : memref<16x200xi32, #tpu.memory_space<vmem>> -> memref<1x128xi32, #tpu.memory_space<vmem>>
    %dma_wait3A_491 = tpu.memref_squeeze %dma_wait3A_490 : memref<1x128xi32, #tpu.memory_space<vmem>> -> memref<128xi32, #tpu.memory_space<vmem>>
    %dma_wait3A_492 = arith.constant 0 : i32
    %dma_wait3A_493 = arith.constant 0 : i32
    %dma_wait3A_494 = tpu.memref_slice %arg3[%dma_wait3A_492, %dma_wait3A_493] : memref<1000000x32xf32, #tpu.memory_space<hbm>> -> memref<1000000x32xf32, #tpu.memory_space<hbm>>
    tpu.wait_indirect_dma semaphore(%arg8 : memref<!tpu.dma_semaphore, #tpu.memory_space<semaphore_mem>>) src(%dma_wait3A_494 : memref<1000000x32xf32, #tpu.memory_space<hbm>>) dst(%dma_wait3A_488 : memref<128x32xf32, #tpu.memory_space<vmem>>)
    %dma_wait3A_495 = arith.constant 4 : i32
    %dma_wait3A_496 = arith.constant 4 : i32
    %dma_wait3A_497 = arith.constant 128 : i32
    %dma_wait3A_498 = arith.constant 0 : i32
    %dma_wait3A_499 = tpu.memref_slice %arg6[%dma_wait3A_496, %dma_wait3A_497, %dma_wait3A_498] : memref<8x200x32xf32, #tpu.memory_space<vmem>> -> memref<1x72x32xf32, #tpu.memory_space<vmem>>
    %dma_wait3A_500 = tpu.memref_squeeze %dma_wait3A_499 : memref<1x72x32xf32, #tpu.memory_space<vmem>> -> memref<72x32xf32, #tpu.memory_space<vmem>>
    %dma_wait3A_501 = arith.constant 128 : i32
    %dma_wait3A_502 = tpu.memref_slice %arg5[%dma_wait3A_495, %dma_wait3A_501] : memref<16x200xi32, #tpu.memory_space<vmem>> -> memref<1x72xi32, #tpu.memory_space<vmem>>
    %dma_wait3A_503 = tpu.memref_squeeze %dma_wait3A_502 : memref<1x72xi32, #tpu.memory_space<vmem>> -> memref<72xi32, #tpu.memory_space<vmem>>
    %dma_wait3A_504 = arith.constant 0 : i32
    %dma_wait3A_505 = arith.constant 0 : i32
    %dma_wait3A_506 = tpu.memref_slice %arg3[%dma_wait3A_504, %dma_wait3A_505] : memref<1000000x32xf32, #tpu.memory_space<hbm>> -> memref<1000000x32xf32, #tpu.memory_space<hbm>>
    tpu.wait_indirect_dma semaphore(%arg8 : memref<!tpu.dma_semaphore, #tpu.memory_space<semaphore_mem>>) src(%dma_wait3A_506 : memref<1000000x32xf32, #tpu.memory_space<hbm>>) dst(%dma_wait3A_500 : memref<72x32xf32, #tpu.memory_space<vmem>>)
    %dma_wait3A_507 = arith.constant 5 : i32
    %dma_wait3A_508 = arith.constant 5 : i32
    %dma_wait3A_509 = arith.constant 0 : i32
    %dma_wait3A_510 = arith.constant 0 : i32
    %dma_wait3A_511 = tpu.memref_slice %arg6[%dma_wait3A_508, %dma_wait3A_509, %dma_wait3A_510] : memref<8x200x32xf32, #tpu.memory_space<vmem>> -> memref<1x128x32xf32, #tpu.memory_space<vmem>>
    %dma_wait3A_512 = tpu.memref_squeeze %dma_wait3A_511 : memref<1x128x32xf32, #tpu.memory_space<vmem>> -> memref<128x32xf32, #tpu.memory_space<vmem>>
    %dma_wait3A_513 = arith.constant 0 : i32
    %dma_wait3A_514 = tpu.memref_slice %arg5[%dma_wait3A_507, %dma_wait3A_513] : memref<16x200xi32, #tpu.memory_space<vmem>> -> memref<1x128xi32, #tpu.memory_space<vmem>>
    %dma_wait3A_515 = tpu.memref_squeeze %dma_wait3A_514 : memref<1x128xi32, #tpu.memory_space<vmem>> -> memref<128xi32, #tpu.memory_space<vmem>>
    %dma_wait3A_516 = arith.constant 0 : i32
    %dma_wait3A_517 = arith.constant 0 : i32
    %dma_wait3A_518 = tpu.memref_slice %arg3[%dma_wait3A_516, %dma_wait3A_517] : memref<1000000x32xf32, #tpu.memory_space<hbm>> -> memref<1000000x32xf32, #tpu.memory_space<hbm>>
    tpu.wait_indirect_dma semaphore(%arg8 : memref<!tpu.dma_semaphore, #tpu.memory_space<semaphore_mem>>) src(%dma_wait3A_518 : memref<1000000x32xf32, #tpu.memory_space<hbm>>) dst(%dma_wait3A_512 : memref<128x32xf32, #tpu.memory_space<vmem>>)
    %dma_wait3A_519 = arith.constant 5 : i32
    %dma_wait3A_520 = arith.constant 5 : i32
    %dma_wait3A_521 = arith.constant 128 : i32
    %dma_wait3A_522 = arith.constant 0 : i32
    %dma_wait3A_523 = tpu.memref_slice %arg6[%dma_wait3A_520, %dma_wait3A_521, %dma_wait3A_522] : memref<8x200x32xf32, #tpu.memory_space<vmem>> -> memref<1x72x32xf32, #tpu.memory_space<vmem>>
    %dma_wait3A_524 = tpu.memref_squeeze %dma_wait3A_523 : memref<1x72x32xf32, #tpu.memory_space<vmem>> -> memref<72x32xf32, #tpu.memory_space<vmem>>
    %dma_wait3A_525 = arith.constant 128 : i32
    %dma_wait3A_526 = tpu.memref_slice %arg5[%dma_wait3A_519, %dma_wait3A_525] : memref<16x200xi32, #tpu.memory_space<vmem>> -> memref<1x72xi32, #tpu.memory_space<vmem>>
    %dma_wait3A_527 = tpu.memref_squeeze %dma_wait3A_526 : memref<1x72xi32, #tpu.memory_space<vmem>> -> memref<72xi32, #tpu.memory_space<vmem>>
    %dma_wait3A_528 = arith.constant 0 : i32
    %dma_wait3A_529 = arith.constant 0 : i32
    %dma_wait3A_530 = tpu.memref_slice %arg3[%dma_wait3A_528, %dma_wait3A_529] : memref<1000000x32xf32, #tpu.memory_space<hbm>> -> memref<1000000x32xf32, #tpu.memory_space<hbm>>
    tpu.wait_indirect_dma semaphore(%arg8 : memref<!tpu.dma_semaphore, #tpu.memory_space<semaphore_mem>>) src(%dma_wait3A_530 : memref<1000000x32xf32, #tpu.memory_space<hbm>>) dst(%dma_wait3A_524 : memref<72x32xf32, #tpu.memory_space<vmem>>)
    %dma_wait3A_531 = arith.constant 6 : i32
    %dma_wait3A_532 = arith.constant 6 : i32
    %dma_wait3A_533 = arith.constant 0 : i32
    %dma_wait3A_534 = arith.constant 0 : i32
    %dma_wait3A_535 = tpu.memref_slice %arg6[%dma_wait3A_532, %dma_wait3A_533, %dma_wait3A_534] : memref<8x200x32xf32, #tpu.memory_space<vmem>> -> memref<1x128x32xf32, #tpu.memory_space<vmem>>
    %dma_wait3A_536 = tpu.memref_squeeze %dma_wait3A_535 : memref<1x128x32xf32, #tpu.memory_space<vmem>> -> memref<128x32xf32, #tpu.memory_space<vmem>>
    %dma_wait3A_537 = arith.constant 0 : i32
    %dma_wait3A_538 = tpu.memref_slice %arg5[%dma_wait3A_531, %dma_wait3A_537] : memref<16x200xi32, #tpu.memory_space<vmem>> -> memref<1x128xi32, #tpu.memory_space<vmem>>
    %dma_wait3A_539 = tpu.memref_squeeze %dma_wait3A_538 : memref<1x128xi32, #tpu.memory_space<vmem>> -> memref<128xi32, #tpu.memory_space<vmem>>
    %dma_wait3A_540 = arith.constant 0 : i32
    %dma_wait3A_541 = arith.constant 0 : i32
    %dma_wait3A_542 = tpu.memref_slice %arg3[%dma_wait3A_540, %dma_wait3A_541] : memref<1000000x32xf32, #tpu.memory_space<hbm>> -> memref<1000000x32xf32, #tpu.memory_space<hbm>>
    tpu.wait_indirect_dma semaphore(%arg8 : memref<!tpu.dma_semaphore, #tpu.memory_space<semaphore_mem>>) src(%dma_wait3A_542 : memref<1000000x32xf32, #tpu.memory_space<hbm>>) dst(%dma_wait3A_536 : memref<128x32xf32, #tpu.memory_space<vmem>>)
    %dma_wait3A_543 = arith.constant 6 : i32
    %dma_wait3A_544 = arith.constant 6 : i32
    %dma_wait3A_545 = arith.constant 128 : i32
    %dma_wait3A_546 = arith.constant 0 : i32
    %dma_wait3A_547 = tpu.memref_slice %arg6[%dma_wait3A_544, %dma_wait3A_545, %dma_wait3A_546] : memref<8x200x32xf32, #tpu.memory_space<vmem>> -> memref<1x72x32xf32, #tpu.memory_space<vmem>>
    %dma_wait3A_548 = tpu.memref_squeeze %dma_wait3A_547 : memref<1x72x32xf32, #tpu.memory_space<vmem>> -> memref<72x32xf32, #tpu.memory_space<vmem>>
    %dma_wait3A_549 = arith.constant 128 : i32
    %dma_wait3A_550 = tpu.memref_slice %arg5[%dma_wait3A_543, %dma_wait3A_549] : memref<16x200xi32, #tpu.memory_space<vmem>> -> memref<1x72xi32, #tpu.memory_space<vmem>>
    %dma_wait3A_551 = tpu.memref_squeeze %dma_wait3A_550 : memref<1x72xi32, #tpu.memory_space<vmem>> -> memref<72xi32, #tpu.memory_space<vmem>>
    %dma_wait3A_552 = arith.constant 0 : i32
    %dma_wait3A_553 = arith.constant 0 : i32
    %dma_wait3A_554 = tpu.memref_slice %arg3[%dma_wait3A_552, %dma_wait3A_553] : memref<1000000x32xf32, #tpu.memory_space<hbm>> -> memref<1000000x32xf32, #tpu.memory_space<hbm>>
    tpu.wait_indirect_dma semaphore(%arg8 : memref<!tpu.dma_semaphore, #tpu.memory_space<semaphore_mem>>) src(%dma_wait3A_554 : memref<1000000x32xf32, #tpu.memory_space<hbm>>) dst(%dma_wait3A_548 : memref<72x32xf32, #tpu.memory_space<vmem>>)
    %dma_wait3A_555 = arith.constant 7 : i32
    %dma_wait3A_556 = arith.constant 7 : i32
    %dma_wait3A_557 = arith.constant 0 : i32
    %dma_wait3A_558 = arith.constant 0 : i32
    %dma_wait3A_559 = tpu.memref_slice %arg6[%dma_wait3A_556, %dma_wait3A_557, %dma_wait3A_558] : memref<8x200x32xf32, #tpu.memory_space<vmem>> -> memref<1x128x32xf32, #tpu.memory_space<vmem>>
    %dma_wait3A_560 = tpu.memref_squeeze %dma_wait3A_559 : memref<1x128x32xf32, #tpu.memory_space<vmem>> -> memref<128x32xf32, #tpu.memory_space<vmem>>
    %dma_wait3A_561 = arith.constant 0 : i32
    %dma_wait3A_562 = tpu.memref_slice %arg5[%dma_wait3A_555, %dma_wait3A_561] : memref<16x200xi32, #tpu.memory_space<vmem>> -> memref<1x128xi32, #tpu.memory_space<vmem>>
    %dma_wait3A_563 = tpu.memref_squeeze %dma_wait3A_562 : memref<1x128xi32, #tpu.memory_space<vmem>> -> memref<128xi32, #tpu.memory_space<vmem>>
    %dma_wait3A_564 = arith.constant 0 : i32
    %dma_wait3A_565 = arith.constant 0 : i32
    %dma_wait3A_566 = tpu.memref_slice %arg3[%dma_wait3A_564, %dma_wait3A_565] : memref<1000000x32xf32, #tpu.memory_space<hbm>> -> memref<1000000x32xf32, #tpu.memory_space<hbm>>
    tpu.wait_indirect_dma semaphore(%arg8 : memref<!tpu.dma_semaphore, #tpu.memory_space<semaphore_mem>>) src(%dma_wait3A_566 : memref<1000000x32xf32, #tpu.memory_space<hbm>>) dst(%dma_wait3A_560 : memref<128x32xf32, #tpu.memory_space<vmem>>)
    %dma_wait3A_567 = arith.constant 7 : i32
    %dma_wait3A_568 = arith.constant 7 : i32
    %dma_wait3A_569 = arith.constant 128 : i32
    %dma_wait3A_570 = arith.constant 0 : i32
    %dma_wait3A_571 = tpu.memref_slice %arg6[%dma_wait3A_568, %dma_wait3A_569, %dma_wait3A_570] : memref<8x200x32xf32, #tpu.memory_space<vmem>> -> memref<1x72x32xf32, #tpu.memory_space<vmem>>
    %dma_wait3A_572 = tpu.memref_squeeze %dma_wait3A_571 : memref<1x72x32xf32, #tpu.memory_space<vmem>> -> memref<72x32xf32, #tpu.memory_space<vmem>>
    %dma_wait3A_573 = arith.constant 128 : i32
    %dma_wait3A_574 = tpu.memref_slice %arg5[%dma_wait3A_567, %dma_wait3A_573] : memref<16x200xi32, #tpu.memory_space<vmem>> -> memref<1x72xi32, #tpu.memory_space<vmem>>
    %dma_wait3A_575 = tpu.memref_squeeze %dma_wait3A_574 : memref<1x72xi32, #tpu.memory_space<vmem>> -> memref<72xi32, #tpu.memory_space<vmem>>
    %dma_wait3A_576 = arith.constant 0 : i32
    %dma_wait3A_577 = arith.constant 0 : i32
    %dma_wait3A_578 = tpu.memref_slice %arg3[%dma_wait3A_576, %dma_wait3A_577] : memref<1000000x32xf32, #tpu.memory_space<hbm>> -> memref<1000000x32xf32, #tpu.memory_space<hbm>>
    tpu.wait_indirect_dma semaphore(%arg8 : memref<!tpu.dma_semaphore, #tpu.memory_space<semaphore_mem>>) src(%dma_wait3A_578 : memref<1000000x32xf32, #tpu.memory_space<hbm>>) dst(%dma_wait3A_572 : memref<72x32xf32, #tpu.memory_space<vmem>>)
    %add3A_579 = arith.constant 0 : i32
    %add3A_580 = arith.addi %mul3A_2, %add3A_579 : i32
    %dma_start3A_581 = arith.constant 0 : i32
    %dma_start3A_582 = arith.constant 0 : i32
    %dma_start3A_583 = tpu.memref_slice %arg4[%add3A_580, %dma_start3A_581, %dma_start3A_582] : memref<16384x200x32xf32, #tpu.memory_space<hbm>> -> memref<8x200x32xf32, #tpu.memory_space<hbm>>
    %dma_start3A_584 = arith.constant 0 : i32
    %dma_start3A_585 = arith.constant 0 : i32
    %dma_start3A_586 = tpu.memref_slice %arg4[%add3A_580, %dma_start3A_584, %dma_start3A_585] : memref<16384x200x32xf32, #tpu.memory_space<hbm>> -> memref<8x200x32xf32, #tpu.memory_space<hbm>>
    tpu.enqueue_dma source(%arg6 : memref<8x200x32xf32, #tpu.memory_space<vmem>>) target(%dma_start3A_586 : memref<8x200x32xf32, #tpu.memory_space<hbm>>) target_semaphore(%arg10 : memref<!tpu.dma_semaphore, #tpu.memory_space<semaphore_mem>>)
    %dma_wait3A_587 = arith.constant 8 : i32
    %dma_wait3A_588 = arith.constant 0 : i32
    %dma_wait3A_589 = arith.constant 0 : i32
    %dma_wait3A_590 = arith.constant 0 : i32
    %dma_wait3A_591 = tpu.memref_slice %arg7[%dma_wait3A_588, %dma_wait3A_589, %dma_wait3A_590] : memref<8x200x32xf32, #tpu.memory_space<vmem>> -> memref<1x128x32xf32, #tpu.memory_space<vmem>>
    %dma_wait3A_592 = tpu.memref_squeeze %dma_wait3A_591 : memref<1x128x32xf32, #tpu.memory_space<vmem>> -> memref<128x32xf32, #tpu.memory_space<vmem>>
    %dma_wait3A_593 = arith.constant 0 : i32
    %dma_wait3A_594 = tpu.memref_slice %arg5[%dma_wait3A_587, %dma_wait3A_593] : memref<16x200xi32, #tpu.memory_space<vmem>> -> memref<1x128xi32, #tpu.memory_space<vmem>>
    %dma_wait3A_595 = tpu.memref_squeeze %dma_wait3A_594 : memref<1x128xi32, #tpu.memory_space<vmem>> -> memref<128xi32, #tpu.memory_space<vmem>>
    %dma_wait3A_596 = arith.constant 0 : i32
    %dma_wait3A_597 = arith.constant 0 : i32
    %dma_wait3A_598 = tpu.memref_slice %arg3[%dma_wait3A_596, %dma_wait3A_597] : memref<1000000x32xf32, #tpu.memory_space<hbm>> -> memref<1000000x32xf32, #tpu.memory_space<hbm>>
    tpu.wait_indirect_dma semaphore(%arg9 : memref<!tpu.dma_semaphore, #tpu.memory_space<semaphore_mem>>) src(%dma_wait3A_598 : memref<1000000x32xf32, #tpu.memory_space<hbm>>) dst(%dma_wait3A_592 : memref<128x32xf32, #tpu.memory_space<vmem>>)
    %dma_wait3A_599 = arith.constant 8 : i32
    %dma_wait3A_600 = arith.constant 0 : i32
    %dma_wait3A_601 = arith.constant 128 : i32
    %dma_wait3A_602 = arith.constant 0 : i32
    %dma_wait3A_603 = tpu.memref_slice %arg7[%dma_wait3A_600, %dma_wait3A_601, %dma_wait3A_602] : memref<8x200x32xf32, #tpu.memory_space<vmem>> -> memref<1x72x32xf32, #tpu.memory_space<vmem>>
    %dma_wait3A_604 = tpu.memref_squeeze %dma_wait3A_603 : memref<1x72x32xf32, #tpu.memory_space<vmem>> -> memref<72x32xf32, #tpu.memory_space<vmem>>
    %dma_wait3A_605 = arith.constant 128 : i32
    %dma_wait3A_606 = tpu.memref_slice %arg5[%dma_wait3A_599, %dma_wait3A_605] : memref<16x200xi32, #tpu.memory_space<vmem>> -> memref<1x72xi32, #tpu.memory_space<vmem>>
    %dma_wait3A_607 = tpu.memref_squeeze %dma_wait3A_606 : memref<1x72xi32, #tpu.memory_space<vmem>> -> memref<72xi32, #tpu.memory_space<vmem>>
    %dma_wait3A_608 = arith.constant 0 : i32
    %dma_wait3A_609 = arith.constant 0 : i32
    %dma_wait3A_610 = tpu.memref_slice %arg3[%dma_wait3A_608, %dma_wait3A_609] : memref<1000000x32xf32, #tpu.memory_space<hbm>> -> memref<1000000x32xf32, #tpu.memory_space<hbm>>
    tpu.wait_indirect_dma semaphore(%arg9 : memref<!tpu.dma_semaphore, #tpu.memory_space<semaphore_mem>>) src(%dma_wait3A_610 : memref<1000000x32xf32, #tpu.memory_space<hbm>>) dst(%dma_wait3A_604 : memref<72x32xf32, #tpu.memory_space<vmem>>)
    %dma_wait3A_611 = arith.constant 9 : i32
    %dma_wait3A_612 = arith.constant 1 : i32
    %dma_wait3A_613 = arith.constant 0 : i32
    %dma_wait3A_614 = arith.constant 0 : i32
    %dma_wait3A_615 = tpu.memref_slice %arg7[%dma_wait3A_612, %dma_wait3A_613, %dma_wait3A_614] : memref<8x200x32xf32, #tpu.memory_space<vmem>> -> memref<1x128x32xf32, #tpu.memory_space<vmem>>
    %dma_wait3A_616 = tpu.memref_squeeze %dma_wait3A_615 : memref<1x128x32xf32, #tpu.memory_space<vmem>> -> memref<128x32xf32, #tpu.memory_space<vmem>>
    %dma_wait3A_617 = arith.constant 0 : i32
    %dma_wait3A_618 = tpu.memref_slice %arg5[%dma_wait3A_611, %dma_wait3A_617] : memref<16x200xi32, #tpu.memory_space<vmem>> -> memref<1x128xi32, #tpu.memory_space<vmem>>
    %dma_wait3A_619 = tpu.memref_squeeze %dma_wait3A_618 : memref<1x128xi32, #tpu.memory_space<vmem>> -> memref<128xi32, #tpu.memory_space<vmem>>
    %dma_wait3A_620 = arith.constant 0 : i32
    %dma_wait3A_621 = arith.constant 0 : i32
    %dma_wait3A_622 = tpu.memref_slice %arg3[%dma_wait3A_620, %dma_wait3A_621] : memref<1000000x32xf32, #tpu.memory_space<hbm>> -> memref<1000000x32xf32, #tpu.memory_space<hbm>>
    tpu.wait_indirect_dma semaphore(%arg9 : memref<!tpu.dma_semaphore, #tpu.memory_space<semaphore_mem>>) src(%dma_wait3A_622 : memref<1000000x32xf32, #tpu.memory_space<hbm>>) dst(%dma_wait3A_616 : memref<128x32xf32, #tpu.memory_space<vmem>>)
    %dma_wait3A_623 = arith.constant 9 : i32
    %dma_wait3A_624 = arith.constant 1 : i32
    %dma_wait3A_625 = arith.constant 128 : i32
    %dma_wait3A_626 = arith.constant 0 : i32
    %dma_wait3A_627 = tpu.memref_slice %arg7[%dma_wait3A_624, %dma_wait3A_625, %dma_wait3A_626] : memref<8x200x32xf32, #tpu.memory_space<vmem>> -> memref<1x72x32xf32, #tpu.memory_space<vmem>>
    %dma_wait3A_628 = tpu.memref_squeeze %dma_wait3A_627 : memref<1x72x32xf32, #tpu.memory_space<vmem>> -> memref<72x32xf32, #tpu.memory_space<vmem>>
    %dma_wait3A_629 = arith.constant 128 : i32
    %dma_wait3A_630 = tpu.memref_slice %arg5[%dma_wait3A_623, %dma_wait3A_629] : memref<16x200xi32, #tpu.memory_space<vmem>> -> memref<1x72xi32, #tpu.memory_space<vmem>>
    %dma_wait3A_631 = tpu.memref_squeeze %dma_wait3A_630 : memref<1x72xi32, #tpu.memory_space<vmem>> -> memref<72xi32, #tpu.memory_space<vmem>>
    %dma_wait3A_632 = arith.constant 0 : i32
    %dma_wait3A_633 = arith.constant 0 : i32
    %dma_wait3A_634 = tpu.memref_slice %arg3[%dma_wait3A_632, %dma_wait3A_633] : memref<1000000x32xf32, #tpu.memory_space<hbm>> -> memref<1000000x32xf32, #tpu.memory_space<hbm>>
    tpu.wait_indirect_dma semaphore(%arg9 : memref<!tpu.dma_semaphore, #tpu.memory_space<semaphore_mem>>) src(%dma_wait3A_634 : memref<1000000x32xf32, #tpu.memory_space<hbm>>) dst(%dma_wait3A_628 : memref<72x32xf32, #tpu.memory_space<vmem>>)
    %dma_wait3A_635 = arith.constant 10 : i32
    %dma_wait3A_636 = arith.constant 2 : i32
    %dma_wait3A_637 = arith.constant 0 : i32
    %dma_wait3A_638 = arith.constant 0 : i32
    %dma_wait3A_639 = tpu.memref_slice %arg7[%dma_wait3A_636, %dma_wait3A_637, %dma_wait3A_638] : memref<8x200x32xf32, #tpu.memory_space<vmem>> -> memref<1x128x32xf32, #tpu.memory_space<vmem>>
    %dma_wait3A_640 = tpu.memref_squeeze %dma_wait3A_639 : memref<1x128x32xf32, #tpu.memory_space<vmem>> -> memref<128x32xf32, #tpu.memory_space<vmem>>
    %dma_wait3A_641 = arith.constant 0 : i32
    %dma_wait3A_642 = tpu.memref_slice %arg5[%dma_wait3A_635, %dma_wait3A_641] : memref<16x200xi32, #tpu.memory_space<vmem>> -> memref<1x128xi32, #tpu.memory_space<vmem>>
    %dma_wait3A_643 = tpu.memref_squeeze %dma_wait3A_642 : memref<1x128xi32, #tpu.memory_space<vmem>> -> memref<128xi32, #tpu.memory_space<vmem>>
    %dma_wait3A_644 = arith.constant 0 : i32
    %dma_wait3A_645 = arith.constant 0 : i32
    %dma_wait3A_646 = tpu.memref_slice %arg3[%dma_wait3A_644, %dma_wait3A_645] : memref<1000000x32xf32, #tpu.memory_space<hbm>> -> memref<1000000x32xf32, #tpu.memory_space<hbm>>
    tpu.wait_indirect_dma semaphore(%arg9 : memref<!tpu.dma_semaphore, #tpu.memory_space<semaphore_mem>>) src(%dma_wait3A_646 : memref<1000000x32xf32, #tpu.memory_space<hbm>>) dst(%dma_wait3A_640 : memref<128x32xf32, #tpu.memory_space<vmem>>)
    %dma_wait3A_647 = arith.constant 10 : i32
    %dma_wait3A_648 = arith.constant 2 : i32
    %dma_wait3A_649 = arith.constant 128 : i32
    %dma_wait3A_650 = arith.constant 0 : i32
    %dma_wait3A_651 = tpu.memref_slice %arg7[%dma_wait3A_648, %dma_wait3A_649, %dma_wait3A_650] : memref<8x200x32xf32, #tpu.memory_space<vmem>> -> memref<1x72x32xf32, #tpu.memory_space<vmem>>
    %dma_wait3A_652 = tpu.memref_squeeze %dma_wait3A_651 : memref<1x72x32xf32, #tpu.memory_space<vmem>> -> memref<72x32xf32, #tpu.memory_space<vmem>>
    %dma_wait3A_653 = arith.constant 128 : i32
    %dma_wait3A_654 = tpu.memref_slice %arg5[%dma_wait3A_647, %dma_wait3A_653] : memref<16x200xi32, #tpu.memory_space<vmem>> -> memref<1x72xi32, #tpu.memory_space<vmem>>
    %dma_wait3A_655 = tpu.memref_squeeze %dma_wait3A_654 : memref<1x72xi32, #tpu.memory_space<vmem>> -> memref<72xi32, #tpu.memory_space<vmem>>
    %dma_wait3A_656 = arith.constant 0 : i32
    %dma_wait3A_657 = arith.constant 0 : i32
    %dma_wait3A_658 = tpu.memref_slice %arg3[%dma_wait3A_656, %dma_wait3A_657] : memref<1000000x32xf32, #tpu.memory_space<hbm>> -> memref<1000000x32xf32, #tpu.memory_space<hbm>>
    tpu.wait_indirect_dma semaphore(%arg9 : memref<!tpu.dma_semaphore, #tpu.memory_space<semaphore_mem>>) src(%dma_wait3A_658 : memref<1000000x32xf32, #tpu.memory_space<hbm>>) dst(%dma_wait3A_652 : memref<72x32xf32, #tpu.memory_space<vmem>>)
    %dma_wait3A_659 = arith.constant 11 : i32
    %dma_wait3A_660 = arith.constant 3 : i32
    %dma_wait3A_661 = arith.constant 0 : i32
    %dma_wait3A_662 = arith.constant 0 : i32
    %dma_wait3A_663 = tpu.memref_slice %arg7[%dma_wait3A_660, %dma_wait3A_661, %dma_wait3A_662] : memref<8x200x32xf32, #tpu.memory_space<vmem>> -> memref<1x128x32xf32, #tpu.memory_space<vmem>>
    %dma_wait3A_664 = tpu.memref_squeeze %dma_wait3A_663 : memref<1x128x32xf32, #tpu.memory_space<vmem>> -> memref<128x32xf32, #tpu.memory_space<vmem>>
    %dma_wait3A_665 = arith.constant 0 : i32
    %dma_wait3A_666 = tpu.memref_slice %arg5[%dma_wait3A_659, %dma_wait3A_665] : memref<16x200xi32, #tpu.memory_space<vmem>> -> memref<1x128xi32, #tpu.memory_space<vmem>>
    %dma_wait3A_667 = tpu.memref_squeeze %dma_wait3A_666 : memref<1x128xi32, #tpu.memory_space<vmem>> -> memref<128xi32, #tpu.memory_space<vmem>>
    %dma_wait3A_668 = arith.constant 0 : i32
    %dma_wait3A_669 = arith.constant 0 : i32
    %dma_wait3A_670 = tpu.memref_slice %arg3[%dma_wait3A_668, %dma_wait3A_669] : memref<1000000x32xf32, #tpu.memory_space<hbm>> -> memref<1000000x32xf32, #tpu.memory_space<hbm>>
    tpu.wait_indirect_dma semaphore(%arg9 : memref<!tpu.dma_semaphore, #tpu.memory_space<semaphore_mem>>) src(%dma_wait3A_670 : memref<1000000x32xf32, #tpu.memory_space<hbm>>) dst(%dma_wait3A_664 : memref<128x32xf32, #tpu.memory_space<vmem>>)
    %dma_wait3A_671 = arith.constant 11 : i32
    %dma_wait3A_672 = arith.constant 3 : i32
    %dma_wait3A_673 = arith.constant 128 : i32
    %dma_wait3A_674 = arith.constant 0 : i32
    %dma_wait3A_675 = tpu.memref_slice %arg7[%dma_wait3A_672, %dma_wait3A_673, %dma_wait3A_674] : memref<8x200x32xf32, #tpu.memory_space<vmem>> -> memref<1x72x32xf32, #tpu.memory_space<vmem>>
    %dma_wait3A_676 = tpu.memref_squeeze %dma_wait3A_675 : memref<1x72x32xf32, #tpu.memory_space<vmem>> -> memref<72x32xf32, #tpu.memory_space<vmem>>
    %dma_wait3A_677 = arith.constant 128 : i32
    %dma_wait3A_678 = tpu.memref_slice %arg5[%dma_wait3A_671, %dma_wait3A_677] : memref<16x200xi32, #tpu.memory_space<vmem>> -> memref<1x72xi32, #tpu.memory_space<vmem>>
    %dma_wait3A_679 = tpu.memref_squeeze %dma_wait3A_678 : memref<1x72xi32, #tpu.memory_space<vmem>> -> memref<72xi32, #tpu.memory_space<vmem>>
    %dma_wait3A_680 = arith.constant 0 : i32
    %dma_wait3A_681 = arith.constant 0 : i32
    %dma_wait3A_682 = tpu.memref_slice %arg3[%dma_wait3A_680, %dma_wait3A_681] : memref<1000000x32xf32, #tpu.memory_space<hbm>> -> memref<1000000x32xf32, #tpu.memory_space<hbm>>
    tpu.wait_indirect_dma semaphore(%arg9 : memref<!tpu.dma_semaphore, #tpu.memory_space<semaphore_mem>>) src(%dma_wait3A_682 : memref<1000000x32xf32, #tpu.memory_space<hbm>>) dst(%dma_wait3A_676 : memref<72x32xf32, #tpu.memory_space<vmem>>)
    %dma_wait3A_683 = arith.constant 12 : i32
    %dma_wait3A_684 = arith.constant 4 : i32
    %dma_wait3A_685 = arith.constant 0 : i32
    %dma_wait3A_686 = arith.constant 0 : i32
    %dma_wait3A_687 = tpu.memref_slice %arg7[%dma_wait3A_684, %dma_wait3A_685, %dma_wait3A_686] : memref<8x200x32xf32, #tpu.memory_space<vmem>> -> memref<1x128x32xf32, #tpu.memory_space<vmem>>
    %dma_wait3A_688 = tpu.memref_squeeze %dma_wait3A_687 : memref<1x128x32xf32, #tpu.memory_space<vmem>> -> memref<128x32xf32, #tpu.memory_space<vmem>>
    %dma_wait3A_689 = arith.constant 0 : i32
    %dma_wait3A_690 = tpu.memref_slice %arg5[%dma_wait3A_683, %dma_wait3A_689] : memref<16x200xi32, #tpu.memory_space<vmem>> -> memref<1x128xi32, #tpu.memory_space<vmem>>
    %dma_wait3A_691 = tpu.memref_squeeze %dma_wait3A_690 : memref<1x128xi32, #tpu.memory_space<vmem>> -> memref<128xi32, #tpu.memory_space<vmem>>
    %dma_wait3A_692 = arith.constant 0 : i32
    %dma_wait3A_693 = arith.constant 0 : i32
    %dma_wait3A_694 = tpu.memref_slice %arg3[%dma_wait3A_692, %dma_wait3A_693] : memref<1000000x32xf32, #tpu.memory_space<hbm>> -> memref<1000000x32xf32, #tpu.memory_space<hbm>>
    tpu.wait_indirect_dma semaphore(%arg9 : memref<!tpu.dma_semaphore, #tpu.memory_space<semaphore_mem>>) src(%dma_wait3A_694 : memref<1000000x32xf32, #tpu.memory_space<hbm>>) dst(%dma_wait3A_688 : memref<128x32xf32, #tpu.memory_space<vmem>>)
    %dma_wait3A_695 = arith.constant 12 : i32
    %dma_wait3A_696 = arith.constant 4 : i32
    %dma_wait3A_697 = arith.constant 128 : i32
    %dma_wait3A_698 = arith.constant 0 : i32
    %dma_wait3A_699 = tpu.memref_slice %arg7[%dma_wait3A_696, %dma_wait3A_697, %dma_wait3A_698] : memref<8x200x32xf32, #tpu.memory_space<vmem>> -> memref<1x72x32xf32, #tpu.memory_space<vmem>>
    %dma_wait3A_700 = tpu.memref_squeeze %dma_wait3A_699 : memref<1x72x32xf32, #tpu.memory_space<vmem>> -> memref<72x32xf32, #tpu.memory_space<vmem>>
    %dma_wait3A_701 = arith.constant 128 : i32
    %dma_wait3A_702 = tpu.memref_slice %arg5[%dma_wait3A_695, %dma_wait3A_701] : memref<16x200xi32, #tpu.memory_space<vmem>> -> memref<1x72xi32, #tpu.memory_space<vmem>>
    %dma_wait3A_703 = tpu.memref_squeeze %dma_wait3A_702 : memref<1x72xi32, #tpu.memory_space<vmem>> -> memref<72xi32, #tpu.memory_space<vmem>>
    %dma_wait3A_704 = arith.constant 0 : i32
    %dma_wait3A_705 = arith.constant 0 : i32
    %dma_wait3A_706 = tpu.memref_slice %arg3[%dma_wait3A_704, %dma_wait3A_705] : memref<1000000x32xf32, #tpu.memory_space<hbm>> -> memref<1000000x32xf32, #tpu.memory_space<hbm>>
    tpu.wait_indirect_dma semaphore(%arg9 : memref<!tpu.dma_semaphore, #tpu.memory_space<semaphore_mem>>) src(%dma_wait3A_706 : memref<1000000x32xf32, #tpu.memory_space<hbm>>) dst(%dma_wait3A_700 : memref<72x32xf32, #tpu.memory_space<vmem>>)
    %dma_wait3A_707 = arith.constant 13 : i32
    %dma_wait3A_708 = arith.constant 5 : i32
    %dma_wait3A_709 = arith.constant 0 : i32
    %dma_wait3A_710 = arith.constant 0 : i32
    %dma_wait3A_711 = tpu.memref_slice %arg7[%dma_wait3A_708, %dma_wait3A_709, %dma_wait3A_710] : memref<8x200x32xf32, #tpu.memory_space<vmem>> -> memref<1x128x32xf32, #tpu.memory_space<vmem>>
    %dma_wait3A_712 = tpu.memref_squeeze %dma_wait3A_711 : memref<1x128x32xf32, #tpu.memory_space<vmem>> -> memref<128x32xf32, #tpu.memory_space<vmem>>
    %dma_wait3A_713 = arith.constant 0 : i32
    %dma_wait3A_714 = tpu.memref_slice %arg5[%dma_wait3A_707, %dma_wait3A_713] : memref<16x200xi32, #tpu.memory_space<vmem>> -> memref<1x128xi32, #tpu.memory_space<vmem>>
    %dma_wait3A_715 = tpu.memref_squeeze %dma_wait3A_714 : memref<1x128xi32, #tpu.memory_space<vmem>> -> memref<128xi32, #tpu.memory_space<vmem>>
    %dma_wait3A_716 = arith.constant 0 : i32
    %dma_wait3A_717 = arith.constant 0 : i32
    %dma_wait3A_718 = tpu.memref_slice %arg3[%dma_wait3A_716, %dma_wait3A_717] : memref<1000000x32xf32, #tpu.memory_space<hbm>> -> memref<1000000x32xf32, #tpu.memory_space<hbm>>
    tpu.wait_indirect_dma semaphore(%arg9 : memref<!tpu.dma_semaphore, #tpu.memory_space<semaphore_mem>>) src(%dma_wait3A_718 : memref<1000000x32xf32, #tpu.memory_space<hbm>>) dst(%dma_wait3A_712 : memref<128x32xf32, #tpu.memory_space<vmem>>)
    %dma_wait3A_719 = arith.constant 13 : i32
    %dma_wait3A_720 = arith.constant 5 : i32
    %dma_wait3A_721 = arith.constant 128 : i32
    %dma_wait3A_722 = arith.constant 0 : i32
    %dma_wait3A_723 = tpu.memref_slice %arg7[%dma_wait3A_720, %dma_wait3A_721, %dma_wait3A_722] : memref<8x200x32xf32, #tpu.memory_space<vmem>> -> memref<1x72x32xf32, #tpu.memory_space<vmem>>
    %dma_wait3A_724 = tpu.memref_squeeze %dma_wait3A_723 : memref<1x72x32xf32, #tpu.memory_space<vmem>> -> memref<72x32xf32, #tpu.memory_space<vmem>>
    %dma_wait3A_725 = arith.constant 128 : i32
    %dma_wait3A_726 = tpu.memref_slice %arg5[%dma_wait3A_719, %dma_wait3A_725] : memref<16x200xi32, #tpu.memory_space<vmem>> -> memref<1x72xi32, #tpu.memory_space<vmem>>
    %dma_wait3A_727 = tpu.memref_squeeze %dma_wait3A_726 : memref<1x72xi32, #tpu.memory_space<vmem>> -> memref<72xi32, #tpu.memory_space<vmem>>
    %dma_wait3A_728 = arith.constant 0 : i32
    %dma_wait3A_729 = arith.constant 0 : i32
    %dma_wait3A_730 = tpu.memref_slice %arg3[%dma_wait3A_728, %dma_wait3A_729] : memref<1000000x32xf32, #tpu.memory_space<hbm>> -> memref<1000000x32xf32, #tpu.memory_space<hbm>>
    tpu.wait_indirect_dma semaphore(%arg9 : memref<!tpu.dma_semaphore, #tpu.memory_space<semaphore_mem>>) src(%dma_wait3A_730 : memref<1000000x32xf32, #tpu.memory_space<hbm>>) dst(%dma_wait3A_724 : memref<72x32xf32, #tpu.memory_space<vmem>>)
    %dma_wait3A_731 = arith.constant 14 : i32
    %dma_wait3A_732 = arith.constant 6 : i32
    %dma_wait3A_733 = arith.constant 0 : i32
    %dma_wait3A_734 = arith.constant 0 : i32
    %dma_wait3A_735 = tpu.memref_slice %arg7[%dma_wait3A_732, %dma_wait3A_733, %dma_wait3A_734] : memref<8x200x32xf32, #tpu.memory_space<vmem>> -> memref<1x128x32xf32, #tpu.memory_space<vmem>>
    %dma_wait3A_736 = tpu.memref_squeeze %dma_wait3A_735 : memref<1x128x32xf32, #tpu.memory_space<vmem>> -> memref<128x32xf32, #tpu.memory_space<vmem>>
    %dma_wait3A_737 = arith.constant 0 : i32
    %dma_wait3A_738 = tpu.memref_slice %arg5[%dma_wait3A_731, %dma_wait3A_737] : memref<16x200xi32, #tpu.memory_space<vmem>> -> memref<1x128xi32, #tpu.memory_space<vmem>>
    %dma_wait3A_739 = tpu.memref_squeeze %dma_wait3A_738 : memref<1x128xi32, #tpu.memory_space<vmem>> -> memref<128xi32, #tpu.memory_space<vmem>>
    %dma_wait3A_740 = arith.constant 0 : i32
    %dma_wait3A_741 = arith.constant 0 : i32
    %dma_wait3A_742 = tpu.memref_slice %arg3[%dma_wait3A_740, %dma_wait3A_741] : memref<1000000x32xf32, #tpu.memory_space<hbm>> -> memref<1000000x32xf32, #tpu.memory_space<hbm>>
    tpu.wait_indirect_dma semaphore(%arg9 : memref<!tpu.dma_semaphore, #tpu.memory_space<semaphore_mem>>) src(%dma_wait3A_742 : memref<1000000x32xf32, #tpu.memory_space<hbm>>) dst(%dma_wait3A_736 : memref<128x32xf32, #tpu.memory_space<vmem>>)
    %dma_wait3A_743 = arith.constant 14 : i32
    %dma_wait3A_744 = arith.constant 6 : i32
    %dma_wait3A_745 = arith.constant 128 : i32
    %dma_wait3A_746 = arith.constant 0 : i32
    %dma_wait3A_747 = tpu.memref_slice %arg7[%dma_wait3A_744, %dma_wait3A_745, %dma_wait3A_746] : memref<8x200x32xf32, #tpu.memory_space<vmem>> -> memref<1x72x32xf32, #tpu.memory_space<vmem>>
    %dma_wait3A_748 = tpu.memref_squeeze %dma_wait3A_747 : memref<1x72x32xf32, #tpu.memory_space<vmem>> -> memref<72x32xf32, #tpu.memory_space<vmem>>
    %dma_wait3A_749 = arith.constant 128 : i32
    %dma_wait3A_750 = tpu.memref_slice %arg5[%dma_wait3A_743, %dma_wait3A_749] : memref<16x200xi32, #tpu.memory_space<vmem>> -> memref<1x72xi32, #tpu.memory_space<vmem>>
    %dma_wait3A_751 = tpu.memref_squeeze %dma_wait3A_750 : memref<1x72xi32, #tpu.memory_space<vmem>> -> memref<72xi32, #tpu.memory_space<vmem>>
    %dma_wait3A_752 = arith.constant 0 : i32
    %dma_wait3A_753 = arith.constant 0 : i32
    %dma_wait3A_754 = tpu.memref_slice %arg3[%dma_wait3A_752, %dma_wait3A_753] : memref<1000000x32xf32, #tpu.memory_space<hbm>> -> memref<1000000x32xf32, #tpu.memory_space<hbm>>
    tpu.wait_indirect_dma semaphore(%arg9 : memref<!tpu.dma_semaphore, #tpu.memory_space<semaphore_mem>>) src(%dma_wait3A_754 : memref<1000000x32xf32, #tpu.memory_space<hbm>>) dst(%dma_wait3A_748 : memref<72x32xf32, #tpu.memory_space<vmem>>)
    %dma_wait3A_755 = arith.constant 15 : i32
    %dma_wait3A_756 = arith.constant 7 : i32
    %dma_wait3A_757 = arith.constant 0 : i32
    %dma_wait3A_758 = arith.constant 0 : i32
    %dma_wait3A_759 = tpu.memref_slice %arg7[%dma_wait3A_756, %dma_wait3A_757, %dma_wait3A_758] : memref<8x200x32xf32, #tpu.memory_space<vmem>> -> memref<1x128x32xf32, #tpu.memory_space<vmem>>
    %dma_wait3A_760 = tpu.memref_squeeze %dma_wait3A_759 : memref<1x128x32xf32, #tpu.memory_space<vmem>> -> memref<128x32xf32, #tpu.memory_space<vmem>>
    %dma_wait3A_761 = arith.constant 0 : i32
    %dma_wait3A_762 = tpu.memref_slice %arg5[%dma_wait3A_755, %dma_wait3A_761] : memref<16x200xi32, #tpu.memory_space<vmem>> -> memref<1x128xi32, #tpu.memory_space<vmem>>
    %dma_wait3A_763 = tpu.memref_squeeze %dma_wait3A_762 : memref<1x128xi32, #tpu.memory_space<vmem>> -> memref<128xi32, #tpu.memory_space<vmem>>
    %dma_wait3A_764 = arith.constant 0 : i32
    %dma_wait3A_765 = arith.constant 0 : i32
    %dma_wait3A_766 = tpu.memref_slice %arg3[%dma_wait3A_764, %dma_wait3A_765] : memref<1000000x32xf32, #tpu.memory_space<hbm>> -> memref<1000000x32xf32, #tpu.memory_space<hbm>>
    tpu.wait_indirect_dma semaphore(%arg9 : memref<!tpu.dma_semaphore, #tpu.memory_space<semaphore_mem>>) src(%dma_wait3A_766 : memref<1000000x32xf32, #tpu.memory_space<hbm>>) dst(%dma_wait3A_760 : memref<128x32xf32, #tpu.memory_space<vmem>>)
    %dma_wait3A_767 = arith.constant 15 : i32
    %dma_wait3A_768 = arith.constant 7 : i32
    %dma_wait3A_769 = arith.constant 128 : i32
    %dma_wait3A_770 = arith.constant 0 : i32
    %dma_wait3A_771 = tpu.memref_slice %arg7[%dma_wait3A_768, %dma_wait3A_769, %dma_wait3A_770] : memref<8x200x32xf32, #tpu.memory_space<vmem>> -> memref<1x72x32xf32, #tpu.memory_space<vmem>>
    %dma_wait3A_772 = tpu.memref_squeeze %dma_wait3A_771 : memref<1x72x32xf32, #tpu.memory_space<vmem>> -> memref<72x32xf32, #tpu.memory_space<vmem>>
    %dma_wait3A_773 = arith.constant 128 : i32
    %dma_wait3A_774 = tpu.memref_slice %arg5[%dma_wait3A_767, %dma_wait3A_773] : memref<16x200xi32, #tpu.memory_space<vmem>> -> memref<1x72xi32, #tpu.memory_space<vmem>>
    %dma_wait3A_775 = tpu.memref_squeeze %dma_wait3A_774 : memref<1x72xi32, #tpu.memory_space<vmem>> -> memref<72xi32, #tpu.memory_space<vmem>>
    %dma_wait3A_776 = arith.constant 0 : i32
    %dma_wait3A_777 = arith.constant 0 : i32
    %dma_wait3A_778 = tpu.memref_slice %arg3[%dma_wait3A_776, %dma_wait3A_777] : memref<1000000x32xf32, #tpu.memory_space<hbm>> -> memref<1000000x32xf32, #tpu.memory_space<hbm>>
    tpu.wait_indirect_dma semaphore(%arg9 : memref<!tpu.dma_semaphore, #tpu.memory_space<semaphore_mem>>) src(%dma_wait3A_778 : memref<1000000x32xf32, #tpu.memory_space<hbm>>) dst(%dma_wait3A_772 : memref<72x32xf32, #tpu.memory_space<vmem>>)
    %add3A_779 = arith.constant 8 : i32
    %add3A_780 = arith.addi %mul3A_2, %add3A_779 : i32
    %dma_start3A_781 = arith.constant 0 : i32
    %dma_start3A_782 = arith.constant 0 : i32
    %dma_start3A_783 = tpu.memref_slice %arg4[%add3A_780, %dma_start3A_781, %dma_start3A_782] : memref<16384x200x32xf32, #tpu.memory_space<hbm>> -> memref<8x200x32xf32, #tpu.memory_space<hbm>>
    %dma_start3A_784 = arith.constant 0 : i32
    %dma_start3A_785 = arith.constant 0 : i32
    %dma_start3A_786 = tpu.memref_slice %arg4[%add3A_780, %dma_start3A_784, %dma_start3A_785] : memref<16384x200x32xf32, #tpu.memory_space<hbm>> -> memref<8x200x32xf32, #tpu.memory_space<hbm>>
    tpu.enqueue_dma source(%arg7 : memref<8x200x32xf32, #tpu.memory_space<vmem>>) target(%dma_start3A_786 : memref<8x200x32xf32, #tpu.memory_space<hbm>>) target_semaphore(%arg11 : memref<!tpu.dma_semaphore, #tpu.memory_space<semaphore_mem>>)
    %scan3A = arith.constant 0 : i32
    %scan3A_787 = arith.constant 1 : i32
    %scan3A_788 = arith.constant 31 : i32
    %scan3A_789 = arith.addi %scan3A_787, %scan3A_788 : i32
    %scan3A_790 = arith.constant 1 : i32
    scf.for %scan3A_808 = %scan3A_787 to %scan3A_789 step %scan3A_790  : i32 {
      %dma_wait3A_809 = arith.constant 0 : i32
      %dma_wait3A_810 = arith.constant 0 : i32
      %dma_wait3A_811 = arith.constant 0 : i32
      %dma_wait3A_812 = tpu.memref_slice %arg4[%dma_wait3A_809, %dma_wait3A_810, %dma_wait3A_811] : memref<16384x200x32xf32, #tpu.memory_space<hbm>> -> memref<8x200x32xf32, #tpu.memory_space<hbm>>
      %dma_wait3A_813 = arith.constant 0 : i32
      %dma_wait3A_814 = arith.constant 0 : i32
      %dma_wait3A_815 = arith.constant 0 : i32
      %dma_wait3A_816 = tpu.memref_slice %arg4[%dma_wait3A_813, %dma_wait3A_814, %dma_wait3A_815] : memref<16384x200x32xf32, #tpu.memory_space<hbm>> -> memref<8x200x32xf32, #tpu.memory_space<hbm>>
      tpu.wait_dma2 semaphore(%arg10 : memref<!tpu.dma_semaphore, #tpu.memory_space<semaphore_mem>>) src(%arg6 : memref<8x200x32xf32, #tpu.memory_space<vmem>>) dst(%dma_wait3A_816 : memref<8x200x32xf32, #tpu.memory_space<hbm>>)
      %mul3A_817 = arith.constant 2 : i32
      %mul3A_818 = arith.muli %scan3A_808, %mul3A_817 : i32
      %mul3A_819 = arith.constant 8 : i32
      %mul3A_820 = arith.muli %mul3A_818, %mul3A_819 : i32
      %add3A_821 = arith.addi %mul3A_2, %mul3A_820 : i32
      "tpu.region"() ({
        %run_scoped3A = tpu.sem_alloc : memref<!tpu.dma_semaphore, #tpu.memory_space<semaphore_mem>>
        %dma_start3A_1622 = arith.constant 0 : i32
        %dma_start3A_1623 = tpu.memref_slice %arg2[%add3A_821, %dma_start3A_1622] : memref<16384x200xi32, #tpu.memory_space<hbm>> -> memref<16x200xi32, #tpu.memory_space<hbm>>
        %dma_start3A_1624 = arith.constant 0 : i32
        %dma_start3A_1625 = tpu.memref_slice %arg2[%add3A_821, %dma_start3A_1624] : memref<16384x200xi32, #tpu.memory_space<hbm>> -> memref<16x200xi32, #tpu.memory_space<hbm>>
        tpu.enqueue_dma source(%dma_start3A_1625 : memref<16x200xi32, #tpu.memory_space<hbm>>) target(%arg5 : memref<16x200xi32, #tpu.memory_space<vmem>>) target_semaphore(%run_scoped3A : memref<!tpu.dma_semaphore, #tpu.memory_space<semaphore_mem>>)
        %dma_wait3A_1626 = arith.constant 0 : i32
        %dma_wait3A_1627 = tpu.memref_slice %arg2[%add3A_821, %dma_wait3A_1626] : memref<16384x200xi32, #tpu.memory_space<hbm>> -> memref<16x200xi32, #tpu.memory_space<hbm>>
        %dma_wait3A_1628 = arith.constant 0 : i32
        %dma_wait3A_1629 = tpu.memref_slice %arg2[%add3A_821, %dma_wait3A_1628] : memref<16384x200xi32, #tpu.memory_space<hbm>> -> memref<16x200xi32, #tpu.memory_space<hbm>>
        tpu.wait_dma2 semaphore(%run_scoped3A : memref<!tpu.dma_semaphore, #tpu.memory_space<semaphore_mem>>) src(%dma_wait3A_1629 : memref<16x200xi32, #tpu.memory_space<hbm>>) dst(%arg5 : memref<16x200xi32, #tpu.memory_space<vmem>>)
        tpu.yield
      }) : () -> ()
      %dma_start3A_822 = arith.constant 0 : i32
      %dma_start3A_823 = arith.constant 0 : i32
      %dma_start3A_824 = arith.constant 0 : i32
      %dma_start3A_825 = arith.constant 0 : i32
      %dma_start3A_826 = tpu.memref_slice %arg6[%dma_start3A_823, %dma_start3A_824, %dma_start3A_825] : memref<8x200x32xf32, #tpu.memory_space<vmem>> -> memref<1x128x32xf32, #tpu.memory_space<vmem>>
      %dma_start3A_827 = tpu.memref_squeeze %dma_start3A_826 : memref<1x128x32xf32, #tpu.memory_space<vmem>> -> memref<128x32xf32, #tpu.memory_space<vmem>>
      %dma_start3A_828 = arith.constant 0 : i32
      %dma_start3A_829 = tpu.memref_slice %arg5[%dma_start3A_822, %dma_start3A_828] : memref<16x200xi32, #tpu.memory_space<vmem>> -> memref<1x128xi32, #tpu.memory_space<vmem>>
      %dma_start3A_830 = tpu.memref_squeeze %dma_start3A_829 : memref<1x128xi32, #tpu.memory_space<vmem>> -> memref<128xi32, #tpu.memory_space<vmem>>
      %dma_start3A_831 = arith.constant 0 : i32
      %dma_start3A_832 = arith.constant 0 : i32
      %dma_start3A_833 = tpu.memref_slice %arg3[%dma_start3A_831, %dma_start3A_832] : memref<1000000x32xf32, #tpu.memory_space<hbm>> -> memref<1000000x32xf32, #tpu.memory_space<hbm>>
      tpu.enqueue_indirect_dma source(%dma_start3A_833 : memref<1000000x32xf32, #tpu.memory_space<hbm>>) target(%dma_start3A_827 : memref<128x32xf32, #tpu.memory_space<vmem>>) offsets(%dma_start3A_830 : memref<128xi32, #tpu.memory_space<vmem>>) semaphore(%arg8 : memref<!tpu.dma_semaphore, #tpu.memory_space<semaphore_mem>>)
      %dma_start3A_834 = arith.constant 0 : i32
      %dma_start3A_835 = arith.constant 0 : i32
      %dma_start3A_836 = arith.constant 128 : i32
      %dma_start3A_837 = arith.constant 0 : i32
      %dma_start3A_838 = tpu.memref_slice %arg6[%dma_start3A_835, %dma_start3A_836, %dma_start3A_837] : memref<8x200x32xf32, #tpu.memory_space<vmem>> -> memref<1x72x32xf32, #tpu.memory_space<vmem>>
      %dma_start3A_839 = tpu.memref_squeeze %dma_start3A_838 : memref<1x72x32xf32, #tpu.memory_space<vmem>> -> memref<72x32xf32, #tpu.memory_space<vmem>>
      %dma_start3A_840 = arith.constant 128 : i32
      %dma_start3A_841 = tpu.memref_slice %arg5[%dma_start3A_834, %dma_start3A_840] : memref<16x200xi32, #tpu.memory_space<vmem>> -> memref<1x72xi32, #tpu.memory_space<vmem>>
      %dma_start3A_842 = tpu.memref_squeeze %dma_start3A_841 : memref<1x72xi32, #tpu.memory_space<vmem>> -> memref<72xi32, #tpu.memory_space<vmem>>
      %dma_start3A_843 = arith.constant 0 : i32
      %dma_start3A_844 = arith.constant 0 : i32
      %dma_start3A_845 = tpu.memref_slice %arg3[%dma_start3A_843, %dma_start3A_844] : memref<1000000x32xf32, #tpu.memory_space<hbm>> -> memref<1000000x32xf32, #tpu.memory_space<hbm>>
      tpu.enqueue_indirect_dma source(%dma_start3A_845 : memref<1000000x32xf32, #tpu.memory_space<hbm>>) target(%dma_start3A_839 : memref<72x32xf32, #tpu.memory_space<vmem>>) offsets(%dma_start3A_842 : memref<72xi32, #tpu.memory_space<vmem>>) semaphore(%arg8 : memref<!tpu.dma_semaphore, #tpu.memory_space<semaphore_mem>>)
      %dma_start3A_846 = arith.constant 1 : i32
      %dma_start3A_847 = arith.constant 1 : i32
      %dma_start3A_848 = arith.constant 0 : i32
      %dma_start3A_849 = arith.constant 0 : i32
      %dma_start3A_850 = tpu.memref_slice %arg6[%dma_start3A_847, %dma_start3A_848, %dma_start3A_849] : memref<8x200x32xf32, #tpu.memory_space<vmem>> -> memref<1x128x32xf32, #tpu.memory_space<vmem>>
      %dma_start3A_851 = tpu.memref_squeeze %dma_start3A_850 : memref<1x128x32xf32, #tpu.memory_space<vmem>> -> memref<128x32xf32, #tpu.memory_space<vmem>>
      %dma_start3A_852 = arith.constant 0 : i32
      %dma_start3A_853 = tpu.memref_slice %arg5[%dma_start3A_846, %dma_start3A_852] : memref<16x200xi32, #tpu.memory_space<vmem>> -> memref<1x128xi32, #tpu.memory_space<vmem>>
      %dma_start3A_854 = tpu.memref_squeeze %dma_start3A_853 : memref<1x128xi32, #tpu.memory_space<vmem>> -> memref<128xi32, #tpu.memory_space<vmem>>
      %dma_start3A_855 = arith.constant 0 : i32
      %dma_start3A_856 = arith.constant 0 : i32
      %dma_start3A_857 = tpu.memref_slice %arg3[%dma_start3A_855, %dma_start3A_856] : memref<1000000x32xf32, #tpu.memory_space<hbm>> -> memref<1000000x32xf32, #tpu.memory_space<hbm>>
      tpu.enqueue_indirect_dma source(%dma_start3A_857 : memref<1000000x32xf32, #tpu.memory_space<hbm>>) target(%dma_start3A_851 : memref<128x32xf32, #tpu.memory_space<vmem>>) offsets(%dma_start3A_854 : memref<128xi32, #tpu.memory_space<vmem>>) semaphore(%arg8 : memref<!tpu.dma_semaphore, #tpu.memory_space<semaphore_mem>>)
      %dma_start3A_858 = arith.constant 1 : i32
      %dma_start3A_859 = arith.constant 1 : i32
      %dma_start3A_860 = arith.constant 128 : i32
      %dma_start3A_861 = arith.constant 0 : i32
      %dma_start3A_862 = tpu.memref_slice %arg6[%dma_start3A_859, %dma_start3A_860, %dma_start3A_861] : memref<8x200x32xf32, #tpu.memory_space<vmem>> -> memref<1x72x32xf32, #tpu.memory_space<vmem>>
      %dma_start3A_863 = tpu.memref_squeeze %dma_start3A_862 : memref<1x72x32xf32, #tpu.memory_space<vmem>> -> memref<72x32xf32, #tpu.memory_space<vmem>>
      %dma_start3A_864 = arith.constant 128 : i32
      %dma_start3A_865 = tpu.memref_slice %arg5[%dma_start3A_858, %dma_start3A_864] : memref<16x200xi32, #tpu.memory_space<vmem>> -> memref<1x72xi32, #tpu.memory_space<vmem>>
      %dma_start3A_866 = tpu.memref_squeeze %dma_start3A_865 : memref<1x72xi32, #tpu.memory_space<vmem>> -> memref<72xi32, #tpu.memory_space<vmem>>
      %dma_start3A_867 = arith.constant 0 : i32
      %dma_start3A_868 = arith.constant 0 : i32
      %dma_start3A_869 = tpu.memref_slice %arg3[%dma_start3A_867, %dma_start3A_868] : memref<1000000x32xf32, #tpu.memory_space<hbm>> -> memref<1000000x32xf32, #tpu.memory_space<hbm>>
      tpu.enqueue_indirect_dma source(%dma_start3A_869 : memref<1000000x32xf32, #tpu.memory_space<hbm>>) target(%dma_start3A_863 : memref<72x32xf32, #tpu.memory_space<vmem>>) offsets(%dma_start3A_866 : memref<72xi32, #tpu.memory_space<vmem>>) semaphore(%arg8 : memref<!tpu.dma_semaphore, #tpu.memory_space<semaphore_mem>>)
      %dma_start3A_870 = arith.constant 2 : i32
      %dma_start3A_871 = arith.constant 2 : i32
      %dma_start3A_872 = arith.constant 0 : i32
      %dma_start3A_873 = arith.constant 0 : i32
      %dma_start3A_874 = tpu.memref_slice %arg6[%dma_start3A_871, %dma_start3A_872, %dma_start3A_873] : memref<8x200x32xf32, #tpu.memory_space<vmem>> -> memref<1x128x32xf32, #tpu.memory_space<vmem>>
      %dma_start3A_875 = tpu.memref_squeeze %dma_start3A_874 : memref<1x128x32xf32, #tpu.memory_space<vmem>> -> memref<128x32xf32, #tpu.memory_space<vmem>>
      %dma_start3A_876 = arith.constant 0 : i32
      %dma_start3A_877 = tpu.memref_slice %arg5[%dma_start3A_870, %dma_start3A_876] : memref<16x200xi32, #tpu.memory_space<vmem>> -> memref<1x128xi32, #tpu.memory_space<vmem>>
      %dma_start3A_878 = tpu.memref_squeeze %dma_start3A_877 : memref<1x128xi32, #tpu.memory_space<vmem>> -> memref<128xi32, #tpu.memory_space<vmem>>
      %dma_start3A_879 = arith.constant 0 : i32
      %dma_start3A_880 = arith.constant 0 : i32
      %dma_start3A_881 = tpu.memref_slice %arg3[%dma_start3A_879, %dma_start3A_880] : memref<1000000x32xf32, #tpu.memory_space<hbm>> -> memref<1000000x32xf32, #tpu.memory_space<hbm>>
      tpu.enqueue_indirect_dma source(%dma_start3A_881 : memref<1000000x32xf32, #tpu.memory_space<hbm>>) target(%dma_start3A_875 : memref<128x32xf32, #tpu.memory_space<vmem>>) offsets(%dma_start3A_878 : memref<128xi32, #tpu.memory_space<vmem>>) semaphore(%arg8 : memref<!tpu.dma_semaphore, #tpu.memory_space<semaphore_mem>>)
      %dma_start3A_882 = arith.constant 2 : i32
      %dma_start3A_883 = arith.constant 2 : i32
      %dma_start3A_884 = arith.constant 128 : i32
      %dma_start3A_885 = arith.constant 0 : i32
      %dma_start3A_886 = tpu.memref_slice %arg6[%dma_start3A_883, %dma_start3A_884, %dma_start3A_885] : memref<8x200x32xf32, #tpu.memory_space<vmem>> -> memref<1x72x32xf32, #tpu.memory_space<vmem>>
      %dma_start3A_887 = tpu.memref_squeeze %dma_start3A_886 : memref<1x72x32xf32, #tpu.memory_space<vmem>> -> memref<72x32xf32, #tpu.memory_space<vmem>>
      %dma_start3A_888 = arith.constant 128 : i32
      %dma_start3A_889 = tpu.memref_slice %arg5[%dma_start3A_882, %dma_start3A_888] : memref<16x200xi32, #tpu.memory_space<vmem>> -> memref<1x72xi32, #tpu.memory_space<vmem>>
      %dma_start3A_890 = tpu.memref_squeeze %dma_start3A_889 : memref<1x72xi32, #tpu.memory_space<vmem>> -> memref<72xi32, #tpu.memory_space<vmem>>
      %dma_start3A_891 = arith.constant 0 : i32
      %dma_start3A_892 = arith.constant 0 : i32
      %dma_start3A_893 = tpu.memref_slice %arg3[%dma_start3A_891, %dma_start3A_892] : memref<1000000x32xf32, #tpu.memory_space<hbm>> -> memref<1000000x32xf32, #tpu.memory_space<hbm>>
      tpu.enqueue_indirect_dma source(%dma_start3A_893 : memref<1000000x32xf32, #tpu.memory_space<hbm>>) target(%dma_start3A_887 : memref<72x32xf32, #tpu.memory_space<vmem>>) offsets(%dma_start3A_890 : memref<72xi32, #tpu.memory_space<vmem>>) semaphore(%arg8 : memref<!tpu.dma_semaphore, #tpu.memory_space<semaphore_mem>>)
      %dma_start3A_894 = arith.constant 3 : i32
      %dma_start3A_895 = arith.constant 3 : i32
      %dma_start3A_896 = arith.constant 0 : i32
      %dma_start3A_897 = arith.constant 0 : i32
      %dma_start3A_898 = tpu.memref_slice %arg6[%dma_start3A_895, %dma_start3A_896, %dma_start3A_897] : memref<8x200x32xf32, #tpu.memory_space<vmem>> -> memref<1x128x32xf32, #tpu.memory_space<vmem>>
      %dma_start3A_899 = tpu.memref_squeeze %dma_start3A_898 : memref<1x128x32xf32, #tpu.memory_space<vmem>> -> memref<128x32xf32, #tpu.memory_space<vmem>>
      %dma_start3A_900 = arith.constant 0 : i32
      %dma_start3A_901 = tpu.memref_slice %arg5[%dma_start3A_894, %dma_start3A_900] : memref<16x200xi32, #tpu.memory_space<vmem>> -> memref<1x128xi32, #tpu.memory_space<vmem>>
      %dma_start3A_902 = tpu.memref_squeeze %dma_start3A_901 : memref<1x128xi32, #tpu.memory_space<vmem>> -> memref<128xi32, #tpu.memory_space<vmem>>
      %dma_start3A_903 = arith.constant 0 : i32
      %dma_start3A_904 = arith.constant 0 : i32
      %dma_start3A_905 = tpu.memref_slice %arg3[%dma_start3A_903, %dma_start3A_904] : memref<1000000x32xf32, #tpu.memory_space<hbm>> -> memref<1000000x32xf32, #tpu.memory_space<hbm>>
      tpu.enqueue_indirect_dma source(%dma_start3A_905 : memref<1000000x32xf32, #tpu.memory_space<hbm>>) target(%dma_start3A_899 : memref<128x32xf32, #tpu.memory_space<vmem>>) offsets(%dma_start3A_902 : memref<128xi32, #tpu.memory_space<vmem>>) semaphore(%arg8 : memref<!tpu.dma_semaphore, #tpu.memory_space<semaphore_mem>>)
      %dma_start3A_906 = arith.constant 3 : i32
      %dma_start3A_907 = arith.constant 3 : i32
      %dma_start3A_908 = arith.constant 128 : i32
      %dma_start3A_909 = arith.constant 0 : i32
      %dma_start3A_910 = tpu.memref_slice %arg6[%dma_start3A_907, %dma_start3A_908, %dma_start3A_909] : memref<8x200x32xf32, #tpu.memory_space<vmem>> -> memref<1x72x32xf32, #tpu.memory_space<vmem>>
      %dma_start3A_911 = tpu.memref_squeeze %dma_start3A_910 : memref<1x72x32xf32, #tpu.memory_space<vmem>> -> memref<72x32xf32, #tpu.memory_space<vmem>>
      %dma_start3A_912 = arith.constant 128 : i32
      %dma_start3A_913 = tpu.memref_slice %arg5[%dma_start3A_906, %dma_start3A_912] : memref<16x200xi32, #tpu.memory_space<vmem>> -> memref<1x72xi32, #tpu.memory_space<vmem>>
      %dma_start3A_914 = tpu.memref_squeeze %dma_start3A_913 : memref<1x72xi32, #tpu.memory_space<vmem>> -> memref<72xi32, #tpu.memory_space<vmem>>
      %dma_start3A_915 = arith.constant 0 : i32
      %dma_start3A_916 = arith.constant 0 : i32
      %dma_start3A_917 = tpu.memref_slice %arg3[%dma_start3A_915, %dma_start3A_916] : memref<1000000x32xf32, #tpu.memory_space<hbm>> -> memref<1000000x32xf32, #tpu.memory_space<hbm>>
      tpu.enqueue_indirect_dma source(%dma_start3A_917 : memref<1000000x32xf32, #tpu.memory_space<hbm>>) target(%dma_start3A_911 : memref<72x32xf32, #tpu.memory_space<vmem>>) offsets(%dma_start3A_914 : memref<72xi32, #tpu.memory_space<vmem>>) semaphore(%arg8 : memref<!tpu.dma_semaphore, #tpu.memory_space<semaphore_mem>>)
      %dma_start3A_918 = arith.constant 4 : i32
      %dma_start3A_919 = arith.constant 4 : i32
      %dma_start3A_920 = arith.constant 0 : i32
      %dma_start3A_921 = arith.constant 0 : i32
      %dma_start3A_922 = tpu.memref_slice %arg6[%dma_start3A_919, %dma_start3A_920, %dma_start3A_921] : memref<8x200x32xf32, #tpu.memory_space<vmem>> -> memref<1x128x32xf32, #tpu.memory_space<vmem>>
      %dma_start3A_923 = tpu.memref_squeeze %dma_start3A_922 : memref<1x128x32xf32, #tpu.memory_space<vmem>> -> memref<128x32xf32, #tpu.memory_space<vmem>>
      %dma_start3A_924 = arith.constant 0 : i32
      %dma_start3A_925 = tpu.memref_slice %arg5[%dma_start3A_918, %dma_start3A_924] : memref<16x200xi32, #tpu.memory_space<vmem>> -> memref<1x128xi32, #tpu.memory_space<vmem>>
      %dma_start3A_926 = tpu.memref_squeeze %dma_start3A_925 : memref<1x128xi32, #tpu.memory_space<vmem>> -> memref<128xi32, #tpu.memory_space<vmem>>
      %dma_start3A_927 = arith.constant 0 : i32
      %dma_start3A_928 = arith.constant 0 : i32
      %dma_start3A_929 = tpu.memref_slice %arg3[%dma_start3A_927, %dma_start3A_928] : memref<1000000x32xf32, #tpu.memory_space<hbm>> -> memref<1000000x32xf32, #tpu.memory_space<hbm>>
      tpu.enqueue_indirect_dma source(%dma_start3A_929 : memref<1000000x32xf32, #tpu.memory_space<hbm>>) target(%dma_start3A_923 : memref<128x32xf32, #tpu.memory_space<vmem>>) offsets(%dma_start3A_926 : memref<128xi32, #tpu.memory_space<vmem>>) semaphore(%arg8 : memref<!tpu.dma_semaphore, #tpu.memory_space<semaphore_mem>>)
      %dma_start3A_930 = arith.constant 4 : i32
      %dma_start3A_931 = arith.constant 4 : i32
      %dma_start3A_932 = arith.constant 128 : i32
      %dma_start3A_933 = arith.constant 0 : i32
      %dma_start3A_934 = tpu.memref_slice %arg6[%dma_start3A_931, %dma_start3A_932, %dma_start3A_933] : memref<8x200x32xf32, #tpu.memory_space<vmem>> -> memref<1x72x32xf32, #tpu.memory_space<vmem>>
      %dma_start3A_935 = tpu.memref_squeeze %dma_start3A_934 : memref<1x72x32xf32, #tpu.memory_space<vmem>> -> memref<72x32xf32, #tpu.memory_space<vmem>>
      %dma_start3A_936 = arith.constant 128 : i32
      %dma_start3A_937 = tpu.memref_slice %arg5[%dma_start3A_930, %dma_start3A_936] : memref<16x200xi32, #tpu.memory_space<vmem>> -> memref<1x72xi32, #tpu.memory_space<vmem>>
      %dma_start3A_938 = tpu.memref_squeeze %dma_start3A_937 : memref<1x72xi32, #tpu.memory_space<vmem>> -> memref<72xi32, #tpu.memory_space<vmem>>
      %dma_start3A_939 = arith.constant 0 : i32
      %dma_start3A_940 = arith.constant 0 : i32
      %dma_start3A_941 = tpu.memref_slice %arg3[%dma_start3A_939, %dma_start3A_940] : memref<1000000x32xf32, #tpu.memory_space<hbm>> -> memref<1000000x32xf32, #tpu.memory_space<hbm>>
      tpu.enqueue_indirect_dma source(%dma_start3A_941 : memref<1000000x32xf32, #tpu.memory_space<hbm>>) target(%dma_start3A_935 : memref<72x32xf32, #tpu.memory_space<vmem>>) offsets(%dma_start3A_938 : memref<72xi32, #tpu.memory_space<vmem>>) semaphore(%arg8 : memref<!tpu.dma_semaphore, #tpu.memory_space<semaphore_mem>>)
      %dma_start3A_942 = arith.constant 5 : i32
      %dma_start3A_943 = arith.constant 5 : i32
      %dma_start3A_944 = arith.constant 0 : i32
      %dma_start3A_945 = arith.constant 0 : i32
      %dma_start3A_946 = tpu.memref_slice %arg6[%dma_start3A_943, %dma_start3A_944, %dma_start3A_945] : memref<8x200x32xf32, #tpu.memory_space<vmem>> -> memref<1x128x32xf32, #tpu.memory_space<vmem>>
      %dma_start3A_947 = tpu.memref_squeeze %dma_start3A_946 : memref<1x128x32xf32, #tpu.memory_space<vmem>> -> memref<128x32xf32, #tpu.memory_space<vmem>>
      %dma_start3A_948 = arith.constant 0 : i32
      %dma_start3A_949 = tpu.memref_slice %arg5[%dma_start3A_942, %dma_start3A_948] : memref<16x200xi32, #tpu.memory_space<vmem>> -> memref<1x128xi32, #tpu.memory_space<vmem>>
      %dma_start3A_950 = tpu.memref_squeeze %dma_start3A_949 : memref<1x128xi32, #tpu.memory_space<vmem>> -> memref<128xi32, #tpu.memory_space<vmem>>
      %dma_start3A_951 = arith.constant 0 : i32
      %dma_start3A_952 = arith.constant 0 : i32
      %dma_start3A_953 = tpu.memref_slice %arg3[%dma_start3A_951, %dma_start3A_952] : memref<1000000x32xf32, #tpu.memory_space<hbm>> -> memref<1000000x32xf32, #tpu.memory_space<hbm>>
      tpu.enqueue_indirect_dma source(%dma_start3A_953 : memref<1000000x32xf32, #tpu.memory_space<hbm>>) target(%dma_start3A_947 : memref<128x32xf32, #tpu.memory_space<vmem>>) offsets(%dma_start3A_950 : memref<128xi32, #tpu.memory_space<vmem>>) semaphore(%arg8 : memref<!tpu.dma_semaphore, #tpu.memory_space<semaphore_mem>>)
      %dma_start3A_954 = arith.constant 5 : i32
      %dma_start3A_955 = arith.constant 5 : i32
      %dma_start3A_956 = arith.constant 128 : i32
      %dma_start3A_957 = arith.constant 0 : i32
      %dma_start3A_958 = tpu.memref_slice %arg6[%dma_start3A_955, %dma_start3A_956, %dma_start3A_957] : memref<8x200x32xf32, #tpu.memory_space<vmem>> -> memref<1x72x32xf32, #tpu.memory_space<vmem>>
      %dma_start3A_959 = tpu.memref_squeeze %dma_start3A_958 : memref<1x72x32xf32, #tpu.memory_space<vmem>> -> memref<72x32xf32, #tpu.memory_space<vmem>>
      %dma_start3A_960 = arith.constant 128 : i32
      %dma_start3A_961 = tpu.memref_slice %arg5[%dma_start3A_954, %dma_start3A_960] : memref<16x200xi32, #tpu.memory_space<vmem>> -> memref<1x72xi32, #tpu.memory_space<vmem>>
      %dma_start3A_962 = tpu.memref_squeeze %dma_start3A_961 : memref<1x72xi32, #tpu.memory_space<vmem>> -> memref<72xi32, #tpu.memory_space<vmem>>
      %dma_start3A_963 = arith.constant 0 : i32
      %dma_start3A_964 = arith.constant 0 : i32
      %dma_start3A_965 = tpu.memref_slice %arg3[%dma_start3A_963, %dma_start3A_964] : memref<1000000x32xf32, #tpu.memory_space<hbm>> -> memref<1000000x32xf32, #tpu.memory_space<hbm>>
      tpu.enqueue_indirect_dma source(%dma_start3A_965 : memref<1000000x32xf32, #tpu.memory_space<hbm>>) target(%dma_start3A_959 : memref<72x32xf32, #tpu.memory_space<vmem>>) offsets(%dma_start3A_962 : memref<72xi32, #tpu.memory_space<vmem>>) semaphore(%arg8 : memref<!tpu.dma_semaphore, #tpu.memory_space<semaphore_mem>>)
      %dma_start3A_966 = arith.constant 6 : i32
      %dma_start3A_967 = arith.constant 6 : i32
      %dma_start3A_968 = arith.constant 0 : i32
      %dma_start3A_969 = arith.constant 0 : i32
      %dma_start3A_970 = tpu.memref_slice %arg6[%dma_start3A_967, %dma_start3A_968, %dma_start3A_969] : memref<8x200x32xf32, #tpu.memory_space<vmem>> -> memref<1x128x32xf32, #tpu.memory_space<vmem>>
      %dma_start3A_971 = tpu.memref_squeeze %dma_start3A_970 : memref<1x128x32xf32, #tpu.memory_space<vmem>> -> memref<128x32xf32, #tpu.memory_space<vmem>>
      %dma_start3A_972 = arith.constant 0 : i32
      %dma_start3A_973 = tpu.memref_slice %arg5[%dma_start3A_966, %dma_start3A_972] : memref<16x200xi32, #tpu.memory_space<vmem>> -> memref<1x128xi32, #tpu.memory_space<vmem>>
      %dma_start3A_974 = tpu.memref_squeeze %dma_start3A_973 : memref<1x128xi32, #tpu.memory_space<vmem>> -> memref<128xi32, #tpu.memory_space<vmem>>
      %dma_start3A_975 = arith.constant 0 : i32
      %dma_start3A_976 = arith.constant 0 : i32
      %dma_start3A_977 = tpu.memref_slice %arg3[%dma_start3A_975, %dma_start3A_976] : memref<1000000x32xf32, #tpu.memory_space<hbm>> -> memref<1000000x32xf32, #tpu.memory_space<hbm>>
      tpu.enqueue_indirect_dma source(%dma_start3A_977 : memref<1000000x32xf32, #tpu.memory_space<hbm>>) target(%dma_start3A_971 : memref<128x32xf32, #tpu.memory_space<vmem>>) offsets(%dma_start3A_974 : memref<128xi32, #tpu.memory_space<vmem>>) semaphore(%arg8 : memref<!tpu.dma_semaphore, #tpu.memory_space<semaphore_mem>>)
      %dma_start3A_978 = arith.constant 6 : i32
      %dma_start3A_979 = arith.constant 6 : i32
      %dma_start3A_980 = arith.constant 128 : i32
      %dma_start3A_981 = arith.constant 0 : i32
      %dma_start3A_982 = tpu.memref_slice %arg6[%dma_start3A_979, %dma_start3A_980, %dma_start3A_981] : memref<8x200x32xf32, #tpu.memory_space<vmem>> -> memref<1x72x32xf32, #tpu.memory_space<vmem>>
      %dma_start3A_983 = tpu.memref_squeeze %dma_start3A_982 : memref<1x72x32xf32, #tpu.memory_space<vmem>> -> memref<72x32xf32, #tpu.memory_space<vmem>>
      %dma_start3A_984 = arith.constant 128 : i32
      %dma_start3A_985 = tpu.memref_slice %arg5[%dma_start3A_978, %dma_start3A_984] : memref<16x200xi32, #tpu.memory_space<vmem>> -> memref<1x72xi32, #tpu.memory_space<vmem>>
      %dma_start3A_986 = tpu.memref_squeeze %dma_start3A_985 : memref<1x72xi32, #tpu.memory_space<vmem>> -> memref<72xi32, #tpu.memory_space<vmem>>
      %dma_start3A_987 = arith.constant 0 : i32
      %dma_start3A_988 = arith.constant 0 : i32
      %dma_start3A_989 = tpu.memref_slice %arg3[%dma_start3A_987, %dma_start3A_988] : memref<1000000x32xf32, #tpu.memory_space<hbm>> -> memref<1000000x32xf32, #tpu.memory_space<hbm>>
      tpu.enqueue_indirect_dma source(%dma_start3A_989 : memref<1000000x32xf32, #tpu.memory_space<hbm>>) target(%dma_start3A_983 : memref<72x32xf32, #tpu.memory_space<vmem>>) offsets(%dma_start3A_986 : memref<72xi32, #tpu.memory_space<vmem>>) semaphore(%arg8 : memref<!tpu.dma_semaphore, #tpu.memory_space<semaphore_mem>>)
      %dma_start3A_990 = arith.constant 7 : i32
      %dma_start3A_991 = arith.constant 7 : i32
      %dma_start3A_992 = arith.constant 0 : i32
      %dma_start3A_993 = arith.constant 0 : i32
      %dma_start3A_994 = tpu.memref_slice %arg6[%dma_start3A_991, %dma_start3A_992, %dma_start3A_993] : memref<8x200x32xf32, #tpu.memory_space<vmem>> -> memref<1x128x32xf32, #tpu.memory_space<vmem>>
      %dma_start3A_995 = tpu.memref_squeeze %dma_start3A_994 : memref<1x128x32xf32, #tpu.memory_space<vmem>> -> memref<128x32xf32, #tpu.memory_space<vmem>>
      %dma_start3A_996 = arith.constant 0 : i32
      %dma_start3A_997 = tpu.memref_slice %arg5[%dma_start3A_990, %dma_start3A_996] : memref<16x200xi32, #tpu.memory_space<vmem>> -> memref<1x128xi32, #tpu.memory_space<vmem>>
      %dma_start3A_998 = tpu.memref_squeeze %dma_start3A_997 : memref<1x128xi32, #tpu.memory_space<vmem>> -> memref<128xi32, #tpu.memory_space<vmem>>
      %dma_start3A_999 = arith.constant 0 : i32
      %dma_start3A_1000 = arith.constant 0 : i32
      %dma_start3A_1001 = tpu.memref_slice %arg3[%dma_start3A_999, %dma_start3A_1000] : memref<1000000x32xf32, #tpu.memory_space<hbm>> -> memref<1000000x32xf32, #tpu.memory_space<hbm>>
      tpu.enqueue_indirect_dma source(%dma_start3A_1001 : memref<1000000x32xf32, #tpu.memory_space<hbm>>) target(%dma_start3A_995 : memref<128x32xf32, #tpu.memory_space<vmem>>) offsets(%dma_start3A_998 : memref<128xi32, #tpu.memory_space<vmem>>) semaphore(%arg8 : memref<!tpu.dma_semaphore, #tpu.memory_space<semaphore_mem>>)
      %dma_start3A_1002 = arith.constant 7 : i32
      %dma_start3A_1003 = arith.constant 7 : i32
      %dma_start3A_1004 = arith.constant 128 : i32
      %dma_start3A_1005 = arith.constant 0 : i32
      %dma_start3A_1006 = tpu.memref_slice %arg6[%dma_start3A_1003, %dma_start3A_1004, %dma_start3A_1005] : memref<8x200x32xf32, #tpu.memory_space<vmem>> -> memref<1x72x32xf32, #tpu.memory_space<vmem>>
      %dma_start3A_1007 = tpu.memref_squeeze %dma_start3A_1006 : memref<1x72x32xf32, #tpu.memory_space<vmem>> -> memref<72x32xf32, #tpu.memory_space<vmem>>
      %dma_start3A_1008 = arith.constant 128 : i32
      %dma_start3A_1009 = tpu.memref_slice %arg5[%dma_start3A_1002, %dma_start3A_1008] : memref<16x200xi32, #tpu.memory_space<vmem>> -> memref<1x72xi32, #tpu.memory_space<vmem>>
      %dma_start3A_1010 = tpu.memref_squeeze %dma_start3A_1009 : memref<1x72xi32, #tpu.memory_space<vmem>> -> memref<72xi32, #tpu.memory_space<vmem>>
      %dma_start3A_1011 = arith.constant 0 : i32
      %dma_start3A_1012 = arith.constant 0 : i32
      %dma_start3A_1013 = tpu.memref_slice %arg3[%dma_start3A_1011, %dma_start3A_1012] : memref<1000000x32xf32, #tpu.memory_space<hbm>> -> memref<1000000x32xf32, #tpu.memory_space<hbm>>
      tpu.enqueue_indirect_dma source(%dma_start3A_1013 : memref<1000000x32xf32, #tpu.memory_space<hbm>>) target(%dma_start3A_1007 : memref<72x32xf32, #tpu.memory_space<vmem>>) offsets(%dma_start3A_1010 : memref<72xi32, #tpu.memory_space<vmem>>) semaphore(%arg8 : memref<!tpu.dma_semaphore, #tpu.memory_space<semaphore_mem>>)
      %dma_wait3A_1014 = arith.constant 0 : i32
      %dma_wait3A_1015 = arith.constant 0 : i32
      %dma_wait3A_1016 = arith.constant 0 : i32
      %dma_wait3A_1017 = tpu.memref_slice %arg4[%dma_wait3A_1014, %dma_wait3A_1015, %dma_wait3A_1016] : memref<16384x200x32xf32, #tpu.memory_space<hbm>> -> memref<8x200x32xf32, #tpu.memory_space<hbm>>
      %dma_wait3A_1018 = arith.constant 0 : i32
      %dma_wait3A_1019 = arith.constant 0 : i32
      %dma_wait3A_1020 = arith.constant 0 : i32
      %dma_wait3A_1021 = tpu.memref_slice %arg4[%dma_wait3A_1018, %dma_wait3A_1019, %dma_wait3A_1020] : memref<16384x200x32xf32, #tpu.memory_space<hbm>> -> memref<8x200x32xf32, #tpu.memory_space<hbm>>
      tpu.wait_dma2 semaphore(%arg11 : memref<!tpu.dma_semaphore, #tpu.memory_space<semaphore_mem>>) src(%arg7 : memref<8x200x32xf32, #tpu.memory_space<vmem>>) dst(%dma_wait3A_1021 : memref<8x200x32xf32, #tpu.memory_space<hbm>>)
      %dma_start3A_1022 = arith.constant 8 : i32
      %dma_start3A_1023 = arith.constant 0 : i32
      %dma_start3A_1024 = arith.constant 0 : i32
      %dma_start3A_1025 = arith.constant 0 : i32
      %dma_start3A_1026 = tpu.memref_slice %arg7[%dma_start3A_1023, %dma_start3A_1024, %dma_start3A_1025] : memref<8x200x32xf32, #tpu.memory_space<vmem>> -> memref<1x128x32xf32, #tpu.memory_space<vmem>>
      %dma_start3A_1027 = tpu.memref_squeeze %dma_start3A_1026 : memref<1x128x32xf32, #tpu.memory_space<vmem>> -> memref<128x32xf32, #tpu.memory_space<vmem>>
      %dma_start3A_1028 = arith.constant 0 : i32
      %dma_start3A_1029 = tpu.memref_slice %arg5[%dma_start3A_1022, %dma_start3A_1028] : memref<16x200xi32, #tpu.memory_space<vmem>> -> memref<1x128xi32, #tpu.memory_space<vmem>>
      %dma_start3A_1030 = tpu.memref_squeeze %dma_start3A_1029 : memref<1x128xi32, #tpu.memory_space<vmem>> -> memref<128xi32, #tpu.memory_space<vmem>>
      %dma_start3A_1031 = arith.constant 0 : i32
      %dma_start3A_1032 = arith.constant 0 : i32
      %dma_start3A_1033 = tpu.memref_slice %arg3[%dma_start3A_1031, %dma_start3A_1032] : memref<1000000x32xf32, #tpu.memory_space<hbm>> -> memref<1000000x32xf32, #tpu.memory_space<hbm>>
      tpu.enqueue_indirect_dma source(%dma_start3A_1033 : memref<1000000x32xf32, #tpu.memory_space<hbm>>) target(%dma_start3A_1027 : memref<128x32xf32, #tpu.memory_space<vmem>>) offsets(%dma_start3A_1030 : memref<128xi32, #tpu.memory_space<vmem>>) semaphore(%arg9 : memref<!tpu.dma_semaphore, #tpu.memory_space<semaphore_mem>>)
      %dma_start3A_1034 = arith.constant 8 : i32
      %dma_start3A_1035 = arith.constant 0 : i32
      %dma_start3A_1036 = arith.constant 128 : i32
      %dma_start3A_1037 = arith.constant 0 : i32
      %dma_start3A_1038 = tpu.memref_slice %arg7[%dma_start3A_1035, %dma_start3A_1036, %dma_start3A_1037] : memref<8x200x32xf32, #tpu.memory_space<vmem>> -> memref<1x72x32xf32, #tpu.memory_space<vmem>>
      %dma_start3A_1039 = tpu.memref_squeeze %dma_start3A_1038 : memref<1x72x32xf32, #tpu.memory_space<vmem>> -> memref<72x32xf32, #tpu.memory_space<vmem>>
      %dma_start3A_1040 = arith.constant 128 : i32
      %dma_start3A_1041 = tpu.memref_slice %arg5[%dma_start3A_1034, %dma_start3A_1040] : memref<16x200xi32, #tpu.memory_space<vmem>> -> memref<1x72xi32, #tpu.memory_space<vmem>>
      %dma_start3A_1042 = tpu.memref_squeeze %dma_start3A_1041 : memref<1x72xi32, #tpu.memory_space<vmem>> -> memref<72xi32, #tpu.memory_space<vmem>>
      %dma_start3A_1043 = arith.constant 0 : i32
      %dma_start3A_1044 = arith.constant 0 : i32
      %dma_start3A_1045 = tpu.memref_slice %arg3[%dma_start3A_1043, %dma_start3A_1044] : memref<1000000x32xf32, #tpu.memory_space<hbm>> -> memref<1000000x32xf32, #tpu.memory_space<hbm>>
      tpu.enqueue_indirect_dma source(%dma_start3A_1045 : memref<1000000x32xf32, #tpu.memory_space<hbm>>) target(%dma_start3A_1039 : memref<72x32xf32, #tpu.memory_space<vmem>>) offsets(%dma_start3A_1042 : memref<72xi32, #tpu.memory_space<vmem>>) semaphore(%arg9 : memref<!tpu.dma_semaphore, #tpu.memory_space<semaphore_mem>>)
      %dma_start3A_1046 = arith.constant 9 : i32
      %dma_start3A_1047 = arith.constant 1 : i32
      %dma_start3A_1048 = arith.constant 0 : i32
      %dma_start3A_1049 = arith.constant 0 : i32
      %dma_start3A_1050 = tpu.memref_slice %arg7[%dma_start3A_1047, %dma_start3A_1048, %dma_start3A_1049] : memref<8x200x32xf32, #tpu.memory_space<vmem>> -> memref<1x128x32xf32, #tpu.memory_space<vmem>>
      %dma_start3A_1051 = tpu.memref_squeeze %dma_start3A_1050 : memref<1x128x32xf32, #tpu.memory_space<vmem>> -> memref<128x32xf32, #tpu.memory_space<vmem>>
      %dma_start3A_1052 = arith.constant 0 : i32
      %dma_start3A_1053 = tpu.memref_slice %arg5[%dma_start3A_1046, %dma_start3A_1052] : memref<16x200xi32, #tpu.memory_space<vmem>> -> memref<1x128xi32, #tpu.memory_space<vmem>>
      %dma_start3A_1054 = tpu.memref_squeeze %dma_start3A_1053 : memref<1x128xi32, #tpu.memory_space<vmem>> -> memref<128xi32, #tpu.memory_space<vmem>>
      %dma_start3A_1055 = arith.constant 0 : i32
      %dma_start3A_1056 = arith.constant 0 : i32
      %dma_start3A_1057 = tpu.memref_slice %arg3[%dma_start3A_1055, %dma_start3A_1056] : memref<1000000x32xf32, #tpu.memory_space<hbm>> -> memref<1000000x32xf32, #tpu.memory_space<hbm>>
      tpu.enqueue_indirect_dma source(%dma_start3A_1057 : memref<1000000x32xf32, #tpu.memory_space<hbm>>) target(%dma_start3A_1051 : memref<128x32xf32, #tpu.memory_space<vmem>>) offsets(%dma_start3A_1054 : memref<128xi32, #tpu.memory_space<vmem>>) semaphore(%arg9 : memref<!tpu.dma_semaphore, #tpu.memory_space<semaphore_mem>>)
      %dma_start3A_1058 = arith.constant 9 : i32
      %dma_start3A_1059 = arith.constant 1 : i32
      %dma_start3A_1060 = arith.constant 128 : i32
      %dma_start3A_1061 = arith.constant 0 : i32
      %dma_start3A_1062 = tpu.memref_slice %arg7[%dma_start3A_1059, %dma_start3A_1060, %dma_start3A_1061] : memref<8x200x32xf32, #tpu.memory_space<vmem>> -> memref<1x72x32xf32, #tpu.memory_space<vmem>>
      %dma_start3A_1063 = tpu.memref_squeeze %dma_start3A_1062 : memref<1x72x32xf32, #tpu.memory_space<vmem>> -> memref<72x32xf32, #tpu.memory_space<vmem>>
      %dma_start3A_1064 = arith.constant 128 : i32
      %dma_start3A_1065 = tpu.memref_slice %arg5[%dma_start3A_1058, %dma_start3A_1064] : memref<16x200xi32, #tpu.memory_space<vmem>> -> memref<1x72xi32, #tpu.memory_space<vmem>>
      %dma_start3A_1066 = tpu.memref_squeeze %dma_start3A_1065 : memref<1x72xi32, #tpu.memory_space<vmem>> -> memref<72xi32, #tpu.memory_space<vmem>>
      %dma_start3A_1067 = arith.constant 0 : i32
      %dma_start3A_1068 = arith.constant 0 : i32
      %dma_start3A_1069 = tpu.memref_slice %arg3[%dma_start3A_1067, %dma_start3A_1068] : memref<1000000x32xf32, #tpu.memory_space<hbm>> -> memref<1000000x32xf32, #tpu.memory_space<hbm>>
      tpu.enqueue_indirect_dma source(%dma_start3A_1069 : memref<1000000x32xf32, #tpu.memory_space<hbm>>) target(%dma_start3A_1063 : memref<72x32xf32, #tpu.memory_space<vmem>>) offsets(%dma_start3A_1066 : memref<72xi32, #tpu.memory_space<vmem>>) semaphore(%arg9 : memref<!tpu.dma_semaphore, #tpu.memory_space<semaphore_mem>>)
      %dma_start3A_1070 = arith.constant 10 : i32
      %dma_start3A_1071 = arith.constant 2 : i32
      %dma_start3A_1072 = arith.constant 0 : i32
      %dma_start3A_1073 = arith.constant 0 : i32
      %dma_start3A_1074 = tpu.memref_slice %arg7[%dma_start3A_1071, %dma_start3A_1072, %dma_start3A_1073] : memref<8x200x32xf32, #tpu.memory_space<vmem>> -> memref<1x128x32xf32, #tpu.memory_space<vmem>>
      %dma_start3A_1075 = tpu.memref_squeeze %dma_start3A_1074 : memref<1x128x32xf32, #tpu.memory_space<vmem>> -> memref<128x32xf32, #tpu.memory_space<vmem>>
      %dma_start3A_1076 = arith.constant 0 : i32
      %dma_start3A_1077 = tpu.memref_slice %arg5[%dma_start3A_1070, %dma_start3A_1076] : memref<16x200xi32, #tpu.memory_space<vmem>> -> memref<1x128xi32, #tpu.memory_space<vmem>>
      %dma_start3A_1078 = tpu.memref_squeeze %dma_start3A_1077 : memref<1x128xi32, #tpu.memory_space<vmem>> -> memref<128xi32, #tpu.memory_space<vmem>>
      %dma_start3A_1079 = arith.constant 0 : i32
      %dma_start3A_1080 = arith.constant 0 : i32
      %dma_start3A_1081 = tpu.memref_slice %arg3[%dma_start3A_1079, %dma_start3A_1080] : memref<1000000x32xf32, #tpu.memory_space<hbm>> -> memref<1000000x32xf32, #tpu.memory_space<hbm>>
      tpu.enqueue_indirect_dma source(%dma_start3A_1081 : memref<1000000x32xf32, #tpu.memory_space<hbm>>) target(%dma_start3A_1075 : memref<128x32xf32, #tpu.memory_space<vmem>>) offsets(%dma_start3A_1078 : memref<128xi32, #tpu.memory_space<vmem>>) semaphore(%arg9 : memref<!tpu.dma_semaphore, #tpu.memory_space<semaphore_mem>>)
      %dma_start3A_1082 = arith.constant 10 : i32
      %dma_start3A_1083 = arith.constant 2 : i32
      %dma_start3A_1084 = arith.constant 128 : i32
      %dma_start3A_1085 = arith.constant 0 : i32
      %dma_start3A_1086 = tpu.memref_slice %arg7[%dma_start3A_1083, %dma_start3A_1084, %dma_start3A_1085] : memref<8x200x32xf32, #tpu.memory_space<vmem>> -> memref<1x72x32xf32, #tpu.memory_space<vmem>>
      %dma_start3A_1087 = tpu.memref_squeeze %dma_start3A_1086 : memref<1x72x32xf32, #tpu.memory_space<vmem>> -> memref<72x32xf32, #tpu.memory_space<vmem>>
      %dma_start3A_1088 = arith.constant 128 : i32
      %dma_start3A_1089 = tpu.memref_slice %arg5[%dma_start3A_1082, %dma_start3A_1088] : memref<16x200xi32, #tpu.memory_space<vmem>> -> memref<1x72xi32, #tpu.memory_space<vmem>>
      %dma_start3A_1090 = tpu.memref_squeeze %dma_start3A_1089 : memref<1x72xi32, #tpu.memory_space<vmem>> -> memref<72xi32, #tpu.memory_space<vmem>>
      %dma_start3A_1091 = arith.constant 0 : i32
      %dma_start3A_1092 = arith.constant 0 : i32
      %dma_start3A_1093 = tpu.memref_slice %arg3[%dma_start3A_1091, %dma_start3A_1092] : memref<1000000x32xf32, #tpu.memory_space<hbm>> -> memref<1000000x32xf32, #tpu.memory_space<hbm>>
      tpu.enqueue_indirect_dma source(%dma_start3A_1093 : memref<1000000x32xf32, #tpu.memory_space<hbm>>) target(%dma_start3A_1087 : memref<72x32xf32, #tpu.memory_space<vmem>>) offsets(%dma_start3A_1090 : memref<72xi32, #tpu.memory_space<vmem>>) semaphore(%arg9 : memref<!tpu.dma_semaphore, #tpu.memory_space<semaphore_mem>>)
      %dma_start3A_1094 = arith.constant 11 : i32
      %dma_start3A_1095 = arith.constant 3 : i32
      %dma_start3A_1096 = arith.constant 0 : i32
      %dma_start3A_1097 = arith.constant 0 : i32
      %dma_start3A_1098 = tpu.memref_slice %arg7[%dma_start3A_1095, %dma_start3A_1096, %dma_start3A_1097] : memref<8x200x32xf32, #tpu.memory_space<vmem>> -> memref<1x128x32xf32, #tpu.memory_space<vmem>>
      %dma_start3A_1099 = tpu.memref_squeeze %dma_start3A_1098 : memref<1x128x32xf32, #tpu.memory_space<vmem>> -> memref<128x32xf32, #tpu.memory_space<vmem>>
      %dma_start3A_1100 = arith.constant 0 : i32
      %dma_start3A_1101 = tpu.memref_slice %arg5[%dma_start3A_1094, %dma_start3A_1100] : memref<16x200xi32, #tpu.memory_space<vmem>> -> memref<1x128xi32, #tpu.memory_space<vmem>>
      %dma_start3A_1102 = tpu.memref_squeeze %dma_start3A_1101 : memref<1x128xi32, #tpu.memory_space<vmem>> -> memref<128xi32, #tpu.memory_space<vmem>>
      %dma_start3A_1103 = arith.constant 0 : i32
      %dma_start3A_1104 = arith.constant 0 : i32
      %dma_start3A_1105 = tpu.memref_slice %arg3[%dma_start3A_1103, %dma_start3A_1104] : memref<1000000x32xf32, #tpu.memory_space<hbm>> -> memref<1000000x32xf32, #tpu.memory_space<hbm>>
      tpu.enqueue_indirect_dma source(%dma_start3A_1105 : memref<1000000x32xf32, #tpu.memory_space<hbm>>) target(%dma_start3A_1099 : memref<128x32xf32, #tpu.memory_space<vmem>>) offsets(%dma_start3A_1102 : memref<128xi32, #tpu.memory_space<vmem>>) semaphore(%arg9 : memref<!tpu.dma_semaphore, #tpu.memory_space<semaphore_mem>>)
      %dma_start3A_1106 = arith.constant 11 : i32
      %dma_start3A_1107 = arith.constant 3 : i32
      %dma_start3A_1108 = arith.constant 128 : i32
      %dma_start3A_1109 = arith.constant 0 : i32
      %dma_start3A_1110 = tpu.memref_slice %arg7[%dma_start3A_1107, %dma_start3A_1108, %dma_start3A_1109] : memref<8x200x32xf32, #tpu.memory_space<vmem>> -> memref<1x72x32xf32, #tpu.memory_space<vmem>>
      %dma_start3A_1111 = tpu.memref_squeeze %dma_start3A_1110 : memref<1x72x32xf32, #tpu.memory_space<vmem>> -> memref<72x32xf32, #tpu.memory_space<vmem>>
      %dma_start3A_1112 = arith.constant 128 : i32
      %dma_start3A_1113 = tpu.memref_slice %arg5[%dma_start3A_1106, %dma_start3A_1112] : memref<16x200xi32, #tpu.memory_space<vmem>> -> memref<1x72xi32, #tpu.memory_space<vmem>>
      %dma_start3A_1114 = tpu.memref_squeeze %dma_start3A_1113 : memref<1x72xi32, #tpu.memory_space<vmem>> -> memref<72xi32, #tpu.memory_space<vmem>>
      %dma_start3A_1115 = arith.constant 0 : i32
      %dma_start3A_1116 = arith.constant 0 : i32
      %dma_start3A_1117 = tpu.memref_slice %arg3[%dma_start3A_1115, %dma_start3A_1116] : memref<1000000x32xf32, #tpu.memory_space<hbm>> -> memref<1000000x32xf32, #tpu.memory_space<hbm>>
      tpu.enqueue_indirect_dma source(%dma_start3A_1117 : memref<1000000x32xf32, #tpu.memory_space<hbm>>) target(%dma_start3A_1111 : memref<72x32xf32, #tpu.memory_space<vmem>>) offsets(%dma_start3A_1114 : memref<72xi32, #tpu.memory_space<vmem>>) semaphore(%arg9 : memref<!tpu.dma_semaphore, #tpu.memory_space<semaphore_mem>>)
      %dma_start3A_1118 = arith.constant 12 : i32
      %dma_start3A_1119 = arith.constant 4 : i32
      %dma_start3A_1120 = arith.constant 0 : i32
      %dma_start3A_1121 = arith.constant 0 : i32
      %dma_start3A_1122 = tpu.memref_slice %arg7[%dma_start3A_1119, %dma_start3A_1120, %dma_start3A_1121] : memref<8x200x32xf32, #tpu.memory_space<vmem>> -> memref<1x128x32xf32, #tpu.memory_space<vmem>>
      %dma_start3A_1123 = tpu.memref_squeeze %dma_start3A_1122 : memref<1x128x32xf32, #tpu.memory_space<vmem>> -> memref<128x32xf32, #tpu.memory_space<vmem>>
      %dma_start3A_1124 = arith.constant 0 : i32
      %dma_start3A_1125 = tpu.memref_slice %arg5[%dma_start3A_1118, %dma_start3A_1124] : memref<16x200xi32, #tpu.memory_space<vmem>> -> memref<1x128xi32, #tpu.memory_space<vmem>>
      %dma_start3A_1126 = tpu.memref_squeeze %dma_start3A_1125 : memref<1x128xi32, #tpu.memory_space<vmem>> -> memref<128xi32, #tpu.memory_space<vmem>>
      %dma_start3A_1127 = arith.constant 0 : i32
      %dma_start3A_1128 = arith.constant 0 : i32
      %dma_start3A_1129 = tpu.memref_slice %arg3[%dma_start3A_1127, %dma_start3A_1128] : memref<1000000x32xf32, #tpu.memory_space<hbm>> -> memref<1000000x32xf32, #tpu.memory_space<hbm>>
      tpu.enqueue_indirect_dma source(%dma_start3A_1129 : memref<1000000x32xf32, #tpu.memory_space<hbm>>) target(%dma_start3A_1123 : memref<128x32xf32, #tpu.memory_space<vmem>>) offsets(%dma_start3A_1126 : memref<128xi32, #tpu.memory_space<vmem>>) semaphore(%arg9 : memref<!tpu.dma_semaphore, #tpu.memory_space<semaphore_mem>>)
      %dma_start3A_1130 = arith.constant 12 : i32
      %dma_start3A_1131 = arith.constant 4 : i32
      %dma_start3A_1132 = arith.constant 128 : i32
      %dma_start3A_1133 = arith.constant 0 : i32
      %dma_start3A_1134 = tpu.memref_slice %arg7[%dma_start3A_1131, %dma_start3A_1132, %dma_start3A_1133] : memref<8x200x32xf32, #tpu.memory_space<vmem>> -> memref<1x72x32xf32, #tpu.memory_space<vmem>>
      %dma_start3A_1135 = tpu.memref_squeeze %dma_start3A_1134 : memref<1x72x32xf32, #tpu.memory_space<vmem>> -> memref<72x32xf32, #tpu.memory_space<vmem>>
      %dma_start3A_1136 = arith.constant 128 : i32
      %dma_start3A_1137 = tpu.memref_slice %arg5[%dma_start3A_1130, %dma_start3A_1136] : memref<16x200xi32, #tpu.memory_space<vmem>> -> memref<1x72xi32, #tpu.memory_space<vmem>>
      %dma_start3A_1138 = tpu.memref_squeeze %dma_start3A_1137 : memref<1x72xi32, #tpu.memory_space<vmem>> -> memref<72xi32, #tpu.memory_space<vmem>>
      %dma_start3A_1139 = arith.constant 0 : i32
      %dma_start3A_1140 = arith.constant 0 : i32
      %dma_start3A_1141 = tpu.memref_slice %arg3[%dma_start3A_1139, %dma_start3A_1140] : memref<1000000x32xf32, #tpu.memory_space<hbm>> -> memref<1000000x32xf32, #tpu.memory_space<hbm>>
      tpu.enqueue_indirect_dma source(%dma_start3A_1141 : memref<1000000x32xf32, #tpu.memory_space<hbm>>) target(%dma_start3A_1135 : memref<72x32xf32, #tpu.memory_space<vmem>>) offsets(%dma_start3A_1138 : memref<72xi32, #tpu.memory_space<vmem>>) semaphore(%arg9 : memref<!tpu.dma_semaphore, #tpu.memory_space<semaphore_mem>>)
      %dma_start3A_1142 = arith.constant 13 : i32
      %dma_start3A_1143 = arith.constant 5 : i32
      %dma_start3A_1144 = arith.constant 0 : i32
      %dma_start3A_1145 = arith.constant 0 : i32
      %dma_start3A_1146 = tpu.memref_slice %arg7[%dma_start3A_1143, %dma_start3A_1144, %dma_start3A_1145] : memref<8x200x32xf32, #tpu.memory_space<vmem>> -> memref<1x128x32xf32, #tpu.memory_space<vmem>>
      %dma_start3A_1147 = tpu.memref_squeeze %dma_start3A_1146 : memref<1x128x32xf32, #tpu.memory_space<vmem>> -> memref<128x32xf32, #tpu.memory_space<vmem>>
      %dma_start3A_1148 = arith.constant 0 : i32
      %dma_start3A_1149 = tpu.memref_slice %arg5[%dma_start3A_1142, %dma_start3A_1148] : memref<16x200xi32, #tpu.memory_space<vmem>> -> memref<1x128xi32, #tpu.memory_space<vmem>>
      %dma_start3A_1150 = tpu.memref_squeeze %dma_start3A_1149 : memref<1x128xi32, #tpu.memory_space<vmem>> -> memref<128xi32, #tpu.memory_space<vmem>>
      %dma_start3A_1151 = arith.constant 0 : i32
      %dma_start3A_1152 = arith.constant 0 : i32
      %dma_start3A_1153 = tpu.memref_slice %arg3[%dma_start3A_1151, %dma_start3A_1152] : memref<1000000x32xf32, #tpu.memory_space<hbm>> -> memref<1000000x32xf32, #tpu.memory_space<hbm>>
      tpu.enqueue_indirect_dma source(%dma_start3A_1153 : memref<1000000x32xf32, #tpu.memory_space<hbm>>) target(%dma_start3A_1147 : memref<128x32xf32, #tpu.memory_space<vmem>>) offsets(%dma_start3A_1150 : memref<128xi32, #tpu.memory_space<vmem>>) semaphore(%arg9 : memref<!tpu.dma_semaphore, #tpu.memory_space<semaphore_mem>>)
      %dma_start3A_1154 = arith.constant 13 : i32
      %dma_start3A_1155 = arith.constant 5 : i32
      %dma_start3A_1156 = arith.constant 128 : i32
      %dma_start3A_1157 = arith.constant 0 : i32
      %dma_start3A_1158 = tpu.memref_slice %arg7[%dma_start3A_1155, %dma_start3A_1156, %dma_start3A_1157] : memref<8x200x32xf32, #tpu.memory_space<vmem>> -> memref<1x72x32xf32, #tpu.memory_space<vmem>>
      %dma_start3A_1159 = tpu.memref_squeeze %dma_start3A_1158 : memref<1x72x32xf32, #tpu.memory_space<vmem>> -> memref<72x32xf32, #tpu.memory_space<vmem>>
      %dma_start3A_1160 = arith.constant 128 : i32
      %dma_start3A_1161 = tpu.memref_slice %arg5[%dma_start3A_1154, %dma_start3A_1160] : memref<16x200xi32, #tpu.memory_space<vmem>> -> memref<1x72xi32, #tpu.memory_space<vmem>>
      %dma_start3A_1162 = tpu.memref_squeeze %dma_start3A_1161 : memref<1x72xi32, #tpu.memory_space<vmem>> -> memref<72xi32, #tpu.memory_space<vmem>>
      %dma_start3A_1163 = arith.constant 0 : i32
      %dma_start3A_1164 = arith.constant 0 : i32
      %dma_start3A_1165 = tpu.memref_slice %arg3[%dma_start3A_1163, %dma_start3A_1164] : memref<1000000x32xf32, #tpu.memory_space<hbm>> -> memref<1000000x32xf32, #tpu.memory_space<hbm>>
      tpu.enqueue_indirect_dma source(%dma_start3A_1165 : memref<1000000x32xf32, #tpu.memory_space<hbm>>) target(%dma_start3A_1159 : memref<72x32xf32, #tpu.memory_space<vmem>>) offsets(%dma_start3A_1162 : memref<72xi32, #tpu.memory_space<vmem>>) semaphore(%arg9 : memref<!tpu.dma_semaphore, #tpu.memory_space<semaphore_mem>>)
      %dma_start3A_1166 = arith.constant 14 : i32
      %dma_start3A_1167 = arith.constant 6 : i32
      %dma_start3A_1168 = arith.constant 0 : i32
      %dma_start3A_1169 = arith.constant 0 : i32
      %dma_start3A_1170 = tpu.memref_slice %arg7[%dma_start3A_1167, %dma_start3A_1168, %dma_start3A_1169] : memref<8x200x32xf32, #tpu.memory_space<vmem>> -> memref<1x128x32xf32, #tpu.memory_space<vmem>>
      %dma_start3A_1171 = tpu.memref_squeeze %dma_start3A_1170 : memref<1x128x32xf32, #tpu.memory_space<vmem>> -> memref<128x32xf32, #tpu.memory_space<vmem>>
      %dma_start3A_1172 = arith.constant 0 : i32
      %dma_start3A_1173 = tpu.memref_slice %arg5[%dma_start3A_1166, %dma_start3A_1172] : memref<16x200xi32, #tpu.memory_space<vmem>> -> memref<1x128xi32, #tpu.memory_space<vmem>>
      %dma_start3A_1174 = tpu.memref_squeeze %dma_start3A_1173 : memref<1x128xi32, #tpu.memory_space<vmem>> -> memref<128xi32, #tpu.memory_space<vmem>>
      %dma_start3A_1175 = arith.constant 0 : i32
      %dma_start3A_1176 = arith.constant 0 : i32
      %dma_start3A_1177 = tpu.memref_slice %arg3[%dma_start3A_1175, %dma_start3A_1176] : memref<1000000x32xf32, #tpu.memory_space<hbm>> -> memref<1000000x32xf32, #tpu.memory_space<hbm>>
      tpu.enqueue_indirect_dma source(%dma_start3A_1177 : memref<1000000x32xf32, #tpu.memory_space<hbm>>) target(%dma_start3A_1171 : memref<128x32xf32, #tpu.memory_space<vmem>>) offsets(%dma_start3A_1174 : memref<128xi32, #tpu.memory_space<vmem>>) semaphore(%arg9 : memref<!tpu.dma_semaphore, #tpu.memory_space<semaphore_mem>>)
      %dma_start3A_1178 = arith.constant 14 : i32
      %dma_start3A_1179 = arith.constant 6 : i32
      %dma_start3A_1180 = arith.constant 128 : i32
      %dma_start3A_1181 = arith.constant 0 : i32
      %dma_start3A_1182 = tpu.memref_slice %arg7[%dma_start3A_1179, %dma_start3A_1180, %dma_start3A_1181] : memref<8x200x32xf32, #tpu.memory_space<vmem>> -> memref<1x72x32xf32, #tpu.memory_space<vmem>>
      %dma_start3A_1183 = tpu.memref_squeeze %dma_start3A_1182 : memref<1x72x32xf32, #tpu.memory_space<vmem>> -> memref<72x32xf32, #tpu.memory_space<vmem>>
      %dma_start3A_1184 = arith.constant 128 : i32
      %dma_start3A_1185 = tpu.memref_slice %arg5[%dma_start3A_1178, %dma_start3A_1184] : memref<16x200xi32, #tpu.memory_space<vmem>> -> memref<1x72xi32, #tpu.memory_space<vmem>>
      %dma_start3A_1186 = tpu.memref_squeeze %dma_start3A_1185 : memref<1x72xi32, #tpu.memory_space<vmem>> -> memref<72xi32, #tpu.memory_space<vmem>>
      %dma_start3A_1187 = arith.constant 0 : i32
      %dma_start3A_1188 = arith.constant 0 : i32
      %dma_start3A_1189 = tpu.memref_slice %arg3[%dma_start3A_1187, %dma_start3A_1188] : memref<1000000x32xf32, #tpu.memory_space<hbm>> -> memref<1000000x32xf32, #tpu.memory_space<hbm>>
      tpu.enqueue_indirect_dma source(%dma_start3A_1189 : memref<1000000x32xf32, #tpu.memory_space<hbm>>) target(%dma_start3A_1183 : memref<72x32xf32, #tpu.memory_space<vmem>>) offsets(%dma_start3A_1186 : memref<72xi32, #tpu.memory_space<vmem>>) semaphore(%arg9 : memref<!tpu.dma_semaphore, #tpu.memory_space<semaphore_mem>>)
      %dma_start3A_1190 = arith.constant 15 : i32
      %dma_start3A_1191 = arith.constant 7 : i32
      %dma_start3A_1192 = arith.constant 0 : i32
      %dma_start3A_1193 = arith.constant 0 : i32
      %dma_start3A_1194 = tpu.memref_slice %arg7[%dma_start3A_1191, %dma_start3A_1192, %dma_start3A_1193] : memref<8x200x32xf32, #tpu.memory_space<vmem>> -> memref<1x128x32xf32, #tpu.memory_space<vmem>>
      %dma_start3A_1195 = tpu.memref_squeeze %dma_start3A_1194 : memref<1x128x32xf32, #tpu.memory_space<vmem>> -> memref<128x32xf32, #tpu.memory_space<vmem>>
      %dma_start3A_1196 = arith.constant 0 : i32
      %dma_start3A_1197 = tpu.memref_slice %arg5[%dma_start3A_1190, %dma_start3A_1196] : memref<16x200xi32, #tpu.memory_space<vmem>> -> memref<1x128xi32, #tpu.memory_space<vmem>>
      %dma_start3A_1198 = tpu.memref_squeeze %dma_start3A_1197 : memref<1x128xi32, #tpu.memory_space<vmem>> -> memref<128xi32, #tpu.memory_space<vmem>>
      %dma_start3A_1199 = arith.constant 0 : i32
      %dma_start3A_1200 = arith.constant 0 : i32
      %dma_start3A_1201 = tpu.memref_slice %arg3[%dma_start3A_1199, %dma_start3A_1200] : memref<1000000x32xf32, #tpu.memory_space<hbm>> -> memref<1000000x32xf32, #tpu.memory_space<hbm>>
      tpu.enqueue_indirect_dma source(%dma_start3A_1201 : memref<1000000x32xf32, #tpu.memory_space<hbm>>) target(%dma_start3A_1195 : memref<128x32xf32, #tpu.memory_space<vmem>>) offsets(%dma_start3A_1198 : memref<128xi32, #tpu.memory_space<vmem>>) semaphore(%arg9 : memref<!tpu.dma_semaphore, #tpu.memory_space<semaphore_mem>>)
      %dma_start3A_1202 = arith.constant 15 : i32
      %dma_start3A_1203 = arith.constant 7 : i32
      %dma_start3A_1204 = arith.constant 128 : i32
      %dma_start3A_1205 = arith.constant 0 : i32
      %dma_start3A_1206 = tpu.memref_slice %arg7[%dma_start3A_1203, %dma_start3A_1204, %dma_start3A_1205] : memref<8x200x32xf32, #tpu.memory_space<vmem>> -> memref<1x72x32xf32, #tpu.memory_space<vmem>>
      %dma_start3A_1207 = tpu.memref_squeeze %dma_start3A_1206 : memref<1x72x32xf32, #tpu.memory_space<vmem>> -> memref<72x32xf32, #tpu.memory_space<vmem>>
      %dma_start3A_1208 = arith.constant 128 : i32
      %dma_start3A_1209 = tpu.memref_slice %arg5[%dma_start3A_1202, %dma_start3A_1208] : memref<16x200xi32, #tpu.memory_space<vmem>> -> memref<1x72xi32, #tpu.memory_space<vmem>>
      %dma_start3A_1210 = tpu.memref_squeeze %dma_start3A_1209 : memref<1x72xi32, #tpu.memory_space<vmem>> -> memref<72xi32, #tpu.memory_space<vmem>>
      %dma_start3A_1211 = arith.constant 0 : i32
      %dma_start3A_1212 = arith.constant 0 : i32
      %dma_start3A_1213 = tpu.memref_slice %arg3[%dma_start3A_1211, %dma_start3A_1212] : memref<1000000x32xf32, #tpu.memory_space<hbm>> -> memref<1000000x32xf32, #tpu.memory_space<hbm>>
      tpu.enqueue_indirect_dma source(%dma_start3A_1213 : memref<1000000x32xf32, #tpu.memory_space<hbm>>) target(%dma_start3A_1207 : memref<72x32xf32, #tpu.memory_space<vmem>>) offsets(%dma_start3A_1210 : memref<72xi32, #tpu.memory_space<vmem>>) semaphore(%arg9 : memref<!tpu.dma_semaphore, #tpu.memory_space<semaphore_mem>>)
      %dma_wait3A_1214 = arith.constant 0 : i32
      %dma_wait3A_1215 = arith.constant 0 : i32
      %dma_wait3A_1216 = arith.constant 0 : i32
      %dma_wait3A_1217 = arith.constant 0 : i32
      %dma_wait3A_1218 = tpu.memref_slice %arg6[%dma_wait3A_1215, %dma_wait3A_1216, %dma_wait3A_1217] : memref<8x200x32xf32, #tpu.memory_space<vmem>> -> memref<1x128x32xf32, #tpu.memory_space<vmem>>
      %dma_wait3A_1219 = tpu.memref_squeeze %dma_wait3A_1218 : memref<1x128x32xf32, #tpu.memory_space<vmem>> -> memref<128x32xf32, #tpu.memory_space<vmem>>
      %dma_wait3A_1220 = arith.constant 0 : i32
      %dma_wait3A_1221 = tpu.memref_slice %arg5[%dma_wait3A_1214, %dma_wait3A_1220] : memref<16x200xi32, #tpu.memory_space<vmem>> -> memref<1x128xi32, #tpu.memory_space<vmem>>
      %dma_wait3A_1222 = tpu.memref_squeeze %dma_wait3A_1221 : memref<1x128xi32, #tpu.memory_space<vmem>> -> memref<128xi32, #tpu.memory_space<vmem>>
      %dma_wait3A_1223 = arith.constant 0 : i32
      %dma_wait3A_1224 = arith.constant 0 : i32
      %dma_wait3A_1225 = tpu.memref_slice %arg3[%dma_wait3A_1223, %dma_wait3A_1224] : memref<1000000x32xf32, #tpu.memory_space<hbm>> -> memref<1000000x32xf32, #tpu.memory_space<hbm>>
      tpu.wait_indirect_dma semaphore(%arg8 : memref<!tpu.dma_semaphore, #tpu.memory_space<semaphore_mem>>) src(%dma_wait3A_1225 : memref<1000000x32xf32, #tpu.memory_space<hbm>>) dst(%dma_wait3A_1219 : memref<128x32xf32, #tpu.memory_space<vmem>>)
      %dma_wait3A_1226 = arith.constant 0 : i32
      %dma_wait3A_1227 = arith.constant 0 : i32
      %dma_wait3A_1228 = arith.constant 128 : i32
      %dma_wait3A_1229 = arith.constant 0 : i32
      %dma_wait3A_1230 = tpu.memref_slice %arg6[%dma_wait3A_1227, %dma_wait3A_1228, %dma_wait3A_1229] : memref<8x200x32xf32, #tpu.memory_space<vmem>> -> memref<1x72x32xf32, #tpu.memory_space<vmem>>
      %dma_wait3A_1231 = tpu.memref_squeeze %dma_wait3A_1230 : memref<1x72x32xf32, #tpu.memory_space<vmem>> -> memref<72x32xf32, #tpu.memory_space<vmem>>
      %dma_wait3A_1232 = arith.constant 128 : i32
      %dma_wait3A_1233 = tpu.memref_slice %arg5[%dma_wait3A_1226, %dma_wait3A_1232] : memref<16x200xi32, #tpu.memory_space<vmem>> -> memref<1x72xi32, #tpu.memory_space<vmem>>
      %dma_wait3A_1234 = tpu.memref_squeeze %dma_wait3A_1233 : memref<1x72xi32, #tpu.memory_space<vmem>> -> memref<72xi32, #tpu.memory_space<vmem>>
      %dma_wait3A_1235 = arith.constant 0 : i32
      %dma_wait3A_1236 = arith.constant 0 : i32
      %dma_wait3A_1237 = tpu.memref_slice %arg3[%dma_wait3A_1235, %dma_wait3A_1236] : memref<1000000x32xf32, #tpu.memory_space<hbm>> -> memref<1000000x32xf32, #tpu.memory_space<hbm>>
      tpu.wait_indirect_dma semaphore(%arg8 : memref<!tpu.dma_semaphore, #tpu.memory_space<semaphore_mem>>) src(%dma_wait3A_1237 : memref<1000000x32xf32, #tpu.memory_space<hbm>>) dst(%dma_wait3A_1231 : memref<72x32xf32, #tpu.memory_space<vmem>>)
      %dma_wait3A_1238 = arith.constant 1 : i32
      %dma_wait3A_1239 = arith.constant 1 : i32
      %dma_wait3A_1240 = arith.constant 0 : i32
      %dma_wait3A_1241 = arith.constant 0 : i32
      %dma_wait3A_1242 = tpu.memref_slice %arg6[%dma_wait3A_1239, %dma_wait3A_1240, %dma_wait3A_1241] : memref<8x200x32xf32, #tpu.memory_space<vmem>> -> memref<1x128x32xf32, #tpu.memory_space<vmem>>
      %dma_wait3A_1243 = tpu.memref_squeeze %dma_wait3A_1242 : memref<1x128x32xf32, #tpu.memory_space<vmem>> -> memref<128x32xf32, #tpu.memory_space<vmem>>
      %dma_wait3A_1244 = arith.constant 0 : i32
      %dma_wait3A_1245 = tpu.memref_slice %arg5[%dma_wait3A_1238, %dma_wait3A_1244] : memref<16x200xi32, #tpu.memory_space<vmem>> -> memref<1x128xi32, #tpu.memory_space<vmem>>
      %dma_wait3A_1246 = tpu.memref_squeeze %dma_wait3A_1245 : memref<1x128xi32, #tpu.memory_space<vmem>> -> memref<128xi32, #tpu.memory_space<vmem>>
      %dma_wait3A_1247 = arith.constant 0 : i32
      %dma_wait3A_1248 = arith.constant 0 : i32
      %dma_wait3A_1249 = tpu.memref_slice %arg3[%dma_wait3A_1247, %dma_wait3A_1248] : memref<1000000x32xf32, #tpu.memory_space<hbm>> -> memref<1000000x32xf32, #tpu.memory_space<hbm>>
      tpu.wait_indirect_dma semaphore(%arg8 : memref<!tpu.dma_semaphore, #tpu.memory_space<semaphore_mem>>) src(%dma_wait3A_1249 : memref<1000000x32xf32, #tpu.memory_space<hbm>>) dst(%dma_wait3A_1243 : memref<128x32xf32, #tpu.memory_space<vmem>>)
      %dma_wait3A_1250 = arith.constant 1 : i32
      %dma_wait3A_1251 = arith.constant 1 : i32
      %dma_wait3A_1252 = arith.constant 128 : i32
      %dma_wait3A_1253 = arith.constant 0 : i32
      %dma_wait3A_1254 = tpu.memref_slice %arg6[%dma_wait3A_1251, %dma_wait3A_1252, %dma_wait3A_1253] : memref<8x200x32xf32, #tpu.memory_space<vmem>> -> memref<1x72x32xf32, #tpu.memory_space<vmem>>
      %dma_wait3A_1255 = tpu.memref_squeeze %dma_wait3A_1254 : memref<1x72x32xf32, #tpu.memory_space<vmem>> -> memref<72x32xf32, #tpu.memory_space<vmem>>
      %dma_wait3A_1256 = arith.constant 128 : i32
      %dma_wait3A_1257 = tpu.memref_slice %arg5[%dma_wait3A_1250, %dma_wait3A_1256] : memref<16x200xi32, #tpu.memory_space<vmem>> -> memref<1x72xi32, #tpu.memory_space<vmem>>
      %dma_wait3A_1258 = tpu.memref_squeeze %dma_wait3A_1257 : memref<1x72xi32, #tpu.memory_space<vmem>> -> memref<72xi32, #tpu.memory_space<vmem>>
      %dma_wait3A_1259 = arith.constant 0 : i32
      %dma_wait3A_1260 = arith.constant 0 : i32
      %dma_wait3A_1261 = tpu.memref_slice %arg3[%dma_wait3A_1259, %dma_wait3A_1260] : memref<1000000x32xf32, #tpu.memory_space<hbm>> -> memref<1000000x32xf32, #tpu.memory_space<hbm>>
      tpu.wait_indirect_dma semaphore(%arg8 : memref<!tpu.dma_semaphore, #tpu.memory_space<semaphore_mem>>) src(%dma_wait3A_1261 : memref<1000000x32xf32, #tpu.memory_space<hbm>>) dst(%dma_wait3A_1255 : memref<72x32xf32, #tpu.memory_space<vmem>>)
      %dma_wait3A_1262 = arith.constant 2 : i32
      %dma_wait3A_1263 = arith.constant 2 : i32
      %dma_wait3A_1264 = arith.constant 0 : i32
      %dma_wait3A_1265 = arith.constant 0 : i32
      %dma_wait3A_1266 = tpu.memref_slice %arg6[%dma_wait3A_1263, %dma_wait3A_1264, %dma_wait3A_1265] : memref<8x200x32xf32, #tpu.memory_space<vmem>> -> memref<1x128x32xf32, #tpu.memory_space<vmem>>
      %dma_wait3A_1267 = tpu.memref_squeeze %dma_wait3A_1266 : memref<1x128x32xf32, #tpu.memory_space<vmem>> -> memref<128x32xf32, #tpu.memory_space<vmem>>
      %dma_wait3A_1268 = arith.constant 0 : i32
      %dma_wait3A_1269 = tpu.memref_slice %arg5[%dma_wait3A_1262, %dma_wait3A_1268] : memref<16x200xi32, #tpu.memory_space<vmem>> -> memref<1x128xi32, #tpu.memory_space<vmem>>
      %dma_wait3A_1270 = tpu.memref_squeeze %dma_wait3A_1269 : memref<1x128xi32, #tpu.memory_space<vmem>> -> memref<128xi32, #tpu.memory_space<vmem>>
      %dma_wait3A_1271 = arith.constant 0 : i32
      %dma_wait3A_1272 = arith.constant 0 : i32
      %dma_wait3A_1273 = tpu.memref_slice %arg3[%dma_wait3A_1271, %dma_wait3A_1272] : memref<1000000x32xf32, #tpu.memory_space<hbm>> -> memref<1000000x32xf32, #tpu.memory_space<hbm>>
      tpu.wait_indirect_dma semaphore(%arg8 : memref<!tpu.dma_semaphore, #tpu.memory_space<semaphore_mem>>) src(%dma_wait3A_1273 : memref<1000000x32xf32, #tpu.memory_space<hbm>>) dst(%dma_wait3A_1267 : memref<128x32xf32, #tpu.memory_space<vmem>>)
      %dma_wait3A_1274 = arith.constant 2 : i32
      %dma_wait3A_1275 = arith.constant 2 : i32
      %dma_wait3A_1276 = arith.constant 128 : i32
      %dma_wait3A_1277 = arith.constant 0 : i32
      %dma_wait3A_1278 = tpu.memref_slice %arg6[%dma_wait3A_1275, %dma_wait3A_1276, %dma_wait3A_1277] : memref<8x200x32xf32, #tpu.memory_space<vmem>> -> memref<1x72x32xf32, #tpu.memory_space<vmem>>
      %dma_wait3A_1279 = tpu.memref_squeeze %dma_wait3A_1278 : memref<1x72x32xf32, #tpu.memory_space<vmem>> -> memref<72x32xf32, #tpu.memory_space<vmem>>
      %dma_wait3A_1280 = arith.constant 128 : i32
      %dma_wait3A_1281 = tpu.memref_slice %arg5[%dma_wait3A_1274, %dma_wait3A_1280] : memref<16x200xi32, #tpu.memory_space<vmem>> -> memref<1x72xi32, #tpu.memory_space<vmem>>
      %dma_wait3A_1282 = tpu.memref_squeeze %dma_wait3A_1281 : memref<1x72xi32, #tpu.memory_space<vmem>> -> memref<72xi32, #tpu.memory_space<vmem>>
      %dma_wait3A_1283 = arith.constant 0 : i32
      %dma_wait3A_1284 = arith.constant 0 : i32
      %dma_wait3A_1285 = tpu.memref_slice %arg3[%dma_wait3A_1283, %dma_wait3A_1284] : memref<1000000x32xf32, #tpu.memory_space<hbm>> -> memref<1000000x32xf32, #tpu.memory_space<hbm>>
      tpu.wait_indirect_dma semaphore(%arg8 : memref<!tpu.dma_semaphore, #tpu.memory_space<semaphore_mem>>) src(%dma_wait3A_1285 : memref<1000000x32xf32, #tpu.memory_space<hbm>>) dst(%dma_wait3A_1279 : memref<72x32xf32, #tpu.memory_space<vmem>>)
      %dma_wait3A_1286 = arith.constant 3 : i32
      %dma_wait3A_1287 = arith.constant 3 : i32
      %dma_wait3A_1288 = arith.constant 0 : i32
      %dma_wait3A_1289 = arith.constant 0 : i32
      %dma_wait3A_1290 = tpu.memref_slice %arg6[%dma_wait3A_1287, %dma_wait3A_1288, %dma_wait3A_1289] : memref<8x200x32xf32, #tpu.memory_space<vmem>> -> memref<1x128x32xf32, #tpu.memory_space<vmem>>
      %dma_wait3A_1291 = tpu.memref_squeeze %dma_wait3A_1290 : memref<1x128x32xf32, #tpu.memory_space<vmem>> -> memref<128x32xf32, #tpu.memory_space<vmem>>
      %dma_wait3A_1292 = arith.constant 0 : i32
      %dma_wait3A_1293 = tpu.memref_slice %arg5[%dma_wait3A_1286, %dma_wait3A_1292] : memref<16x200xi32, #tpu.memory_space<vmem>> -> memref<1x128xi32, #tpu.memory_space<vmem>>
      %dma_wait3A_1294 = tpu.memref_squeeze %dma_wait3A_1293 : memref<1x128xi32, #tpu.memory_space<vmem>> -> memref<128xi32, #tpu.memory_space<vmem>>
      %dma_wait3A_1295 = arith.constant 0 : i32
      %dma_wait3A_1296 = arith.constant 0 : i32
      %dma_wait3A_1297 = tpu.memref_slice %arg3[%dma_wait3A_1295, %dma_wait3A_1296] : memref<1000000x32xf32, #tpu.memory_space<hbm>> -> memref<1000000x32xf32, #tpu.memory_space<hbm>>
      tpu.wait_indirect_dma semaphore(%arg8 : memref<!tpu.dma_semaphore, #tpu.memory_space<semaphore_mem>>) src(%dma_wait3A_1297 : memref<1000000x32xf32, #tpu.memory_space<hbm>>) dst(%dma_wait3A_1291 : memref<128x32xf32, #tpu.memory_space<vmem>>)
      %dma_wait3A_1298 = arith.constant 3 : i32
      %dma_wait3A_1299 = arith.constant 3 : i32
      %dma_wait3A_1300 = arith.constant 128 : i32
      %dma_wait3A_1301 = arith.constant 0 : i32
      %dma_wait3A_1302 = tpu.memref_slice %arg6[%dma_wait3A_1299, %dma_wait3A_1300, %dma_wait3A_1301] : memref<8x200x32xf32, #tpu.memory_space<vmem>> -> memref<1x72x32xf32, #tpu.memory_space<vmem>>
      %dma_wait3A_1303 = tpu.memref_squeeze %dma_wait3A_1302 : memref<1x72x32xf32, #tpu.memory_space<vmem>> -> memref<72x32xf32, #tpu.memory_space<vmem>>
      %dma_wait3A_1304 = arith.constant 128 : i32
      %dma_wait3A_1305 = tpu.memref_slice %arg5[%dma_wait3A_1298, %dma_wait3A_1304] : memref<16x200xi32, #tpu.memory_space<vmem>> -> memref<1x72xi32, #tpu.memory_space<vmem>>
      %dma_wait3A_1306 = tpu.memref_squeeze %dma_wait3A_1305 : memref<1x72xi32, #tpu.memory_space<vmem>> -> memref<72xi32, #tpu.memory_space<vmem>>
      %dma_wait3A_1307 = arith.constant 0 : i32
      %dma_wait3A_1308 = arith.constant 0 : i32
      %dma_wait3A_1309 = tpu.memref_slice %arg3[%dma_wait3A_1307, %dma_wait3A_1308] : memref<1000000x32xf32, #tpu.memory_space<hbm>> -> memref<1000000x32xf32, #tpu.memory_space<hbm>>
      tpu.wait_indirect_dma semaphore(%arg8 : memref<!tpu.dma_semaphore, #tpu.memory_space<semaphore_mem>>) src(%dma_wait3A_1309 : memref<1000000x32xf32, #tpu.memory_space<hbm>>) dst(%dma_wait3A_1303 : memref<72x32xf32, #tpu.memory_space<vmem>>)
      %dma_wait3A_1310 = arith.constant 4 : i32
      %dma_wait3A_1311 = arith.constant 4 : i32
      %dma_wait3A_1312 = arith.constant 0 : i32
      %dma_wait3A_1313 = arith.constant 0 : i32
      %dma_wait3A_1314 = tpu.memref_slice %arg6[%dma_wait3A_1311, %dma_wait3A_1312, %dma_wait3A_1313] : memref<8x200x32xf32, #tpu.memory_space<vmem>> -> memref<1x128x32xf32, #tpu.memory_space<vmem>>
      %dma_wait3A_1315 = tpu.memref_squeeze %dma_wait3A_1314 : memref<1x128x32xf32, #tpu.memory_space<vmem>> -> memref<128x32xf32, #tpu.memory_space<vmem>>
      %dma_wait3A_1316 = arith.constant 0 : i32
      %dma_wait3A_1317 = tpu.memref_slice %arg5[%dma_wait3A_1310, %dma_wait3A_1316] : memref<16x200xi32, #tpu.memory_space<vmem>> -> memref<1x128xi32, #tpu.memory_space<vmem>>
      %dma_wait3A_1318 = tpu.memref_squeeze %dma_wait3A_1317 : memref<1x128xi32, #tpu.memory_space<vmem>> -> memref<128xi32, #tpu.memory_space<vmem>>
      %dma_wait3A_1319 = arith.constant 0 : i32
      %dma_wait3A_1320 = arith.constant 0 : i32
      %dma_wait3A_1321 = tpu.memref_slice %arg3[%dma_wait3A_1319, %dma_wait3A_1320] : memref<1000000x32xf32, #tpu.memory_space<hbm>> -> memref<1000000x32xf32, #tpu.memory_space<hbm>>
      tpu.wait_indirect_dma semaphore(%arg8 : memref<!tpu.dma_semaphore, #tpu.memory_space<semaphore_mem>>) src(%dma_wait3A_1321 : memref<1000000x32xf32, #tpu.memory_space<hbm>>) dst(%dma_wait3A_1315 : memref<128x32xf32, #tpu.memory_space<vmem>>)
      %dma_wait3A_1322 = arith.constant 4 : i32
      %dma_wait3A_1323 = arith.constant 4 : i32
      %dma_wait3A_1324 = arith.constant 128 : i32
      %dma_wait3A_1325 = arith.constant 0 : i32
      %dma_wait3A_1326 = tpu.memref_slice %arg6[%dma_wait3A_1323, %dma_wait3A_1324, %dma_wait3A_1325] : memref<8x200x32xf32, #tpu.memory_space<vmem>> -> memref<1x72x32xf32, #tpu.memory_space<vmem>>
      %dma_wait3A_1327 = tpu.memref_squeeze %dma_wait3A_1326 : memref<1x72x32xf32, #tpu.memory_space<vmem>> -> memref<72x32xf32, #tpu.memory_space<vmem>>
      %dma_wait3A_1328 = arith.constant 128 : i32
      %dma_wait3A_1329 = tpu.memref_slice %arg5[%dma_wait3A_1322, %dma_wait3A_1328] : memref<16x200xi32, #tpu.memory_space<vmem>> -> memref<1x72xi32, #tpu.memory_space<vmem>>
      %dma_wait3A_1330 = tpu.memref_squeeze %dma_wait3A_1329 : memref<1x72xi32, #tpu.memory_space<vmem>> -> memref<72xi32, #tpu.memory_space<vmem>>
      %dma_wait3A_1331 = arith.constant 0 : i32
      %dma_wait3A_1332 = arith.constant 0 : i32
      %dma_wait3A_1333 = tpu.memref_slice %arg3[%dma_wait3A_1331, %dma_wait3A_1332] : memref<1000000x32xf32, #tpu.memory_space<hbm>> -> memref<1000000x32xf32, #tpu.memory_space<hbm>>
      tpu.wait_indirect_dma semaphore(%arg8 : memref<!tpu.dma_semaphore, #tpu.memory_space<semaphore_mem>>) src(%dma_wait3A_1333 : memref<1000000x32xf32, #tpu.memory_space<hbm>>) dst(%dma_wait3A_1327 : memref<72x32xf32, #tpu.memory_space<vmem>>)
      %dma_wait3A_1334 = arith.constant 5 : i32
      %dma_wait3A_1335 = arith.constant 5 : i32
      %dma_wait3A_1336 = arith.constant 0 : i32
      %dma_wait3A_1337 = arith.constant 0 : i32
      %dma_wait3A_1338 = tpu.memref_slice %arg6[%dma_wait3A_1335, %dma_wait3A_1336, %dma_wait3A_1337] : memref<8x200x32xf32, #tpu.memory_space<vmem>> -> memref<1x128x32xf32, #tpu.memory_space<vmem>>
      %dma_wait3A_1339 = tpu.memref_squeeze %dma_wait3A_1338 : memref<1x128x32xf32, #tpu.memory_space<vmem>> -> memref<128x32xf32, #tpu.memory_space<vmem>>
      %dma_wait3A_1340 = arith.constant 0 : i32
      %dma_wait3A_1341 = tpu.memref_slice %arg5[%dma_wait3A_1334, %dma_wait3A_1340] : memref<16x200xi32, #tpu.memory_space<vmem>> -> memref<1x128xi32, #tpu.memory_space<vmem>>
      %dma_wait3A_1342 = tpu.memref_squeeze %dma_wait3A_1341 : memref<1x128xi32, #tpu.memory_space<vmem>> -> memref<128xi32, #tpu.memory_space<vmem>>
      %dma_wait3A_1343 = arith.constant 0 : i32
      %dma_wait3A_1344 = arith.constant 0 : i32
      %dma_wait3A_1345 = tpu.memref_slice %arg3[%dma_wait3A_1343, %dma_wait3A_1344] : memref<1000000x32xf32, #tpu.memory_space<hbm>> -> memref<1000000x32xf32, #tpu.memory_space<hbm>>
      tpu.wait_indirect_dma semaphore(%arg8 : memref<!tpu.dma_semaphore, #tpu.memory_space<semaphore_mem>>) src(%dma_wait3A_1345 : memref<1000000x32xf32, #tpu.memory_space<hbm>>) dst(%dma_wait3A_1339 : memref<128x32xf32, #tpu.memory_space<vmem>>)
      %dma_wait3A_1346 = arith.constant 5 : i32
      %dma_wait3A_1347 = arith.constant 5 : i32
      %dma_wait3A_1348 = arith.constant 128 : i32
      %dma_wait3A_1349 = arith.constant 0 : i32
      %dma_wait3A_1350 = tpu.memref_slice %arg6[%dma_wait3A_1347, %dma_wait3A_1348, %dma_wait3A_1349] : memref<8x200x32xf32, #tpu.memory_space<vmem>> -> memref<1x72x32xf32, #tpu.memory_space<vmem>>
      %dma_wait3A_1351 = tpu.memref_squeeze %dma_wait3A_1350 : memref<1x72x32xf32, #tpu.memory_space<vmem>> -> memref<72x32xf32, #tpu.memory_space<vmem>>
      %dma_wait3A_1352 = arith.constant 128 : i32
      %dma_wait3A_1353 = tpu.memref_slice %arg5[%dma_wait3A_1346, %dma_wait3A_1352] : memref<16x200xi32, #tpu.memory_space<vmem>> -> memref<1x72xi32, #tpu.memory_space<vmem>>
      %dma_wait3A_1354 = tpu.memref_squeeze %dma_wait3A_1353 : memref<1x72xi32, #tpu.memory_space<vmem>> -> memref<72xi32, #tpu.memory_space<vmem>>
      %dma_wait3A_1355 = arith.constant 0 : i32
      %dma_wait3A_1356 = arith.constant 0 : i32
      %dma_wait3A_1357 = tpu.memref_slice %arg3[%dma_wait3A_1355, %dma_wait3A_1356] : memref<1000000x32xf32, #tpu.memory_space<hbm>> -> memref<1000000x32xf32, #tpu.memory_space<hbm>>
      tpu.wait_indirect_dma semaphore(%arg8 : memref<!tpu.dma_semaphore, #tpu.memory_space<semaphore_mem>>) src(%dma_wait3A_1357 : memref<1000000x32xf32, #tpu.memory_space<hbm>>) dst(%dma_wait3A_1351 : memref<72x32xf32, #tpu.memory_space<vmem>>)
      %dma_wait3A_1358 = arith.constant 6 : i32
      %dma_wait3A_1359 = arith.constant 6 : i32
      %dma_wait3A_1360 = arith.constant 0 : i32
      %dma_wait3A_1361 = arith.constant 0 : i32
      %dma_wait3A_1362 = tpu.memref_slice %arg6[%dma_wait3A_1359, %dma_wait3A_1360, %dma_wait3A_1361] : memref<8x200x32xf32, #tpu.memory_space<vmem>> -> memref<1x128x32xf32, #tpu.memory_space<vmem>>
      %dma_wait3A_1363 = tpu.memref_squeeze %dma_wait3A_1362 : memref<1x128x32xf32, #tpu.memory_space<vmem>> -> memref<128x32xf32, #tpu.memory_space<vmem>>
      %dma_wait3A_1364 = arith.constant 0 : i32
      %dma_wait3A_1365 = tpu.memref_slice %arg5[%dma_wait3A_1358, %dma_wait3A_1364] : memref<16x200xi32, #tpu.memory_space<vmem>> -> memref<1x128xi32, #tpu.memory_space<vmem>>
      %dma_wait3A_1366 = tpu.memref_squeeze %dma_wait3A_1365 : memref<1x128xi32, #tpu.memory_space<vmem>> -> memref<128xi32, #tpu.memory_space<vmem>>
      %dma_wait3A_1367 = arith.constant 0 : i32
      %dma_wait3A_1368 = arith.constant 0 : i32
      %dma_wait3A_1369 = tpu.memref_slice %arg3[%dma_wait3A_1367, %dma_wait3A_1368] : memref<1000000x32xf32, #tpu.memory_space<hbm>> -> memref<1000000x32xf32, #tpu.memory_space<hbm>>
      tpu.wait_indirect_dma semaphore(%arg8 : memref<!tpu.dma_semaphore, #tpu.memory_space<semaphore_mem>>) src(%dma_wait3A_1369 : memref<1000000x32xf32, #tpu.memory_space<hbm>>) dst(%dma_wait3A_1363 : memref<128x32xf32, #tpu.memory_space<vmem>>)
      %dma_wait3A_1370 = arith.constant 6 : i32
      %dma_wait3A_1371 = arith.constant 6 : i32
      %dma_wait3A_1372 = arith.constant 128 : i32
      %dma_wait3A_1373 = arith.constant 0 : i32
      %dma_wait3A_1374 = tpu.memref_slice %arg6[%dma_wait3A_1371, %dma_wait3A_1372, %dma_wait3A_1373] : memref<8x200x32xf32, #tpu.memory_space<vmem>> -> memref<1x72x32xf32, #tpu.memory_space<vmem>>
      %dma_wait3A_1375 = tpu.memref_squeeze %dma_wait3A_1374 : memref<1x72x32xf32, #tpu.memory_space<vmem>> -> memref<72x32xf32, #tpu.memory_space<vmem>>
      %dma_wait3A_1376 = arith.constant 128 : i32
      %dma_wait3A_1377 = tpu.memref_slice %arg5[%dma_wait3A_1370, %dma_wait3A_1376] : memref<16x200xi32, #tpu.memory_space<vmem>> -> memref<1x72xi32, #tpu.memory_space<vmem>>
      %dma_wait3A_1378 = tpu.memref_squeeze %dma_wait3A_1377 : memref<1x72xi32, #tpu.memory_space<vmem>> -> memref<72xi32, #tpu.memory_space<vmem>>
      %dma_wait3A_1379 = arith.constant 0 : i32
      %dma_wait3A_1380 = arith.constant 0 : i32
      %dma_wait3A_1381 = tpu.memref_slice %arg3[%dma_wait3A_1379, %dma_wait3A_1380] : memref<1000000x32xf32, #tpu.memory_space<hbm>> -> memref<1000000x32xf32, #tpu.memory_space<hbm>>
      tpu.wait_indirect_dma semaphore(%arg8 : memref<!tpu.dma_semaphore, #tpu.memory_space<semaphore_mem>>) src(%dma_wait3A_1381 : memref<1000000x32xf32, #tpu.memory_space<hbm>>) dst(%dma_wait3A_1375 : memref<72x32xf32, #tpu.memory_space<vmem>>)
      %dma_wait3A_1382 = arith.constant 7 : i32
      %dma_wait3A_1383 = arith.constant 7 : i32
      %dma_wait3A_1384 = arith.constant 0 : i32
      %dma_wait3A_1385 = arith.constant 0 : i32
      %dma_wait3A_1386 = tpu.memref_slice %arg6[%dma_wait3A_1383, %dma_wait3A_1384, %dma_wait3A_1385] : memref<8x200x32xf32, #tpu.memory_space<vmem>> -> memref<1x128x32xf32, #tpu.memory_space<vmem>>
      %dma_wait3A_1387 = tpu.memref_squeeze %dma_wait3A_1386 : memref<1x128x32xf32, #tpu.memory_space<vmem>> -> memref<128x32xf32, #tpu.memory_space<vmem>>
      %dma_wait3A_1388 = arith.constant 0 : i32
      %dma_wait3A_1389 = tpu.memref_slice %arg5[%dma_wait3A_1382, %dma_wait3A_1388] : memref<16x200xi32, #tpu.memory_space<vmem>> -> memref<1x128xi32, #tpu.memory_space<vmem>>
      %dma_wait3A_1390 = tpu.memref_squeeze %dma_wait3A_1389 : memref<1x128xi32, #tpu.memory_space<vmem>> -> memref<128xi32, #tpu.memory_space<vmem>>
      %dma_wait3A_1391 = arith.constant 0 : i32
      %dma_wait3A_1392 = arith.constant 0 : i32
      %dma_wait3A_1393 = tpu.memref_slice %arg3[%dma_wait3A_1391, %dma_wait3A_1392] : memref<1000000x32xf32, #tpu.memory_space<hbm>> -> memref<1000000x32xf32, #tpu.memory_space<hbm>>
      tpu.wait_indirect_dma semaphore(%arg8 : memref<!tpu.dma_semaphore, #tpu.memory_space<semaphore_mem>>) src(%dma_wait3A_1393 : memref<1000000x32xf32, #tpu.memory_space<hbm>>) dst(%dma_wait3A_1387 : memref<128x32xf32, #tpu.memory_space<vmem>>)
      %dma_wait3A_1394 = arith.constant 7 : i32
      %dma_wait3A_1395 = arith.constant 7 : i32
      %dma_wait3A_1396 = arith.constant 128 : i32
      %dma_wait3A_1397 = arith.constant 0 : i32
      %dma_wait3A_1398 = tpu.memref_slice %arg6[%dma_wait3A_1395, %dma_wait3A_1396, %dma_wait3A_1397] : memref<8x200x32xf32, #tpu.memory_space<vmem>> -> memref<1x72x32xf32, #tpu.memory_space<vmem>>
      %dma_wait3A_1399 = tpu.memref_squeeze %dma_wait3A_1398 : memref<1x72x32xf32, #tpu.memory_space<vmem>> -> memref<72x32xf32, #tpu.memory_space<vmem>>
      %dma_wait3A_1400 = arith.constant 128 : i32
      %dma_wait3A_1401 = tpu.memref_slice %arg5[%dma_wait3A_1394, %dma_wait3A_1400] : memref<16x200xi32, #tpu.memory_space<vmem>> -> memref<1x72xi32, #tpu.memory_space<vmem>>
      %dma_wait3A_1402 = tpu.memref_squeeze %dma_wait3A_1401 : memref<1x72xi32, #tpu.memory_space<vmem>> -> memref<72xi32, #tpu.memory_space<vmem>>
      %dma_wait3A_1403 = arith.constant 0 : i32
      %dma_wait3A_1404 = arith.constant 0 : i32
      %dma_wait3A_1405 = tpu.memref_slice %arg3[%dma_wait3A_1403, %dma_wait3A_1404] : memref<1000000x32xf32, #tpu.memory_space<hbm>> -> memref<1000000x32xf32, #tpu.memory_space<hbm>>
      tpu.wait_indirect_dma semaphore(%arg8 : memref<!tpu.dma_semaphore, #tpu.memory_space<semaphore_mem>>) src(%dma_wait3A_1405 : memref<1000000x32xf32, #tpu.memory_space<hbm>>) dst(%dma_wait3A_1399 : memref<72x32xf32, #tpu.memory_space<vmem>>)
      %mul3A_1406 = arith.constant 2 : i32
      %mul3A_1407 = arith.muli %mul3A_1406, %scan3A_808 : i32
      %mul3A_1408 = arith.constant 8 : i32
      %mul3A_1409 = arith.muli %mul3A_1407, %mul3A_1408 : i32
      %add3A_1410 = arith.addi %mul3A_2, %mul3A_1409 : i32
      %dma_start3A_1411 = arith.constant 0 : i32
      %dma_start3A_1412 = arith.constant 0 : i32
      %dma_start3A_1413 = tpu.memref_slice %arg4[%add3A_1410, %dma_start3A_1411, %dma_start3A_1412] : memref<16384x200x32xf32, #tpu.memory_space<hbm>> -> memref<8x200x32xf32, #tpu.memory_space<hbm>>
      %dma_start3A_1414 = arith.constant 0 : i32
      %dma_start3A_1415 = arith.constant 0 : i32
      %dma_start3A_1416 = tpu.memref_slice %arg4[%add3A_1410, %dma_start3A_1414, %dma_start3A_1415] : memref<16384x200x32xf32, #tpu.memory_space<hbm>> -> memref<8x200x32xf32, #tpu.memory_space<hbm>>
      tpu.enqueue_dma source(%arg6 : memref<8x200x32xf32, #tpu.memory_space<vmem>>) target(%dma_start3A_1416 : memref<8x200x32xf32, #tpu.memory_space<hbm>>) target_semaphore(%arg10 : memref<!tpu.dma_semaphore, #tpu.memory_space<semaphore_mem>>)
      %dma_wait3A_1417 = arith.constant 8 : i32
      %dma_wait3A_1418 = arith.constant 0 : i32
      %dma_wait3A_1419 = arith.constant 0 : i32
      %dma_wait3A_1420 = arith.constant 0 : i32
      %dma_wait3A_1421 = tpu.memref_slice %arg7[%dma_wait3A_1418, %dma_wait3A_1419, %dma_wait3A_1420] : memref<8x200x32xf32, #tpu.memory_space<vmem>> -> memref<1x128x32xf32, #tpu.memory_space<vmem>>
      %dma_wait3A_1422 = tpu.memref_squeeze %dma_wait3A_1421 : memref<1x128x32xf32, #tpu.memory_space<vmem>> -> memref<128x32xf32, #tpu.memory_space<vmem>>
      %dma_wait3A_1423 = arith.constant 0 : i32
      %dma_wait3A_1424 = tpu.memref_slice %arg5[%dma_wait3A_1417, %dma_wait3A_1423] : memref<16x200xi32, #tpu.memory_space<vmem>> -> memref<1x128xi32, #tpu.memory_space<vmem>>
      %dma_wait3A_1425 = tpu.memref_squeeze %dma_wait3A_1424 : memref<1x128xi32, #tpu.memory_space<vmem>> -> memref<128xi32, #tpu.memory_space<vmem>>
      %dma_wait3A_1426 = arith.constant 0 : i32
      %dma_wait3A_1427 = arith.constant 0 : i32
      %dma_wait3A_1428 = tpu.memref_slice %arg3[%dma_wait3A_1426, %dma_wait3A_1427] : memref<1000000x32xf32, #tpu.memory_space<hbm>> -> memref<1000000x32xf32, #tpu.memory_space<hbm>>
      tpu.wait_indirect_dma semaphore(%arg9 : memref<!tpu.dma_semaphore, #tpu.memory_space<semaphore_mem>>) src(%dma_wait3A_1428 : memref<1000000x32xf32, #tpu.memory_space<hbm>>) dst(%dma_wait3A_1422 : memref<128x32xf32, #tpu.memory_space<vmem>>)
      %dma_wait3A_1429 = arith.constant 8 : i32
      %dma_wait3A_1430 = arith.constant 0 : i32
      %dma_wait3A_1431 = arith.constant 128 : i32
      %dma_wait3A_1432 = arith.constant 0 : i32
      %dma_wait3A_1433 = tpu.memref_slice %arg7[%dma_wait3A_1430, %dma_wait3A_1431, %dma_wait3A_1432] : memref<8x200x32xf32, #tpu.memory_space<vmem>> -> memref<1x72x32xf32, #tpu.memory_space<vmem>>
      %dma_wait3A_1434 = tpu.memref_squeeze %dma_wait3A_1433 : memref<1x72x32xf32, #tpu.memory_space<vmem>> -> memref<72x32xf32, #tpu.memory_space<vmem>>
      %dma_wait3A_1435 = arith.constant 128 : i32
      %dma_wait3A_1436 = tpu.memref_slice %arg5[%dma_wait3A_1429, %dma_wait3A_1435] : memref<16x200xi32, #tpu.memory_space<vmem>> -> memref<1x72xi32, #tpu.memory_space<vmem>>
      %dma_wait3A_1437 = tpu.memref_squeeze %dma_wait3A_1436 : memref<1x72xi32, #tpu.memory_space<vmem>> -> memref<72xi32, #tpu.memory_space<vmem>>
      %dma_wait3A_1438 = arith.constant 0 : i32
      %dma_wait3A_1439 = arith.constant 0 : i32
      %dma_wait3A_1440 = tpu.memref_slice %arg3[%dma_wait3A_1438, %dma_wait3A_1439] : memref<1000000x32xf32, #tpu.memory_space<hbm>> -> memref<1000000x32xf32, #tpu.memory_space<hbm>>
      tpu.wait_indirect_dma semaphore(%arg9 : memref<!tpu.dma_semaphore, #tpu.memory_space<semaphore_mem>>) src(%dma_wait3A_1440 : memref<1000000x32xf32, #tpu.memory_space<hbm>>) dst(%dma_wait3A_1434 : memref<72x32xf32, #tpu.memory_space<vmem>>)
      %dma_wait3A_1441 = arith.constant 9 : i32
      %dma_wait3A_1442 = arith.constant 1 : i32
      %dma_wait3A_1443 = arith.constant 0 : i32
      %dma_wait3A_1444 = arith.constant 0 : i32
      %dma_wait3A_1445 = tpu.memref_slice %arg7[%dma_wait3A_1442, %dma_wait3A_1443, %dma_wait3A_1444] : memref<8x200x32xf32, #tpu.memory_space<vmem>> -> memref<1x128x32xf32, #tpu.memory_space<vmem>>
      %dma_wait3A_1446 = tpu.memref_squeeze %dma_wait3A_1445 : memref<1x128x32xf32, #tpu.memory_space<vmem>> -> memref<128x32xf32, #tpu.memory_space<vmem>>
      %dma_wait3A_1447 = arith.constant 0 : i32
      %dma_wait3A_1448 = tpu.memref_slice %arg5[%dma_wait3A_1441, %dma_wait3A_1447] : memref<16x200xi32, #tpu.memory_space<vmem>> -> memref<1x128xi32, #tpu.memory_space<vmem>>
      %dma_wait3A_1449 = tpu.memref_squeeze %dma_wait3A_1448 : memref<1x128xi32, #tpu.memory_space<vmem>> -> memref<128xi32, #tpu.memory_space<vmem>>
      %dma_wait3A_1450 = arith.constant 0 : i32
      %dma_wait3A_1451 = arith.constant 0 : i32
      %dma_wait3A_1452 = tpu.memref_slice %arg3[%dma_wait3A_1450, %dma_wait3A_1451] : memref<1000000x32xf32, #tpu.memory_space<hbm>> -> memref<1000000x32xf32, #tpu.memory_space<hbm>>
      tpu.wait_indirect_dma semaphore(%arg9 : memref<!tpu.dma_semaphore, #tpu.memory_space<semaphore_mem>>) src(%dma_wait3A_1452 : memref<1000000x32xf32, #tpu.memory_space<hbm>>) dst(%dma_wait3A_1446 : memref<128x32xf32, #tpu.memory_space<vmem>>)
      %dma_wait3A_1453 = arith.constant 9 : i32
      %dma_wait3A_1454 = arith.constant 1 : i32
      %dma_wait3A_1455 = arith.constant 128 : i32
      %dma_wait3A_1456 = arith.constant 0 : i32
      %dma_wait3A_1457 = tpu.memref_slice %arg7[%dma_wait3A_1454, %dma_wait3A_1455, %dma_wait3A_1456] : memref<8x200x32xf32, #tpu.memory_space<vmem>> -> memref<1x72x32xf32, #tpu.memory_space<vmem>>
      %dma_wait3A_1458 = tpu.memref_squeeze %dma_wait3A_1457 : memref<1x72x32xf32, #tpu.memory_space<vmem>> -> memref<72x32xf32, #tpu.memory_space<vmem>>
      %dma_wait3A_1459 = arith.constant 128 : i32
      %dma_wait3A_1460 = tpu.memref_slice %arg5[%dma_wait3A_1453, %dma_wait3A_1459] : memref<16x200xi32, #tpu.memory_space<vmem>> -> memref<1x72xi32, #tpu.memory_space<vmem>>
      %dma_wait3A_1461 = tpu.memref_squeeze %dma_wait3A_1460 : memref<1x72xi32, #tpu.memory_space<vmem>> -> memref<72xi32, #tpu.memory_space<vmem>>
      %dma_wait3A_1462 = arith.constant 0 : i32
      %dma_wait3A_1463 = arith.constant 0 : i32
      %dma_wait3A_1464 = tpu.memref_slice %arg3[%dma_wait3A_1462, %dma_wait3A_1463] : memref<1000000x32xf32, #tpu.memory_space<hbm>> -> memref<1000000x32xf32, #tpu.memory_space<hbm>>
      tpu.wait_indirect_dma semaphore(%arg9 : memref<!tpu.dma_semaphore, #tpu.memory_space<semaphore_mem>>) src(%dma_wait3A_1464 : memref<1000000x32xf32, #tpu.memory_space<hbm>>) dst(%dma_wait3A_1458 : memref<72x32xf32, #tpu.memory_space<vmem>>)
      %dma_wait3A_1465 = arith.constant 10 : i32
      %dma_wait3A_1466 = arith.constant 2 : i32
      %dma_wait3A_1467 = arith.constant 0 : i32
      %dma_wait3A_1468 = arith.constant 0 : i32
      %dma_wait3A_1469 = tpu.memref_slice %arg7[%dma_wait3A_1466, %dma_wait3A_1467, %dma_wait3A_1468] : memref<8x200x32xf32, #tpu.memory_space<vmem>> -> memref<1x128x32xf32, #tpu.memory_space<vmem>>
      %dma_wait3A_1470 = tpu.memref_squeeze %dma_wait3A_1469 : memref<1x128x32xf32, #tpu.memory_space<vmem>> -> memref<128x32xf32, #tpu.memory_space<vmem>>
      %dma_wait3A_1471 = arith.constant 0 : i32
      %dma_wait3A_1472 = tpu.memref_slice %arg5[%dma_wait3A_1465, %dma_wait3A_1471] : memref<16x200xi32, #tpu.memory_space<vmem>> -> memref<1x128xi32, #tpu.memory_space<vmem>>
      %dma_wait3A_1473 = tpu.memref_squeeze %dma_wait3A_1472 : memref<1x128xi32, #tpu.memory_space<vmem>> -> memref<128xi32, #tpu.memory_space<vmem>>
      %dma_wait3A_1474 = arith.constant 0 : i32
      %dma_wait3A_1475 = arith.constant 0 : i32
      %dma_wait3A_1476 = tpu.memref_slice %arg3[%dma_wait3A_1474, %dma_wait3A_1475] : memref<1000000x32xf32, #tpu.memory_space<hbm>> -> memref<1000000x32xf32, #tpu.memory_space<hbm>>
      tpu.wait_indirect_dma semaphore(%arg9 : memref<!tpu.dma_semaphore, #tpu.memory_space<semaphore_mem>>) src(%dma_wait3A_1476 : memref<1000000x32xf32, #tpu.memory_space<hbm>>) dst(%dma_wait3A_1470 : memref<128x32xf32, #tpu.memory_space<vmem>>)
      %dma_wait3A_1477 = arith.constant 10 : i32
      %dma_wait3A_1478 = arith.constant 2 : i32
      %dma_wait3A_1479 = arith.constant 128 : i32
      %dma_wait3A_1480 = arith.constant 0 : i32
      %dma_wait3A_1481 = tpu.memref_slice %arg7[%dma_wait3A_1478, %dma_wait3A_1479, %dma_wait3A_1480] : memref<8x200x32xf32, #tpu.memory_space<vmem>> -> memref<1x72x32xf32, #tpu.memory_space<vmem>>
      %dma_wait3A_1482 = tpu.memref_squeeze %dma_wait3A_1481 : memref<1x72x32xf32, #tpu.memory_space<vmem>> -> memref<72x32xf32, #tpu.memory_space<vmem>>
      %dma_wait3A_1483 = arith.constant 128 : i32
      %dma_wait3A_1484 = tpu.memref_slice %arg5[%dma_wait3A_1477, %dma_wait3A_1483] : memref<16x200xi32, #tpu.memory_space<vmem>> -> memref<1x72xi32, #tpu.memory_space<vmem>>
      %dma_wait3A_1485 = tpu.memref_squeeze %dma_wait3A_1484 : memref<1x72xi32, #tpu.memory_space<vmem>> -> memref<72xi32, #tpu.memory_space<vmem>>
      %dma_wait3A_1486 = arith.constant 0 : i32
      %dma_wait3A_1487 = arith.constant 0 : i32
      %dma_wait3A_1488 = tpu.memref_slice %arg3[%dma_wait3A_1486, %dma_wait3A_1487] : memref<1000000x32xf32, #tpu.memory_space<hbm>> -> memref<1000000x32xf32, #tpu.memory_space<hbm>>
      tpu.wait_indirect_dma semaphore(%arg9 : memref<!tpu.dma_semaphore, #tpu.memory_space<semaphore_mem>>) src(%dma_wait3A_1488 : memref<1000000x32xf32, #tpu.memory_space<hbm>>) dst(%dma_wait3A_1482 : memref<72x32xf32, #tpu.memory_space<vmem>>)
      %dma_wait3A_1489 = arith.constant 11 : i32
      %dma_wait3A_1490 = arith.constant 3 : i32
      %dma_wait3A_1491 = arith.constant 0 : i32
      %dma_wait3A_1492 = arith.constant 0 : i32
      %dma_wait3A_1493 = tpu.memref_slice %arg7[%dma_wait3A_1490, %dma_wait3A_1491, %dma_wait3A_1492] : memref<8x200x32xf32, #tpu.memory_space<vmem>> -> memref<1x128x32xf32, #tpu.memory_space<vmem>>
      %dma_wait3A_1494 = tpu.memref_squeeze %dma_wait3A_1493 : memref<1x128x32xf32, #tpu.memory_space<vmem>> -> memref<128x32xf32, #tpu.memory_space<vmem>>
      %dma_wait3A_1495 = arith.constant 0 : i32
      %dma_wait3A_1496 = tpu.memref_slice %arg5[%dma_wait3A_1489, %dma_wait3A_1495] : memref<16x200xi32, #tpu.memory_space<vmem>> -> memref<1x128xi32, #tpu.memory_space<vmem>>
      %dma_wait3A_1497 = tpu.memref_squeeze %dma_wait3A_1496 : memref<1x128xi32, #tpu.memory_space<vmem>> -> memref<128xi32, #tpu.memory_space<vmem>>
      %dma_wait3A_1498 = arith.constant 0 : i32
      %dma_wait3A_1499 = arith.constant 0 : i32
      %dma_wait3A_1500 = tpu.memref_slice %arg3[%dma_wait3A_1498, %dma_wait3A_1499] : memref<1000000x32xf32, #tpu.memory_space<hbm>> -> memref<1000000x32xf32, #tpu.memory_space<hbm>>
      tpu.wait_indirect_dma semaphore(%arg9 : memref<!tpu.dma_semaphore, #tpu.memory_space<semaphore_mem>>) src(%dma_wait3A_1500 : memref<1000000x32xf32, #tpu.memory_space<hbm>>) dst(%dma_wait3A_1494 : memref<128x32xf32, #tpu.memory_space<vmem>>)
      %dma_wait3A_1501 = arith.constant 11 : i32
      %dma_wait3A_1502 = arith.constant 3 : i32
      %dma_wait3A_1503 = arith.constant 128 : i32
      %dma_wait3A_1504 = arith.constant 0 : i32
      %dma_wait3A_1505 = tpu.memref_slice %arg7[%dma_wait3A_1502, %dma_wait3A_1503, %dma_wait3A_1504] : memref<8x200x32xf32, #tpu.memory_space<vmem>> -> memref<1x72x32xf32, #tpu.memory_space<vmem>>
      %dma_wait3A_1506 = tpu.memref_squeeze %dma_wait3A_1505 : memref<1x72x32xf32, #tpu.memory_space<vmem>> -> memref<72x32xf32, #tpu.memory_space<vmem>>
      %dma_wait3A_1507 = arith.constant 128 : i32
      %dma_wait3A_1508 = tpu.memref_slice %arg5[%dma_wait3A_1501, %dma_wait3A_1507] : memref<16x200xi32, #tpu.memory_space<vmem>> -> memref<1x72xi32, #tpu.memory_space<vmem>>
      %dma_wait3A_1509 = tpu.memref_squeeze %dma_wait3A_1508 : memref<1x72xi32, #tpu.memory_space<vmem>> -> memref<72xi32, #tpu.memory_space<vmem>>
      %dma_wait3A_1510 = arith.constant 0 : i32
      %dma_wait3A_1511 = arith.constant 0 : i32
      %dma_wait3A_1512 = tpu.memref_slice %arg3[%dma_wait3A_1510, %dma_wait3A_1511] : memref<1000000x32xf32, #tpu.memory_space<hbm>> -> memref<1000000x32xf32, #tpu.memory_space<hbm>>
      tpu.wait_indirect_dma semaphore(%arg9 : memref<!tpu.dma_semaphore, #tpu.memory_space<semaphore_mem>>) src(%dma_wait3A_1512 : memref<1000000x32xf32, #tpu.memory_space<hbm>>) dst(%dma_wait3A_1506 : memref<72x32xf32, #tpu.memory_space<vmem>>)
      %dma_wait3A_1513 = arith.constant 12 : i32
      %dma_wait3A_1514 = arith.constant 4 : i32
      %dma_wait3A_1515 = arith.constant 0 : i32
      %dma_wait3A_1516 = arith.constant 0 : i32
      %dma_wait3A_1517 = tpu.memref_slice %arg7[%dma_wait3A_1514, %dma_wait3A_1515, %dma_wait3A_1516] : memref<8x200x32xf32, #tpu.memory_space<vmem>> -> memref<1x128x32xf32, #tpu.memory_space<vmem>>
      %dma_wait3A_1518 = tpu.memref_squeeze %dma_wait3A_1517 : memref<1x128x32xf32, #tpu.memory_space<vmem>> -> memref<128x32xf32, #tpu.memory_space<vmem>>
      %dma_wait3A_1519 = arith.constant 0 : i32
      %dma_wait3A_1520 = tpu.memref_slice %arg5[%dma_wait3A_1513, %dma_wait3A_1519] : memref<16x200xi32, #tpu.memory_space<vmem>> -> memref<1x128xi32, #tpu.memory_space<vmem>>
      %dma_wait3A_1521 = tpu.memref_squeeze %dma_wait3A_1520 : memref<1x128xi32, #tpu.memory_space<vmem>> -> memref<128xi32, #tpu.memory_space<vmem>>
      %dma_wait3A_1522 = arith.constant 0 : i32
      %dma_wait3A_1523 = arith.constant 0 : i32
      %dma_wait3A_1524 = tpu.memref_slice %arg3[%dma_wait3A_1522, %dma_wait3A_1523] : memref<1000000x32xf32, #tpu.memory_space<hbm>> -> memref<1000000x32xf32, #tpu.memory_space<hbm>>
      tpu.wait_indirect_dma semaphore(%arg9 : memref<!tpu.dma_semaphore, #tpu.memory_space<semaphore_mem>>) src(%dma_wait3A_1524 : memref<1000000x32xf32, #tpu.memory_space<hbm>>) dst(%dma_wait3A_1518 : memref<128x32xf32, #tpu.memory_space<vmem>>)
      %dma_wait3A_1525 = arith.constant 12 : i32
      %dma_wait3A_1526 = arith.constant 4 : i32
      %dma_wait3A_1527 = arith.constant 128 : i32
      %dma_wait3A_1528 = arith.constant 0 : i32
      %dma_wait3A_1529 = tpu.memref_slice %arg7[%dma_wait3A_1526, %dma_wait3A_1527, %dma_wait3A_1528] : memref<8x200x32xf32, #tpu.memory_space<vmem>> -> memref<1x72x32xf32, #tpu.memory_space<vmem>>
      %dma_wait3A_1530 = tpu.memref_squeeze %dma_wait3A_1529 : memref<1x72x32xf32, #tpu.memory_space<vmem>> -> memref<72x32xf32, #tpu.memory_space<vmem>>
      %dma_wait3A_1531 = arith.constant 128 : i32
      %dma_wait3A_1532 = tpu.memref_slice %arg5[%dma_wait3A_1525, %dma_wait3A_1531] : memref<16x200xi32, #tpu.memory_space<vmem>> -> memref<1x72xi32, #tpu.memory_space<vmem>>
      %dma_wait3A_1533 = tpu.memref_squeeze %dma_wait3A_1532 : memref<1x72xi32, #tpu.memory_space<vmem>> -> memref<72xi32, #tpu.memory_space<vmem>>
      %dma_wait3A_1534 = arith.constant 0 : i32
      %dma_wait3A_1535 = arith.constant 0 : i32
      %dma_wait3A_1536 = tpu.memref_slice %arg3[%dma_wait3A_1534, %dma_wait3A_1535] : memref<1000000x32xf32, #tpu.memory_space<hbm>> -> memref<1000000x32xf32, #tpu.memory_space<hbm>>
      tpu.wait_indirect_dma semaphore(%arg9 : memref<!tpu.dma_semaphore, #tpu.memory_space<semaphore_mem>>) src(%dma_wait3A_1536 : memref<1000000x32xf32, #tpu.memory_space<hbm>>) dst(%dma_wait3A_1530 : memref<72x32xf32, #tpu.memory_space<vmem>>)
      %dma_wait3A_1537 = arith.constant 13 : i32
      %dma_wait3A_1538 = arith.constant 5 : i32
      %dma_wait3A_1539 = arith.constant 0 : i32
      %dma_wait3A_1540 = arith.constant 0 : i32
      %dma_wait3A_1541 = tpu.memref_slice %arg7[%dma_wait3A_1538, %dma_wait3A_1539, %dma_wait3A_1540] : memref<8x200x32xf32, #tpu.memory_space<vmem>> -> memref<1x128x32xf32, #tpu.memory_space<vmem>>
      %dma_wait3A_1542 = tpu.memref_squeeze %dma_wait3A_1541 : memref<1x128x32xf32, #tpu.memory_space<vmem>> -> memref<128x32xf32, #tpu.memory_space<vmem>>
      %dma_wait3A_1543 = arith.constant 0 : i32
      %dma_wait3A_1544 = tpu.memref_slice %arg5[%dma_wait3A_1537, %dma_wait3A_1543] : memref<16x200xi32, #tpu.memory_space<vmem>> -> memref<1x128xi32, #tpu.memory_space<vmem>>
      %dma_wait3A_1545 = tpu.memref_squeeze %dma_wait3A_1544 : memref<1x128xi32, #tpu.memory_space<vmem>> -> memref<128xi32, #tpu.memory_space<vmem>>
      %dma_wait3A_1546 = arith.constant 0 : i32
      %dma_wait3A_1547 = arith.constant 0 : i32
      %dma_wait3A_1548 = tpu.memref_slice %arg3[%dma_wait3A_1546, %dma_wait3A_1547] : memref<1000000x32xf32, #tpu.memory_space<hbm>> -> memref<1000000x32xf32, #tpu.memory_space<hbm>>
      tpu.wait_indirect_dma semaphore(%arg9 : memref<!tpu.dma_semaphore, #tpu.memory_space<semaphore_mem>>) src(%dma_wait3A_1548 : memref<1000000x32xf32, #tpu.memory_space<hbm>>) dst(%dma_wait3A_1542 : memref<128x32xf32, #tpu.memory_space<vmem>>)
      %dma_wait3A_1549 = arith.constant 13 : i32
      %dma_wait3A_1550 = arith.constant 5 : i32
      %dma_wait3A_1551 = arith.constant 128 : i32
      %dma_wait3A_1552 = arith.constant 0 : i32
      %dma_wait3A_1553 = tpu.memref_slice %arg7[%dma_wait3A_1550, %dma_wait3A_1551, %dma_wait3A_1552] : memref<8x200x32xf32, #tpu.memory_space<vmem>> -> memref<1x72x32xf32, #tpu.memory_space<vmem>>
      %dma_wait3A_1554 = tpu.memref_squeeze %dma_wait3A_1553 : memref<1x72x32xf32, #tpu.memory_space<vmem>> -> memref<72x32xf32, #tpu.memory_space<vmem>>
      %dma_wait3A_1555 = arith.constant 128 : i32
      %dma_wait3A_1556 = tpu.memref_slice %arg5[%dma_wait3A_1549, %dma_wait3A_1555] : memref<16x200xi32, #tpu.memory_space<vmem>> -> memref<1x72xi32, #tpu.memory_space<vmem>>
      %dma_wait3A_1557 = tpu.memref_squeeze %dma_wait3A_1556 : memref<1x72xi32, #tpu.memory_space<vmem>> -> memref<72xi32, #tpu.memory_space<vmem>>
      %dma_wait3A_1558 = arith.constant 0 : i32
      %dma_wait3A_1559 = arith.constant 0 : i32
      %dma_wait3A_1560 = tpu.memref_slice %arg3[%dma_wait3A_1558, %dma_wait3A_1559] : memref<1000000x32xf32, #tpu.memory_space<hbm>> -> memref<1000000x32xf32, #tpu.memory_space<hbm>>
      tpu.wait_indirect_dma semaphore(%arg9 : memref<!tpu.dma_semaphore, #tpu.memory_space<semaphore_mem>>) src(%dma_wait3A_1560 : memref<1000000x32xf32, #tpu.memory_space<hbm>>) dst(%dma_wait3A_1554 : memref<72x32xf32, #tpu.memory_space<vmem>>)
      %dma_wait3A_1561 = arith.constant 14 : i32
      %dma_wait3A_1562 = arith.constant 6 : i32
      %dma_wait3A_1563 = arith.constant 0 : i32
      %dma_wait3A_1564 = arith.constant 0 : i32
      %dma_wait3A_1565 = tpu.memref_slice %arg7[%dma_wait3A_1562, %dma_wait3A_1563, %dma_wait3A_1564] : memref<8x200x32xf32, #tpu.memory_space<vmem>> -> memref<1x128x32xf32, #tpu.memory_space<vmem>>
      %dma_wait3A_1566 = tpu.memref_squeeze %dma_wait3A_1565 : memref<1x128x32xf32, #tpu.memory_space<vmem>> -> memref<128x32xf32, #tpu.memory_space<vmem>>
      %dma_wait3A_1567 = arith.constant 0 : i32
      %dma_wait3A_1568 = tpu.memref_slice %arg5[%dma_wait3A_1561, %dma_wait3A_1567] : memref<16x200xi32, #tpu.memory_space<vmem>> -> memref<1x128xi32, #tpu.memory_space<vmem>>
      %dma_wait3A_1569 = tpu.memref_squeeze %dma_wait3A_1568 : memref<1x128xi32, #tpu.memory_space<vmem>> -> memref<128xi32, #tpu.memory_space<vmem>>
      %dma_wait3A_1570 = arith.constant 0 : i32
      %dma_wait3A_1571 = arith.constant 0 : i32
      %dma_wait3A_1572 = tpu.memref_slice %arg3[%dma_wait3A_1570, %dma_wait3A_1571] : memref<1000000x32xf32, #tpu.memory_space<hbm>> -> memref<1000000x32xf32, #tpu.memory_space<hbm>>
      tpu.wait_indirect_dma semaphore(%arg9 : memref<!tpu.dma_semaphore, #tpu.memory_space<semaphore_mem>>) src(%dma_wait3A_1572 : memref<1000000x32xf32, #tpu.memory_space<hbm>>) dst(%dma_wait3A_1566 : memref<128x32xf32, #tpu.memory_space<vmem>>)
      %dma_wait3A_1573 = arith.constant 14 : i32
      %dma_wait3A_1574 = arith.constant 6 : i32
      %dma_wait3A_1575 = arith.constant 128 : i32
      %dma_wait3A_1576 = arith.constant 0 : i32
      %dma_wait3A_1577 = tpu.memref_slice %arg7[%dma_wait3A_1574, %dma_wait3A_1575, %dma_wait3A_1576] : memref<8x200x32xf32, #tpu.memory_space<vmem>> -> memref<1x72x32xf32, #tpu.memory_space<vmem>>
      %dma_wait3A_1578 = tpu.memref_squeeze %dma_wait3A_1577 : memref<1x72x32xf32, #tpu.memory_space<vmem>> -> memref<72x32xf32, #tpu.memory_space<vmem>>
      %dma_wait3A_1579 = arith.constant 128 : i32
      %dma_wait3A_1580 = tpu.memref_slice %arg5[%dma_wait3A_1573, %dma_wait3A_1579] : memref<16x200xi32, #tpu.memory_space<vmem>> -> memref<1x72xi32, #tpu.memory_space<vmem>>
      %dma_wait3A_1581 = tpu.memref_squeeze %dma_wait3A_1580 : memref<1x72xi32, #tpu.memory_space<vmem>> -> memref<72xi32, #tpu.memory_space<vmem>>
      %dma_wait3A_1582 = arith.constant 0 : i32
      %dma_wait3A_1583 = arith.constant 0 : i32
      %dma_wait3A_1584 = tpu.memref_slice %arg3[%dma_wait3A_1582, %dma_wait3A_1583] : memref<1000000x32xf32, #tpu.memory_space<hbm>> -> memref<1000000x32xf32, #tpu.memory_space<hbm>>
      tpu.wait_indirect_dma semaphore(%arg9 : memref<!tpu.dma_semaphore, #tpu.memory_space<semaphore_mem>>) src(%dma_wait3A_1584 : memref<1000000x32xf32, #tpu.memory_space<hbm>>) dst(%dma_wait3A_1578 : memref<72x32xf32, #tpu.memory_space<vmem>>)
      %dma_wait3A_1585 = arith.constant 15 : i32
      %dma_wait3A_1586 = arith.constant 7 : i32
      %dma_wait3A_1587 = arith.constant 0 : i32
      %dma_wait3A_1588 = arith.constant 0 : i32
      %dma_wait3A_1589 = tpu.memref_slice %arg7[%dma_wait3A_1586, %dma_wait3A_1587, %dma_wait3A_1588] : memref<8x200x32xf32, #tpu.memory_space<vmem>> -> memref<1x128x32xf32, #tpu.memory_space<vmem>>
      %dma_wait3A_1590 = tpu.memref_squeeze %dma_wait3A_1589 : memref<1x128x32xf32, #tpu.memory_space<vmem>> -> memref<128x32xf32, #tpu.memory_space<vmem>>
      %dma_wait3A_1591 = arith.constant 0 : i32
      %dma_wait3A_1592 = tpu.memref_slice %arg5[%dma_wait3A_1585, %dma_wait3A_1591] : memref<16x200xi32, #tpu.memory_space<vmem>> -> memref<1x128xi32, #tpu.memory_space<vmem>>
      %dma_wait3A_1593 = tpu.memref_squeeze %dma_wait3A_1592 : memref<1x128xi32, #tpu.memory_space<vmem>> -> memref<128xi32, #tpu.memory_space<vmem>>
      %dma_wait3A_1594 = arith.constant 0 : i32
      %dma_wait3A_1595 = arith.constant 0 : i32
      %dma_wait3A_1596 = tpu.memref_slice %arg3[%dma_wait3A_1594, %dma_wait3A_1595] : memref<1000000x32xf32, #tpu.memory_space<hbm>> -> memref<1000000x32xf32, #tpu.memory_space<hbm>>
      tpu.wait_indirect_dma semaphore(%arg9 : memref<!tpu.dma_semaphore, #tpu.memory_space<semaphore_mem>>) src(%dma_wait3A_1596 : memref<1000000x32xf32, #tpu.memory_space<hbm>>) dst(%dma_wait3A_1590 : memref<128x32xf32, #tpu.memory_space<vmem>>)
      %dma_wait3A_1597 = arith.constant 15 : i32
      %dma_wait3A_1598 = arith.constant 7 : i32
      %dma_wait3A_1599 = arith.constant 128 : i32
      %dma_wait3A_1600 = arith.constant 0 : i32
      %dma_wait3A_1601 = tpu.memref_slice %arg7[%dma_wait3A_1598, %dma_wait3A_1599, %dma_wait3A_1600] : memref<8x200x32xf32, #tpu.memory_space<vmem>> -> memref<1x72x32xf32, #tpu.memory_space<vmem>>
      %dma_wait3A_1602 = tpu.memref_squeeze %dma_wait3A_1601 : memref<1x72x32xf32, #tpu.memory_space<vmem>> -> memref<72x32xf32, #tpu.memory_space<vmem>>
      %dma_wait3A_1603 = arith.constant 128 : i32
      %dma_wait3A_1604 = tpu.memref_slice %arg5[%dma_wait3A_1597, %dma_wait3A_1603] : memref<16x200xi32, #tpu.memory_space<vmem>> -> memref<1x72xi32, #tpu.memory_space<vmem>>
      %dma_wait3A_1605 = tpu.memref_squeeze %dma_wait3A_1604 : memref<1x72xi32, #tpu.memory_space<vmem>> -> memref<72xi32, #tpu.memory_space<vmem>>
      %dma_wait3A_1606 = arith.constant 0 : i32
      %dma_wait3A_1607 = arith.constant 0 : i32
      %dma_wait3A_1608 = tpu.memref_slice %arg3[%dma_wait3A_1606, %dma_wait3A_1607] : memref<1000000x32xf32, #tpu.memory_space<hbm>> -> memref<1000000x32xf32, #tpu.memory_space<hbm>>
      tpu.wait_indirect_dma semaphore(%arg9 : memref<!tpu.dma_semaphore, #tpu.memory_space<semaphore_mem>>) src(%dma_wait3A_1608 : memref<1000000x32xf32, #tpu.memory_space<hbm>>) dst(%dma_wait3A_1602 : memref<72x32xf32, #tpu.memory_space<vmem>>)
      %mul3A_1609 = arith.constant 2 : i32
      %mul3A_1610 = arith.muli %mul3A_1609, %scan3A_808 : i32
      %add3A_1611 = arith.constant 1 : i32
      %add3A_1612 = arith.addi %mul3A_1610, %add3A_1611 : i32
      %mul3A_1613 = arith.constant 8 : i32
      %mul3A_1614 = arith.muli %add3A_1612, %mul3A_1613 : i32
      %add3A_1615 = arith.addi %mul3A_2, %mul3A_1614 : i32
      %dma_start3A_1616 = arith.constant 0 : i32
      %dma_start3A_1617 = arith.constant 0 : i32
      %dma_start3A_1618 = tpu.memref_slice %arg4[%add3A_1615, %dma_start3A_1616, %dma_start3A_1617] : memref<16384x200x32xf32, #tpu.memory_space<hbm>> -> memref<8x200x32xf32, #tpu.memory_space<hbm>>
      %dma_start3A_1619 = arith.constant 0 : i32
      %dma_start3A_1620 = arith.constant 0 : i32
      %dma_start3A_1621 = tpu.memref_slice %arg4[%add3A_1615, %dma_start3A_1619, %dma_start3A_1620] : memref<16384x200x32xf32, #tpu.memory_space<hbm>> -> memref<8x200x32xf32, #tpu.memory_space<hbm>>
      tpu.enqueue_dma source(%arg7 : memref<8x200x32xf32, #tpu.memory_space<vmem>>) target(%dma_start3A_1621 : memref<8x200x32xf32, #tpu.memory_space<hbm>>) target_semaphore(%arg11 : memref<!tpu.dma_semaphore, #tpu.memory_space<semaphore_mem>>)
    }
    %scan3A_791 = arith.constant 31 : i32
    %dma_wait3A_792 = arith.constant 0 : i32
    %dma_wait3A_793 = arith.constant 0 : i32
    %dma_wait3A_794 = arith.constant 0 : i32
    %dma_wait3A_795 = tpu.memref_slice %arg4[%dma_wait3A_792, %dma_wait3A_793, %dma_wait3A_794] : memref<16384x200x32xf32, #tpu.memory_space<hbm>> -> memref<8x200x32xf32, #tpu.memory_space<hbm>>
    %dma_wait3A_796 = arith.constant 0 : i32
    %dma_wait3A_797 = arith.constant 0 : i32
    %dma_wait3A_798 = arith.constant 0 : i32
    %dma_wait3A_799 = tpu.memref_slice %arg4[%dma_wait3A_796, %dma_wait3A_797, %dma_wait3A_798] : memref<16384x200x32xf32, #tpu.memory_space<hbm>> -> memref<8x200x32xf32, #tpu.memory_space<hbm>>
    tpu.wait_dma2 semaphore(%arg10 : memref<!tpu.dma_semaphore, #tpu.memory_space<semaphore_mem>>) src(%arg6 : memref<8x200x32xf32, #tpu.memory_space<vmem>>) dst(%dma_wait3A_799 : memref<8x200x32xf32, #tpu.memory_space<hbm>>)
    %dma_wait3A_800 = arith.constant 0 : i32
    %dma_wait3A_801 = arith.constant 0 : i32
    %dma_wait3A_802 = arith.constant 0 : i32
    %dma_wait3A_803 = tpu.memref_slice %arg4[%dma_wait3A_800, %dma_wait3A_801, %dma_wait3A_802] : memref<16384x200x32xf32, #tpu.memory_space<hbm>> -> memref<8x200x32xf32, #tpu.memory_space<hbm>>
    %dma_wait3A_804 = arith.constant 0 : i32
    %dma_wait3A_805 = arith.constant 0 : i32
    %dma_wait3A_806 = arith.constant 0 : i32
    %dma_wait3A_807 = tpu.memref_slice %arg4[%dma_wait3A_804, %dma_wait3A_805, %dma_wait3A_806] : memref<16384x200x32xf32, #tpu.memory_space<hbm>> -> memref<8x200x32xf32, #tpu.memory_space<hbm>>
    tpu.wait_dma2 semaphore(%arg11 : memref<!tpu.dma_semaphore, #tpu.memory_space<semaphore_mem>>) src(%arg7 : memref<8x200x32xf32, #tpu.memory_space<vmem>>) dst(%dma_wait3A_807 : memref<8x200x32xf32, #tpu.memory_space<hbm>>)
    return
  }
}

</mosaic_0001>

<sc_bundles>
// kernel: kernel.3.cloned.1.call-start
scs
__scs_entry_jumppad:
0x0: {  	(pc) =	sbr.rel $0x88, $3  }
0x1: {  	(tag) =	ssettag $0x0;
	lr =	simm.s32 $0x1  }
0x2: {  	[smem:$0x3F9F] =	sst lr;
	_ =	strace $0xD0000000  }
0x3: {  	_ = 	snop  }
0x4: {  	_ = 	snop  }
0x5: {  	_ = 	snop  }
0x6: {  	_ = 	snop  }
0x7: {  	_ = 	snop  }
__scs_overlays_trampoline_lowered:
0x8: {  	[smem:$0x3FAE] =	sst s0  }
0x9: {  	[smem:$0x3FAF] =	sst s1  }
0xa: {  	[smem:$0x3FB0] =	sst s2  }
0xb: {  	[smem:$0x3FB1] =	sst s3  }
0xc: {  	[smem:$0x3FB2] =	sst s4  }
0xd: {  	[smem:$0x3FB3] =	sst s5  }
0xe: {  	[smem:$0x3FB4] =	sst s6  }
0xf: {  	[smem:$0x3FB5] =	sst s7  }
0x10: {  	[smem:$0x3FB6] =	sst s8  }
0x11: {  	[smem:$0x3FB7] =	sst s9;
	s0 =	simm.s32 @!p0 $0x0  }
0x12: {  	s1 =	sld [smem:$0x3F9D];
	s0 =	simm.s32 @p0 $0x1  }
0x13: {  	[smem:$0x3FB8] =	sst s0;
	s0 =	simm.s32 @!p1 $0x0  }
0x14: {  	s2 =	sld [smem:$0x3F9C];
	s0 =	simm.s32 @p1 $0x1  }
0x15: {  	[smem:$0x3FB9] =	sst s0;
	s0 =	simm.s32 @!p2 $0x0  }
0x16: {  	s3 =	sld [smem:$0x3FDB];
	s0 =	simm.s32 @p2 $0x1  }
0x17: {  	s4 =	simm.s32 $0x1BF5;
	[smem:$0x3FBB] =	sst s0  }
0x18: {  	s0 =	sld [smem:$0x3F9E];
	_ =	swait.ge [sflag:s4], $0x0  }
0x19: {  	s7 =	sld [smem:$0x3F9F]  }
0x1a: {  	s8 =	sadd.s32 $0xFFFFE003, lr  }
0x1b: {  	s9 =	sadd.s32 $0xFFFFFEF7, lr;
	s5 =	simm.s32 $0xFFFFFFFF;
	p2 =	slt.u32 s8, $0xFFFFF086  }
0x1c: {  	p1 =	slt.u32 s9, $0xF7A;
	s5 =	simm.s32 @!p2 $0x0  }
0x1d: {  	s5 =	simm.s32 @p1 $0x1;
	p0 =	seq.s32 s7, s2  }
0x1e: {  	s7 =	smul.u32 @!p0 $0xF7A, s2;
	p2 =	seq.s32 @!p0 s5, $0x0  }
0x1f: {  	s9 =	smul.u32 $0xF7A, s1;
	s8 =	simm.s32 @!p0 $0x1BF5;
	p2 =	por !p2, p0  }
0x20: {  	[sflag:s8] =	ssyncset.s32 @!p0 $0xFFFFF086;
	s6 =	sadd.s32 @!p0 s3, s7;
	s7 =	simm.s32 @!p0 $0x108  }
0x21: {  	s3 =	sadd.s32 s3, s9;
	s6 =	sadd.s32 @!p0 $0x88, s6;
	s7 =	simm.s32 @p2 $0x1082  }
0x22: {  	[simem:s7], [sflag:s8] =	dma.local @!p0 [hbm:s6], $0xF7A  }
0x23: {  	s9 =	sor.u32 $0xD0000000, s2;
	s6 =	simm.s32 $0x108;
	_ =	swait.ge @!p0 [sflag:s8], $0x0  }
0x24: {  	s3 =	sadd.s32 $0x88, s3;
	s6 =	simm.s32 @!p1 $0x1082;
	[sflag:s4] =	ssyncset.s32 $0xFFFFF086  }
0x25: {  	[simem:s6], [sflag:s4] =	dma.local [hbm:s3], $0xF7A  }
0x26: {  	[smem:$0x3F9F] =	sst s1;
	(tag) =	ssettag s2;
	_ =	strace s9  }
0x27: {  	s1 =	sld [smem:$0x3FAF]  }
0x28: {  	s2 =	sld [smem:$0x3FB0]  }
0x29: {  	s4 =	sld [smem:$0x3FB2]  }
0x2a: {  	p0 =	seq.s32 s5, $0x0;
	s5 =	sld [smem:$0x3FB3]  }
0x2b: {  	s6 =	sld [smem:$0x3FB4]  }
0x2c: {  	s7 =	sld [smem:$0x3FB5]  }
0x2d: {  	s3 =	simm.s32 $0x108;
	s8 =	sld [smem:$0x3FB6]  }
0x2e: {  	s3 =	simm.s32 @!p0 $0x1082;
	s9 =	sld [smem:$0x3FB7]  }
0x2f: {  	lr =	sadd.s32 s0, s3;
	s0 =	sld [smem:$0x3FAE]  }
0x30: {  	s3 =	sld [smem:$0x3FB1]  }
0x31: {  	[smem:$0x3FBA] =	sst s10  }
0x32: {  	s10 =	sld [smem:$0x3FB8];
	_ =	sdelay $0x3  }
0x33: {  	p0 =	seq.s32 s10, $0x1;
	s10 =	sld [smem:$0x3FBA];
	_ =	sdelay $0x3  }
0x34: {  	[smem:$0x3FBA] =	sst s10  }
0x35: {  	s10 =	sld [smem:$0x3FB9];
	_ =	sdelay $0x3  }
0x36: {  	p1 =	seq.s32 s10, $0x1;
	s10 =	sld [smem:$0x3FBA];
	_ =	sdelay $0x3  }
0x37: {  	[smem:$0x3FBA] =	sst s10  }
0x38: {  	s10 =	sld [smem:$0x3FBB]  }
0x39: {  	_ = 	snop;
	(pc) =	sbr.ind lr, $3  }
0x3a: {  	_ = 	snop  }
0x3b: {  	_ = 	snop  }
0x3c: {  	p2 =	seq.s32 s10, $0x1;
	s10 =	sld [smem:$0x3FBA]  }
0x3d: {  	_ =	shalt  }
0x3e: {  	_ =	shalt  }
0x3f: {  	_ =	shalt  }
0x40: {  	_ =	shalt  }
0x41: {  	_ =	shalt  }
0x42: {  	_ =	shalt  }
0x43: {  	_ =	shalt  }
0x44: {  	_ =	shalt  }
0x45: {  	_ =	shalt  }
0x46: {  	_ =	shalt  }
0x47: {  	_ =	shalt  }
0x48: {  	_ =	shalt  }
0x49: {  	_ =	shalt  }
0x4a: {  	_ =	shalt  }
0x4b: {  	_ =	shalt  }
0x4c: {  	_ =	shalt  }
0x4d: {  	_ =	shalt  }
0x4e: {  	_ =	shalt  }
0x4f: {  	_ =	shalt  }
0x50: {  	_ =	shalt  }
0x51: {  	_ =	shalt  }
0x52: {  	_ =	shalt  }
0x53: {  	_ =	shalt  }
0x54: {  	_ =	shalt  }
0x55: {  	_ =	shalt  }
0x56: {  	_ =	shalt  }
0x57: {  	_ =	shalt  }
0x58: {  	_ =	shalt  }
0x59: {  	_ =	shalt  }
0x5a: {  	_ =	shalt  }
0x5b: {  	_ =	shalt  }
0x5c: {  	_ =	shalt  }
0x5d: {  	_ =	shalt  }
0x5e: {  	_ =	shalt  }
0x5f: {  	_ =	shalt  }
0x60: {  	_ =	shalt  }
0x61: {  	_ =	shalt  }
0x62: {  	_ =	shalt  }
0x63: {  	_ =	shalt  }
0x64: {  	_ =	shalt  }
0x65: {  	_ =	shalt  }
0x66: {  	_ =	shalt  }
0x67: {  	_ =	shalt  }
0x68: {  	_ =	shalt  }
0x69: {  	_ =	shalt  }
0x6a: {  	_ =	shalt  }
0x6b: {  	_ =	shalt  }
0x6c: {  	_ =	shalt  }
0x6d: {  	_ =	shalt  }
0x6e: {  	_ =	shalt  }
0x6f: {  	_ =	shalt  }
0x70: {  	_ =	shalt  }
0x71: {  	_ =	shalt  }
0x72: {  	_ =	shalt  }
0x73: {  	_ =	shalt  }
0x74: {  	_ =	shalt  }
0x75: {  	_ =	shalt  }
0x76: {  	_ =	shalt  }
0x77: {  	_ =	shalt  }
0x78: {  	_ =	shalt  }
0x79: {  	_ =	shalt  }
0x7a: {  	_ =	shalt  }
0x7b: {  	_ =	shalt  }
0x7c: {  	_ =	shalt  }
0x7d: {  	_ =	shalt  }
0x7e: {  	_ =	shalt  }
0x7f: {  	_ =	shalt  }
0x80: {  	_ =	shalt  }
0x81: {  	_ =	shalt  }
0x82: {  	_ =	shalt  }
0x83: {  	_ =	shalt  }
0x84: {  	_ =	shalt  }
0x85: {  	_ =	shalt  }
0x86: {  	_ =	shalt  }
0x87: {  	_ =	shalt  }
.Lfunc_end0:
.L_simem_size_0:
called_computation.1_lowered:
.L_overlay_start_0:
0x88: {  	s2 =	sld [smem:$0x3FD9]  }
0x89: {  	s3 =	sld [smem:$0x3FFE];
	_ =	sdelay $0x1  }
0x8a: {  	s1 =	srdreg.scid  }
0x8b: {  	s0 =	sand.u32 $0x1, s1  }
0x8c: {  	s17 =	sshll.u32 s0, $0xA;
	s2 =	sadd.s32 s3, s2  }
0x8d: {  	s2 =	sadd.s32 s2, s17  }
0x8e: {  	[smem:$0x3FC6] =	sst s2  }
0x8f: {  	_ = 	snop  }
0x90: {  	s2 =	sld [smem:$0x3FD0];
	(tm) =	ssettm $0x1  }
0x91: {  	s18 =	sld [smem:$0x3FFB];
	_ =	sdelay $0x3  }
0x92: {  	_ =	strace s18  }
0x93: {  	s3 =	sld [smem:$0x3FFC];
	_ =	sdelay $0x3  }
0x94: {  	_ =	strace s3  }
0x95: {  	s3 =	sld [smem:$0x3FFD];
	_ =	sdelay $0x3  }
0x96: {  	_ =	strace s3  }
0x97: {  	_ =	strace $0x8FFFFFFF  }
0x98: {  	s19 =	sld [smem:$0x3FDB];
	_ =	sdelay $0x1  }
0x99: {  	s4 =	simm.s32 $_scs_section_size  }
0x9a: {  	s5 =	simm.s32 $_size__tile_overlayer_lowered;
	s6 =	simm.s32 $_tile_overlayer_lowered  }
0x9b: {  	s22 =	simm.s32 $0x1BFF;
	s21 =	sshll.u32 s6, $0x1;
	s3 =	sadd.s32 s4, s19  }
0x9c: {  	s7 =	simm.s32 $0x0;
	s20 =	sshll.u32 s5, $0x1;
	s5 =	sadd.s32 s21, s3  }
0x9d: {  	[timem:s7], [sflag:s22] =	dma.local [hbm:s5], s20  }
0x9e: {  	_ =	swait.ge [sflag:s22], s20  }
0x9f: {  	s4 =	ssub.s32 $0x0, s20;
	[sflag:s22] =	ssyncset.done $0x0  }
0xa0: {  	[sflag:s22] =	ssyncadd.s32 s4;
	_ =	sdelay $0x1  }
0xa1: {  	s23 =	simm.s32 $0x1B8B  }
0xa2: {  	_ =	swait.ge [sflag:s23], $0x1  }
0xa3: {  	[sflag:s23] =	ssyncset.done $0x0  }
0xa4: {  	s25 =	simm.s32 $0x1B8E;
	s24 =	sld [smem:$0x3FFE];
	[sflag:s23] =	ssyncadd.s32 $0xFFFFFFFF  }
0xa5: {  	s26 =	simm.s32 $execute0_lowered;
	[smem:$0x3FD2] =	sst s25  }
0xa6: {  	s5 =	sshll.u32 s26, $0x1;
	_ =	strace $0x80000046;
	[dreg:$0x1] =	wrdreg $0xFFFFFFFF  }
0xa7: {  	s28 =	simm.s32 $_size_execute0_lowered;
	s3 =	sadd.s32 s3, s5;
	[dreg:$0x0] =	wrdreg $0x0  }
0xa8: {  	s5 =	sshll.u32 s28, $0x1;
	[dreg:$0x2] =	wrdreg s3  }
0xa9: {  	[dreg:$0x3] =	wrdreg s5  }
0xaa: {  	[dreg:$0x4] =	wrdreg $0xC0  }
0xab: {  	_ =	task [dreg:s7], $0x5FFFF  }
0xac: {  	[dreg:$0x1] =	wrdreg $0xFFFFFFFF  }
0xad: {  	[dreg:$0x0] =	wrdreg $0x60  }
0xae: {  	[dreg:$0x2] =	wrdreg s24  }
0xaf: {  	[dreg:$0x3] =	wrdreg s2  }
0xb0: {  	[dreg:$0x4] =	wrdreg $0x9  }
0xb1: {  	_ =	task.clear_ibuf [dreg:s7], $0x5FFFF;
	_ =	strace $0x90000046  }
0xb2: {  	s29 =	simm.s32 $0x9;
	_ =	strace $0x80000048  }
0xb3: {  	_ =	swait.ge [sflag:s29], $0x1  }
0xb4: {  	[sflag:s29] =	ssyncadd.s32 $0xFFFFFFFF  }
0xb5: {  	_ =	strace $0x90000048  }
0xb6: {  	_ =	sfence  }
0xb7: {  	s30 =	sld [smem:$0x0];
	_ =	sdelay $0x2  }
0xb8: {  	s31 =	sshll.u32 s1, $0xD;
	s1 =	sshrl.u32 s1, $0x2  }
0xb9: {  	s3 =	sand.u32 $0x4000, s31;
	s1 =	sadd.s32 s1, s30  }
0xba: {  	s0 =	sor.u32 s3, s0;
	s1 =	sshll.u32 s1, $0x11  }
0xbb: {  	s0 =	sor.u32 s1, s0  }
0xbc: {  	s0 =	sadd.s32 $0x8F2B, s0  }
0xbd: {  	[sflag:s0] =	ssyncadd.remote.s32 $0x1  }
0xbe: {  	_ =	sfence.sel $0xFFFF  }
0xbf: {  	[dreg:$0x0] =	wrdreg $0xFFFFFFFF;
	(pc) =	sbr.abs _section_cstart, $3  }
0xc0: {  	[dreg:$0x1] =	wrdreg $0xFFFFFFFF  }
0xc1: {  	_ =	task.clear_ibuf [dreg:s7], $0x2FFFF;
	_ =	strace $0x9FFFFFFF  }
0xc2: {  	(tm) =	ssettm $0x7FFFFFFF  }
0xc3: {  	_ =	shalt  }
tec
execute0_lowered:
.L_overlay_start_1:
0x0: {  	(tag) =	ssettag $0x1  }
0x1: {  	s0 =	srdreg.scid;
	s1 =	rddreg [dreg:$0x0]  }
0x2: {  	s12 =	stileid.u32;
	s4 =	rddreg [dreg:$0x1]  }
0x3: {  	s30 =	simm.s32 $0xC80;
	s13 =	simm.s32 $0x3E80;
	s14 =	simm.s32 $0x210  }
0x4: {  	s15 =	simm.s32 $0x4E80;
	s16 =	simm.s32 $0x258;
	s18 =	simm.s32 $0x5780  }
0x5: {  	s19 =	simm.s32 $0x2D8;
	s20 =	simm.s32 $0x6780;
	s21 =	simm.s32 $0x320  }
0x6: {  	s28 =	simm.s32 $0x8080;
	s31 =	simm.s32 $0x8980;
	s17 =	simm.s32 $0xD480  }
0x7: {  	s29 =	simm.s32 $0x4;
	s0 =	sand.u32 $0x1, s0;
	s8 =	smul.u32 $0xC8000, s12  }
0x8: {  	s2 =	sshll.u32 s12, $0xA;
	s9 =	sadd.s32 $0x800, s1;
	s23 =	smul.u32 $0x6400, s12  }
0x9: {  	s12 =	simm.s32 $0x48;
	s3 =	sshll.u32 s0, $0x9;
	s11 =	smul.u32 $0x64000, s0  }
0xa: {  	s7 =	ssub.s32 $0x2, s0;
	s0 =	smul.u32 $0x3200, s0;
	s3 =	sor.u32 s3, s2  }
0xb: {  	s2 =	simm.s32 $0x0;
	s10 =	sshrl.u32 s7, $0x1;
	s25 =	sadd.s32 s23, s9  }
0xc: {  	s23 =	simm.s32 $0x3A0;
	s5 =	smul.u32 $0x19, s3;
	[smem:$0x7FF] =	sst s2  }
0xd: {  	s6 =	smul.u32 $0x320, s3;
	s3 =	sadd.s32 $0xFA6C00, s1;
	s22 =	ssub.s32 s7, s10  }
0xe: {  	s0 =	sadd.s32 s0, s25;
	s10 =	simm.s32 $0x80;
	s7 =	simm.s32 $0x2580  }
0xf: {  	s25 =	simm.s32 $0x2;
	_ =	strace $0x80000047;
	s1 =	smax.u32 s22, $0x1  }
0x10: {  	[dreg:$0x3] =	wrdreg s0;
	s22 =	simm.s32 $0x7080;
	s0 =	simm.s32 $0x0  }
0x11: {  	s5 =	sadd.s32 s9, s5;
	s24 =	sadd.s32 s4, s6;
	[dreg:$0x7] =	wrdreg s1  }
0x12: {  	s4 =	sadd.s32 s8, s4;
	s9 =	simm.s32 $0x5;
	[dreg:$0x9] =	wrdreg s0  }
0x13: {  	s6 =	simm.s32 $0xC8;
	s8 =	simm.s32 $0x3580;
	[dreg:$0x4] =	wrdreg s5  }
0x14: {  	[dreg:$0x5] =	wrdreg s24;
	s5 =	sadd.s32 $0x1900, s24;
	s26 =	sadd.s32 s11, s4  }
0x15: {  	s4 =	simm.s32 $0x1C80;
	s11 =	simm.s32 $0x3E8;
	s24 =	simm.s32 $0x1  }
0x16: {  	[dreg:$0x6] =	wrdreg s5;
	s1 =	sadd.s32 $0x4B00, s26;
	s5 =	simm.s32 $0x148  }
0x17: {  	s26 =	simm.s32 $0x3;
	[dreg:$0x8] =	wrdreg s1;
	s1 =	simm.s32 $0x468  }
.LBB2_1:
0x18: {  	s0 =	rddreg [dreg:$0x4]  }
0x19: {  	[tilespmem:s2], [sflag:$0x5] =	stream.linear.gather [hbm4b:s0+s2], $0xC80, $0x38;
	[tilespmem:$0x19C80] =	vst v63  }
0x1a: {  	_ =	swait.ge [sflag:s9], $0xC80  }
0x1b: {  	[sflag:s9] =	ssyncset.done $0x0  }
0x1c: {  	[sflag:s9] =	ssyncadd.s32 $0xFFFFF380  }
0x1d: {  	[tilespmem:s30], [sflag:$0x1] =	stream.indirect.gather [hbm4b:s3+s10], $0x20, s2, s10, $0xb8;
	[tilespmem:$0x19C80] =	vst v63  }
0x1e: {  	_ = 	snop  }
0x1f: {  	[tilespmem:s4], [sflag:$0x1] =	stream.indirect.gather [hbm4b:s3+s12], $0x20, s10, s12, $0xb8;
	[tilespmem:$0x19C80] =	vst v63  }
0x20: {  	_ = 	snop  }
0x21: {  	[tilespmem:s7], [sflag:$0x1] =	stream.indirect.gather [hbm4b:s3+s10], $0x20, s6, s10, $0xb8;
	[tilespmem:$0x19C80] =	vst v63  }
0x22: {  	_ = 	snop  }
0x23: {  	[tilespmem:s8], [sflag:$0x1] =	stream.indirect.gather [hbm4b:s3+s12], $0x20, s5, s12, $0xb8;
	[tilespmem:$0x19C80] =	vst v63  }
0x24: {  	s0 =	simm.s32 $0x190  }
0x25: {  	[tilespmem:s13], [sflag:$0x1] =	stream.indirect.gather [hbm4b:s3+s10], $0x20, s0, s10, $0xb8;
	[tilespmem:$0x19C80] =	vst v63  }
0x26: {  	_ = 	snop  }
0x27: {  	[tilespmem:s15], [sflag:$0x1] =	stream.indirect.gather [hbm4b:s3+s12], $0x20, s14, s12, $0xb8;
	[tilespmem:$0x19C80] =	vst v63  }
0x28: {  	_ = 	snop  }
0x29: {  	[tilespmem:s18], [sflag:$0x1] =	stream.indirect.gather [hbm4b:s3+s10], $0x20, s16, s10, $0xb8;
	[tilespmem:$0x19C80] =	vst v63  }
0x2a: {  	_ = 	snop  }
0x2b: {  	[tilespmem:s20], [sflag:$0x1] =	stream.indirect.gather [hbm4b:s3+s12], $0x20, s19, s12, $0xb8;
	[tilespmem:$0x19C80] =	vst v63  }
0x2c: {  	_ = 	snop  }
0x2d: {  	[tilespmem:s22], [sflag:$0x1] =	stream.indirect.gather [hbm4b:s3+s10], $0x20, s21, s10, $0xb8;
	[tilespmem:$0x19C80] =	vst v63  }
0x2e: {  	_ = 	snop  }
0x2f: {  	[tilespmem:s28], [sflag:$0x1] =	stream.indirect.gather [hbm4b:s3+s12], $0x20, s23, s12, $0xb8;
	[tilespmem:$0x19C80] =	vst v63  }
0x30: {  	_ = 	snop  }
0x31: {  	[tilespmem:s31], [sflag:$0x1] =	stream.indirect.gather [hbm4b:s3+s10], $0x20, s11, s10, $0xb8;
	[tilespmem:$0x19C80] =	vst v63  }
0x32: {  	s0 =	simm.s32 $0x9980  }
0x33: {  	[tilespmem:s0], [sflag:$0x1] =	stream.indirect.gather [hbm4b:s3+s12], $0x20, s1, s12, $0xb8;
	[tilespmem:$0x19C80] =	vst v63  }
0x34: {  	s0 =	simm.s32 $0x4B0;
	s1 =	simm.s32 $0xA280  }
0x35: {  	[tilespmem:s1], [sflag:$0x1] =	stream.indirect.gather [hbm4b:s3+s10], $0x20, s0, s10, $0xb8;
	[tilespmem:$0x19C80] =	vst v63  }
0x36: {  	s0 =	simm.s32 $0x530;
	s1 =	simm.s32 $0xB280  }
0x37: {  	[tilespmem:s1], [sflag:$0x1] =	stream.indirect.gather [hbm4b:s3+s12], $0x20, s0, s12, $0xb8;
	[tilespmem:$0x19C80] =	vst v63  }
0x38: {  	s0 =	simm.s32 $0x578;
	s1 =	simm.s32 $0xBB80  }
0x39: {  	[tilespmem:s1], [sflag:$0x1] =	stream.indirect.gather [hbm4b:s3+s10], $0x20, s0, s10, $0xb8;
	[tilespmem:$0x19C80] =	vst v63  }
0x3a: {  	s0 =	simm.s32 $0x5F8;
	s1 =	simm.s32 $0xCB80  }
0x3b: {  	[tilespmem:s1], [sflag:$0x1] =	stream.indirect.gather [hbm4b:s3+s12], $0x20, s0, s12, $0xb8;
	[tilespmem:$0x19C80] =	vst v63  }
0x3c: {  	s1 =	simm.s32 $0x640  }
0x3d: {  	[tilespmem:s17], [sflag:$0x2] =	stream.indirect.gather [hbm4b:s3+s10], $0x20, s1, s10, $0xb8;
	[tilespmem:$0x19C80] =	vst v63  }
0x3e: {  	s0 =	simm.s32 $0x6C0;
	s1 =	simm.s32 $0xE480  }
0x3f: {  	[tilespmem:s1], [sflag:$0x2] =	stream.indirect.gather [hbm4b:s3+s12], $0x20, s0, s12, $0xb8;
	[tilespmem:$0x19C80] =	vst v63  }
0x40: {  	s0 =	simm.s32 $0x708;
	s1 =	simm.s32 $0xED80  }
0x41: {  	[tilespmem:s1], [sflag:$0x2] =	stream.indirect.gather [hbm4b:s3+s10], $0x20, s0, s10, $0xb8;
	[tilespmem:$0x19C80] =	vst v63  }
0x42: {  	s0 =	simm.s32 $0x788;
	s1 =	simm.s32 $0xFD80  }
0x43: {  	[tilespmem:s1], [sflag:$0x2] =	stream.indirect.gather [hbm4b:s3+s12], $0x20, s0, s12, $0xb8;
	[tilespmem:$0x19C80] =	vst v63  }
0x44: {  	s0 =	simm.s32 $0x7D0;
	s1 =	simm.s32 $0x10680  }
0x45: {  	[tilespmem:s1], [sflag:$0x2] =	stream.indirect.gather [hbm4b:s3+s10], $0x20, s0, s10, $0xb8;
	[tilespmem:$0x19C80] =	vst v63  }
0x46: {  	s0 =	simm.s32 $0x850;
	s1 =	simm.s32 $0x11680  }
0x47: {  	[tilespmem:s1], [sflag:$0x2] =	stream.indirect.gather [hbm4b:s3+s12], $0x20, s0, s12, $0xb8;
	[tilespmem:$0x19C80] =	vst v63  }
0x48: {  	s0 =	simm.s32 $0x898;
	s1 =	simm.s32 $0x11F80  }
0x49: {  	[tilespmem:s1], [sflag:$0x2] =	stream.indirect.gather [hbm4b:s3+s10], $0x20, s0, s10, $0xb8;
	[tilespmem:$0x19C80] =	vst v63  }
0x4a: {  	s0 =	simm.s32 $0x918;
	s1 =	simm.s32 $0x12F80  }
0x4b: {  	[tilespmem:s1], [sflag:$0x2] =	stream.indirect.gather [hbm4b:s3+s12], $0x20, s0, s12, $0xb8;
	[tilespmem:$0x19C80] =	vst v63  }
0x4c: {  	s0 =	simm.s32 $0x960;
	s1 =	simm.s32 $0x13880  }
0x4d: {  	[tilespmem:s1], [sflag:$0x2] =	stream.indirect.gather [hbm4b:s3+s10], $0x20, s0, s10, $0xb8;
	[tilespmem:$0x19C80] =	vst v63  }
0x4e: {  	s0 =	simm.s32 $0x9E0;
	s1 =	simm.s32 $0x14880  }
0x4f: {  	[tilespmem:s1], [sflag:$0x2] =	stream.indirect.gather [hbm4b:s3+s12], $0x20, s0, s12, $0xb8;
	[tilespmem:$0x19C80] =	vst v63  }
0x50: {  	s0 =	simm.s32 $0xA28;
	s1 =	simm.s32 $0x15180  }
0x51: {  	[tilespmem:s1], [sflag:$0x2] =	stream.indirect.gather [hbm4b:s3+s10], $0x20, s0, s10, $0xb8;
	[tilespmem:$0x19C80] =	vst v63  }
0x52: {  	s0 =	simm.s32 $0xAA8;
	s1 =	simm.s32 $0x16180  }
0x53: {  	[tilespmem:s1], [sflag:$0x2] =	stream.indirect.gather [hbm4b:s3+s12], $0x20, s0, s12, $0xb8;
	[tilespmem:$0x19C80] =	vst v63  }
0x54: {  	s0 =	simm.s32 $0xAF0;
	s1 =	simm.s32 $0x16A80  }
0x55: {  	[tilespmem:s1], [sflag:$0x2] =	stream.indirect.gather [hbm4b:s3+s10], $0x20, s0, s10, $0xb8;
	[tilespmem:$0x19C80] =	vst v63  }
0x56: {  	s0 =	simm.s32 $0xB70;
	s1 =	simm.s32 $0x17A80  }
0x57: {  	[tilespmem:s1], [sflag:$0x2] =	stream.indirect.gather [hbm4b:s3+s12], $0x20, s0, s12, $0xb8;
	[tilespmem:$0x19C80] =	vst v63  }
0x58: {  	s0 =	simm.s32 $0xBB8;
	s1 =	simm.s32 $0x18380  }
0x59: {  	[tilespmem:s1], [sflag:$0x2] =	stream.indirect.gather [hbm4b:s3+s10], $0x20, s0, s10, $0xb8;
	[tilespmem:$0x19C80] =	vst v63  }
0x5a: {  	s0 =	simm.s32 $0xC38;
	s1 =	simm.s32 $0x19380  }
0x5b: {  	[tilespmem:s1], [sflag:$0x2] =	stream.indirect.gather [hbm4b:s3+s12], $0x20, s0, s12, $0xb8;
	[tilespmem:$0x19C80] =	vst v63  }
0x5c: {  	_ =	swait.ge [sflag:s24], $0x1000  }
0x5d: {  	[sflag:s24] =	ssyncset.done $0x0  }
0x5e: {  	[sflag:s24] =	ssyncadd.s32 $0xFFFFF000  }
0x5f: {  	_ =	swait.ge [sflag:s24], $0x900  }
0x60: {  	[sflag:s24] =	ssyncset.done $0x0  }
0x61: {  	[sflag:s24] =	ssyncadd.s32 $0xFFFFF700  }
0x62: {  	_ =	swait.ge [sflag:s24], $0x1000  }
0x63: {  	[sflag:s24] =	ssyncset.done $0x0  }
0x64: {  	[sflag:s24] =	ssyncadd.s32 $0xFFFFF000  }
0x65: {  	_ =	swait.ge [sflag:s24], $0x900  }
0x66: {  	[sflag:s24] =	ssyncset.done $0x0  }
0x67: {  	[sflag:s24] =	ssyncadd.s32 $0xFFFFF700  }
0x68: {  	_ =	swait.ge [sflag:s24], $0x1000  }
0x69: {  	[sflag:s24] =	ssyncset.done $0x0  }
0x6a: {  	[sflag:s24] =	ssyncadd.s32 $0xFFFFF000  }
0x6b: {  	_ =	swait.ge [sflag:s24], $0x900  }
0x6c: {  	[sflag:s24] =	ssyncset.done $0x0  }
0x6d: {  	[sflag:s24] =	ssyncadd.s32 $0xFFFFF700  }
0x6e: {  	_ =	swait.ge [sflag:s24], $0x1000  }
0x6f: {  	[sflag:s24] =	ssyncset.done $0x0  }
0x70: {  	[sflag:s24] =	ssyncadd.s32 $0xFFFFF000  }
0x71: {  	_ =	swait.ge [sflag:s24], $0x900  }
0x72: {  	[sflag:s24] =	ssyncset.done $0x0  }
0x73: {  	[sflag:s24] =	ssyncadd.s32 $0xFFFFF700  }
0x74: {  	_ =	swait.ge [sflag:s24], $0x1000  }
0x75: {  	[sflag:s24] =	ssyncset.done $0x0  }
0x76: {  	[sflag:s24] =	ssyncadd.s32 $0xFFFFF000  }
0x77: {  	_ =	swait.ge [sflag:s24], $0x900  }
0x78: {  	[sflag:s24] =	ssyncset.done $0x0  }
0x79: {  	[sflag:s24] =	ssyncadd.s32 $0xFFFFF700  }
0x7a: {  	_ =	swait.ge [sflag:s24], $0x1000  }
0x7b: {  	[sflag:s24] =	ssyncset.done $0x0  }
0x7c: {  	[sflag:s24] =	ssyncadd.s32 $0xFFFFF000  }
0x7d: {  	_ =	swait.ge [sflag:s24], $0x900  }
0x7e: {  	[sflag:s24] =	ssyncset.done $0x0  }
0x7f: {  	[sflag:s24] =	ssyncadd.s32 $0xFFFFF700  }
0x80: {  	_ =	swait.ge [sflag:s24], $0x1000  }
0x81: {  	[sflag:s24] =	ssyncset.done $0x0  }
0x82: {  	[sflag:s24] =	ssyncadd.s32 $0xFFFFF000  }
0x83: {  	_ =	swait.ge [sflag:s24], $0x900  }
0x84: {  	[sflag:s24] =	ssyncset.done $0x0  }
0x85: {  	[sflag:s24] =	ssyncadd.s32 $0xFFFFF700  }
0x86: {  	_ =	swait.ge [sflag:s24], $0x1000  }
0x87: {  	[sflag:s24] =	ssyncset.done $0x0  }
0x88: {  	[sflag:s24] =	ssyncadd.s32 $0xFFFFF000  }
0x89: {  	_ =	swait.ge [sflag:s24], $0x900  }
0x8a: {  	[sflag:s24] =	ssyncset.done $0x0  }
0x8b: {  	s1 =	rddreg [dreg:$0x5];
	[sflag:s24] =	ssyncadd.s32 $0xFFFFF700  }
0x8c: {  	[hbm4b:s1+s2] =	stream.linear.scatter [tilespmem:s30], [sflag:$0x3], $0xC800, $0x38;
	[tilespmem:$0x19C80] =	vst v63  }
0x8d: {  	_ =	swait.ge [sflag:s25], $0x1000  }
0x8e: {  	[sflag:s25] =	ssyncset.done $0x0  }
0x8f: {  	[sflag:s25] =	ssyncadd.s32 $0xFFFFF000  }
0x90: {  	_ =	swait.ge [sflag:s25], $0x900  }
0x91: {  	[sflag:s25] =	ssyncset.done $0x0  }
0x92: {  	[sflag:s25] =	ssyncadd.s32 $0xFFFFF700  }
0x93: {  	_ =	swait.ge [sflag:s25], $0x1000  }
0x94: {  	[sflag:s25] =	ssyncset.done $0x0  }
0x95: {  	[sflag:s25] =	ssyncadd.s32 $0xFFFFF000  }
0x96: {  	_ =	swait.ge [sflag:s25], $0x900  }
0x97: {  	[sflag:s25] =	ssyncset.done $0x0  }
0x98: {  	[sflag:s25] =	ssyncadd.s32 $0xFFFFF700  }
0x99: {  	_ =	swait.ge [sflag:s25], $0x1000  }
0x9a: {  	[sflag:s25] =	ssyncset.done $0x0  }
0x9b: {  	[sflag:s25] =	ssyncadd.s32 $0xFFFFF000  }
0x9c: {  	_ =	swait.ge [sflag:s25], $0x900  }
0x9d: {  	[sflag:s25] =	ssyncset.done $0x0  }
0x9e: {  	[sflag:s25] =	ssyncadd.s32 $0xFFFFF700  }
0x9f: {  	_ =	swait.ge [sflag:s25], $0x1000  }
0xa0: {  	[sflag:s25] =	ssyncset.done $0x0  }
0xa1: {  	[sflag:s25] =	ssyncadd.s32 $0xFFFFF000  }
0xa2: {  	_ =	swait.ge [sflag:s25], $0x900  }
0xa3: {  	[sflag:s25] =	ssyncset.done $0x0  }
0xa4: {  	[sflag:s25] =	ssyncadd.s32 $0xFFFFF700  }
0xa5: {  	_ =	swait.ge [sflag:s25], $0x1000  }
0xa6: {  	[sflag:s25] =	ssyncset.done $0x0  }
0xa7: {  	[sflag:s25] =	ssyncadd.s32 $0xFFFFF000  }
0xa8: {  	_ =	swait.ge [sflag:s25], $0x900  }
0xa9: {  	[sflag:s25] =	ssyncset.done $0x0  }
0xaa: {  	[sflag:s25] =	ssyncadd.s32 $0xFFFFF700  }
0xab: {  	_ =	swait.ge [sflag:s25], $0x1000  }
0xac: {  	[sflag:s25] =	ssyncset.done $0x0  }
0xad: {  	[sflag:s25] =	ssyncadd.s32 $0xFFFFF000  }
0xae: {  	_ =	swait.ge [sflag:s25], $0x900  }
0xaf: {  	[sflag:s25] =	ssyncset.done $0x0  }
0xb0: {  	[sflag:s25] =	ssyncadd.s32 $0xFFFFF700  }
0xb1: {  	_ =	swait.ge [sflag:s25], $0x1000  }
0xb2: {  	[sflag:s25] =	ssyncset.done $0x0  }
0xb3: {  	[sflag:s25] =	ssyncadd.s32 $0xFFFFF000  }
0xb4: {  	_ =	swait.ge [sflag:s25], $0x900  }
0xb5: {  	[sflag:s25] =	ssyncset.done $0x0  }
0xb6: {  	[sflag:s25] =	ssyncadd.s32 $0xFFFFF700  }
0xb7: {  	_ =	swait.ge [sflag:s25], $0x1000  }
0xb8: {  	[sflag:s25] =	ssyncset.done $0x0  }
0xb9: {  	[sflag:s25] =	ssyncadd.s32 $0xFFFFF000  }
0xba: {  	_ =	swait.ge [sflag:s25], $0x900  }
0xbb: {  	[sflag:s25] =	ssyncset.done $0x0  }
0xbc: {  	s1 =	rddreg [dreg:$0x6];
	[sflag:s25] =	ssyncadd.s32 $0xFFFFF700  }
0xbd: {  	[hbm4b:s1+s2] =	stream.linear.scatter [tilespmem:s17], [sflag:$0x4], $0xC800, $0x38;
	[tilespmem:$0x19C80] =	vst v63  }
0xbe: {  	_ =	swait.ge [sflag:s26], $0xC800  }
0xbf: {  	s1 =	rddreg [dreg:$0x3];
	[sflag:s26] =	ssyncset.done $0x0  }
0xc0: {  	[sflag:s26] =	ssyncadd.s32 $0xFFFF3800;
	s1 =	sadd.s32 $0x190, s1  }
0xc1: {  	[tilespmem:s2], [sflag:$0x5] =	stream.linear.gather [hbm4b:s1+s2], $0xC80, $0x38;
	[tilespmem:$0x19C80] =	vst v63  }
0xc2: {  	_ =	swait.ge [sflag:s9], $0xC80  }
0xc3: {  	[sflag:s9] =	ssyncset.done $0x0  }
0xc4: {  	[sflag:s9] =	ssyncadd.s32 $0xFFFFF380  }
0xc5: {  	[tilespmem:s30], [sflag:$0x1] =	stream.indirect.gather [hbm4b:s3+s10], $0x20, s2, s10, $0xb8;
	[tilespmem:$0x19C80] =	vst v63  }
0xc6: {  	_ = 	snop  }
0xc7: {  	[tilespmem:s4], [sflag:$0x1] =	stream.indirect.gather [hbm4b:s3+s12], $0x20, s10, s12, $0xb8;
	[tilespmem:$0x19C80] =	vst v63  }
0xc8: {  	_ = 	snop  }
0xc9: {  	[tilespmem:s7], [sflag:$0x1] =	stream.indirect.gather [hbm4b:s3+s10], $0x20, s6, s10, $0xb8;
	[tilespmem:$0x19C80] =	vst v63  }
0xca: {  	_ = 	snop  }
0xcb: {  	[tilespmem:s8], [sflag:$0x1] =	stream.indirect.gather [hbm4b:s3+s12], $0x20, s5, s12, $0xb8;
	[tilespmem:$0x19C80] =	vst v63  }
0xcc: {  	s8 =	simm.s32 $0x190  }
0xcd: {  	[tilespmem:s13], [sflag:$0x1] =	stream.indirect.gather [hbm4b:s3+s10], $0x20, s8, s10, $0xb8;
	[tilespmem:$0x19C80] =	vst v63  }
0xce: {  	_ = 	snop  }
0xcf: {  	[tilespmem:s15], [sflag:$0x1] =	stream.indirect.gather [hbm4b:s3+s12], $0x20, s14, s12, $0xb8;
	[tilespmem:$0x19C80] =	vst v63  }
0xd0: {  	_ = 	snop  }
0xd1: {  	[tilespmem:s18], [sflag:$0x1] =	stream.indirect.gather [hbm4b:s3+s10], $0x20, s16, s10, $0xb8;
	[tilespmem:$0x19C80] =	vst v63  }
0xd2: {  	_ = 	snop  }
0xd3: {  	[tilespmem:s20], [sflag:$0x1] =	stream.indirect.gather [hbm4b:s3+s12], $0x20, s19, s12, $0xb8;
	[tilespmem:$0x19C80] =	vst v63  }
0xd4: {  	_ = 	snop  }
0xd5: {  	[tilespmem:s22], [sflag:$0x1] =	stream.indirect.gather [hbm4b:s3+s10], $0x20, s21, s10, $0xb8;
	[tilespmem:$0x19C80] =	vst v63  }
0xd6: {  	_ = 	snop  }
0xd7: {  	[tilespmem:s28], [sflag:$0x1] =	stream.indirect.gather [hbm4b:s3+s12], $0x20, s23, s12, $0xb8;
	[tilespmem:$0x19C80] =	vst v63  }
0xd8: {  	_ = 	snop  }
0xd9: {  	[tilespmem:s31], [sflag:$0x1] =	stream.indirect.gather [hbm4b:s3+s10], $0x20, s11, s10, $0xb8;
	[tilespmem:$0x19C80] =	vst v63  }
0xda: {  	s0 =	simm.s32 $0x468;
	s19 =	simm.s32 $0x9980  }
0xdb: {  	[tilespmem:s19], [sflag:$0x1] =	stream.indirect.gather [hbm4b:s3+s12], $0x20, s0, s12, $0xb8;
	[tilespmem:$0x19C80] =	vst v63  }
0xdc: {  	s20 =	simm.s32 $0x4B0;
	s21 =	simm.s32 $0xA280  }
0xdd: {  	[tilespmem:s21], [sflag:$0x1] =	stream.indirect.gather [hbm4b:s3+s10], $0x20, s20, s10, $0xb8;
	[tilespmem:$0x19C80] =	vst v63  }
0xde: {  	s22 =	simm.s32 $0x530;
	s23 =	simm.s32 $0xB280  }
0xdf: {  	[tilespmem:s23], [sflag:$0x1] =	stream.indirect.gather [hbm4b:s3+s12], $0x20, s22, s12, $0xb8;
	[tilespmem:$0x19C80] =	vst v63  }
0xe0: {  	s1 =	simm.s32 $0x578;
	s4 =	simm.s32 $0xBB80  }
0xe1: {  	[tilespmem:s4], [sflag:$0x1] =	stream.indirect.gather [hbm4b:s3+s10], $0x20, s1, s10, $0xb8;
	[tilespmem:$0x19C80] =	vst v63  }
0xe2: {  	s6 =	simm.s32 $0xCB80;
	s5 =	simm.s32 $0x5F8  }
0xe3: {  	[tilespmem:s6], [sflag:$0x1] =	stream.indirect.gather [hbm4b:s3+s12], $0x20, s5, s12, $0xb8;
	[tilespmem:$0x19C80] =	vst v63  }
0xe4: {  	_ =	swait.ge [sflag:s29], $0xC800  }
0xe5: {  	[sflag:s29] =	ssyncset.done $0x0  }
0xe6: {  	s7 =	simm.s32 $0x640;
	[sflag:s29] =	ssyncadd.s32 $0xFFFF3800  }
0xe7: {  	[tilespmem:s17], [sflag:$0x2] =	stream.indirect.gather [hbm4b:s3+s10], $0x20, s7, s10, $0xb8;
	[tilespmem:$0x19C80] =	vst v63  }
0xe8: {  	s8 =	simm.s32 $0x6C0;
	s11 =	simm.s32 $0xE480  }
0xe9: {  	[tilespmem:s11], [sflag:$0x2] =	stream.indirect.gather [hbm4b:s3+s12], $0x20, s8, s12, $0xb8;
	[tilespmem:$0x19C80] =	vst v63  }
0xea: {  	s13 =	simm.s32 $0x708;
	s14 =	simm.s32 $0xED80  }
0xeb: {  	[tilespmem:s14], [sflag:$0x2] =	stream.indirect.gather [hbm4b:s3+s10], $0x20, s13, s10, $0xb8;
	[tilespmem:$0x19C80] =	vst v63  }
0xec: {  	s15 =	simm.s32 $0x788;
	s16 =	simm.s32 $0xFD80  }
0xed: {  	[tilespmem:s16], [sflag:$0x2] =	stream.indirect.gather [hbm4b:s3+s12], $0x20, s15, s12, $0xb8;
	[tilespmem:$0x19C80] =	vst v63  }
0xee: {  	s18 =	simm.s32 $0x7D0;
	s19 =	simm.s32 $0x10680  }
0xef: {  	[tilespmem:s19], [sflag:$0x2] =	stream.indirect.gather [hbm4b:s3+s10], $0x20, s18, s10, $0xb8;
	[tilespmem:$0x19C80] =	vst v63  }
0xf0: {  	s20 =	simm.s32 $0x850;
	s21 =	simm.s32 $0x11680  }
0xf1: {  	[tilespmem:s21], [sflag:$0x2] =	stream.indirect.gather [hbm4b:s3+s12], $0x20, s20, s12, $0xb8;
	[tilespmem:$0x19C80] =	vst v63  }
0xf2: {  	s22 =	simm.s32 $0x898;
	s23 =	simm.s32 $0x11F80  }
0xf3: {  	[tilespmem:s23], [sflag:$0x2] =	stream.indirect.gather [hbm4b:s3+s10], $0x20, s22, s10, $0xb8;
	[tilespmem:$0x19C80] =	vst v63  }
0xf4: {  	s4 =	simm.s32 $0x918;
	s5 =	simm.s32 $0x12F80  }
0xf5: {  	[tilespmem:s5], [sflag:$0x2] =	stream.indirect.gather [hbm4b:s3+s12], $0x20, s4, s12, $0xb8;
	[tilespmem:$0x19C80] =	vst v63  }
0xf6: {  	s6 =	simm.s32 $0x960;
	s7 =	simm.s32 $0x13880  }
0xf7: {  	[tilespmem:s7], [sflag:$0x2] =	stream.indirect.gather [hbm4b:s3+s10], $0x20, s6, s10, $0xb8;
	[tilespmem:$0x19C80] =	vst v63  }
0xf8: {  	s8 =	simm.s32 $0x9E0;
	s11 =	simm.s32 $0x14880  }
0xf9: {  	[tilespmem:s11], [sflag:$0x2] =	stream.indirect.gather [hbm4b:s3+s12], $0x20, s8, s12, $0xb8;
	[tilespmem:$0x19C80] =	vst v63  }
0xfa: {  	s13 =	simm.s32 $0xA28;
	s14 =	simm.s32 $0x15180  }
0xfb: {  	[tilespmem:s14], [sflag:$0x2] =	stream.indirect.gather [hbm4b:s3+s10], $0x20, s13, s10, $0xb8;
	[tilespmem:$0x19C80] =	vst v63  }
0xfc: {  	s15 =	simm.s32 $0xAA8;
	s16 =	simm.s32 $0x16180  }
0xfd: {  	[tilespmem:s16], [sflag:$0x2] =	stream.indirect.gather [hbm4b:s3+s12], $0x20, s15, s12, $0xb8;
	[tilespmem:$0x19C80] =	vst v63  }
0xfe: {  	s18 =	simm.s32 $0xAF0;
	s19 =	simm.s32 $0x16A80  }
0xff: {  	[tilespmem:s19], [sflag:$0x2] =	stream.indirect.gather [hbm4b:s3+s10], $0x20, s18, s10, $0xb8;
	[tilespmem:$0x19C80] =	vst v63  }
0x100: {  	s20 =	simm.s32 $0xB70;
	s21 =	simm.s32 $0x17A80  }
0x101: {  	[tilespmem:s21], [sflag:$0x2] =	stream.indirect.gather [hbm4b:s3+s12], $0x20, s20, s12, $0xb8;
	[tilespmem:$0x19C80] =	vst v63  }
0x102: {  	s22 =	simm.s32 $0xBB8;
	s23 =	simm.s32 $0x18380  }
0x103: {  	[tilespmem:s23], [sflag:$0x2] =	stream.indirect.gather [hbm4b:s3+s10], $0x20, s22, s10, $0xb8;
	[tilespmem:$0x19C80] =	vst v63  }
0x104: {  	s1 =	simm.s32 $0xC38;
	s4 =	simm.s32 $0x19380  }
0x105: {  	[tilespmem:s4], [sflag:$0x2] =	stream.indirect.gather [hbm4b:s3+s12], $0x20, s1, s12, $0xb8;
	[tilespmem:$0x19C80] =	vst v63  }
0x106: {  	_ =	swait.ge [sflag:s24], $0x1000  }
0x107: {  	[sflag:s24] =	ssyncset.done $0x0  }
0x108: {  	[sflag:s24] =	ssyncadd.s32 $0xFFFFF000  }
0x109: {  	_ =	swait.ge [sflag:s24], $0x900  }
0x10a: {  	[sflag:s24] =	ssyncset.done $0x0  }
0x10b: {  	[sflag:s24] =	ssyncadd.s32 $0xFFFFF700  }
0x10c: {  	_ =	swait.ge [sflag:s24], $0x1000  }
0x10d: {  	[sflag:s24] =	ssyncset.done $0x0  }
0x10e: {  	[sflag:s24] =	ssyncadd.s32 $0xFFFFF000  }
0x10f: {  	_ =	swait.ge [sflag:s24], $0x900  }
0x110: {  	[sflag:s24] =	ssyncset.done $0x0  }
0x111: {  	[sflag:s24] =	ssyncadd.s32 $0xFFFFF700  }
0x112: {  	_ =	swait.ge [sflag:s24], $0x1000  }
0x113: {  	[sflag:s24] =	ssyncset.done $0x0  }
0x114: {  	[sflag:s24] =	ssyncadd.s32 $0xFFFFF000  }
0x115: {  	_ =	swait.ge [sflag:s24], $0x900  }
0x116: {  	[sflag:s24] =	ssyncset.done $0x0  }
0x117: {  	[sflag:s24] =	ssyncadd.s32 $0xFFFFF700  }
0x118: {  	_ =	swait.ge [sflag:s24], $0x1000  }
0x119: {  	[sflag:s24] =	ssyncset.done $0x0  }
0x11a: {  	[sflag:s24] =	ssyncadd.s32 $0xFFFFF000  }
0x11b: {  	_ =	swait.ge [sflag:s24], $0x900  }
0x11c: {  	[sflag:s24] =	ssyncset.done $0x0  }
0x11d: {  	[sflag:s24] =	ssyncadd.s32 $0xFFFFF700  }
0x11e: {  	_ =	swait.ge [sflag:s24], $0x1000  }
0x11f: {  	[sflag:s24] =	ssyncset.done $0x0  }
0x120: {  	[sflag:s24] =	ssyncadd.s32 $0xFFFFF000  }
0x121: {  	_ =	swait.ge [sflag:s24], $0x900  }
0x122: {  	[sflag:s24] =	ssyncset.done $0x0  }
0x123: {  	[sflag:s24] =	ssyncadd.s32 $0xFFFFF700  }
0x124: {  	_ =	swait.ge [sflag:s24], $0x1000  }
0x125: {  	[sflag:s24] =	ssyncset.done $0x0  }
0x126: {  	[sflag:s24] =	ssyncadd.s32 $0xFFFFF000  }
0x127: {  	_ =	swait.ge [sflag:s24], $0x900  }
0x128: {  	[sflag:s24] =	ssyncset.done $0x0  }
0x129: {  	[sflag:s24] =	ssyncadd.s32 $0xFFFFF700  }
0x12a: {  	_ =	swait.ge [sflag:s24], $0x1000  }
0x12b: {  	[sflag:s24] =	ssyncset.done $0x0  }
0x12c: {  	[sflag:s24] =	ssyncadd.s32 $0xFFFFF000  }
0x12d: {  	_ =	swait.ge [sflag:s24], $0x900  }
0x12e: {  	[sflag:s24] =	ssyncset.done $0x0  }
0x12f: {  	[sflag:s24] =	ssyncadd.s32 $0xFFFFF700  }
0x130: {  	_ =	swait.ge [sflag:s24], $0x1000  }
0x131: {  	[sflag:s24] =	ssyncset.done $0x0  }
0x132: {  	[sflag:s24] =	ssyncadd.s32 $0xFFFFF000  }
0x133: {  	_ =	swait.ge [sflag:s24], $0x900  }
0x134: {  	[sflag:s24] =	ssyncset.done $0x0;
	s5 =	rddreg [dreg:$0x8]  }
0x135: {  	[sflag:s24] =	ssyncadd.s32 $0xFFFFF700;
	s23 =	sadd.s32 $0xFFFFE700, s5  }
0x136: {  	[hbm4b:s23+s2] =	stream.linear.scatter [tilespmem:s30], [sflag:$0x3], $0xC800, $0x38;
	[tilespmem:$0x19C80] =	vst v63  }
0x137: {  	_ =	swait.ge [sflag:s25], $0x1000  }
0x138: {  	[sflag:s25] =	ssyncset.done $0x0  }
0x139: {  	[sflag:s25] =	ssyncadd.s32 $0xFFFFF000  }
0x13a: {  	_ =	swait.ge [sflag:s25], $0x900  }
0x13b: {  	[sflag:s25] =	ssyncset.done $0x0  }
0x13c: {  	[sflag:s25] =	ssyncadd.s32 $0xFFFFF700  }
0x13d: {  	_ =	swait.ge [sflag:s25], $0x1000  }
0x13e: {  	[sflag:s25] =	ssyncset.done $0x0  }
0x13f: {  	[sflag:s25] =	ssyncadd.s32 $0xFFFFF000  }
0x140: {  	_ =	swait.ge [sflag:s25], $0x900  }
0x141: {  	[sflag:s25] =	ssyncset.done $0x0  }
0x142: {  	[sflag:s25] =	ssyncadd.s32 $0xFFFFF700  }
0x143: {  	_ =	swait.ge [sflag:s25], $0x1000  }
0x144: {  	[sflag:s25] =	ssyncset.done $0x0  }
0x145: {  	[sflag:s25] =	ssyncadd.s32 $0xFFFFF000  }
0x146: {  	_ =	swait.ge [sflag:s25], $0x900  }
0x147: {  	[sflag:s25] =	ssyncset.done $0x0  }
0x148: {  	[sflag:s25] =	ssyncadd.s32 $0xFFFFF700  }
0x149: {  	_ =	swait.ge [sflag:s25], $0x1000  }
0x14a: {  	[sflag:s25] =	ssyncset.done $0x0  }
0x14b: {  	[sflag:s25] =	ssyncadd.s32 $0xFFFFF000  }
0x14c: {  	_ =	swait.ge [sflag:s25], $0x900  }
0x14d: {  	[sflag:s25] =	ssyncset.done $0x0  }
0x14e: {  	[sflag:s25] =	ssyncadd.s32 $0xFFFFF700  }
0x14f: {  	_ =	swait.ge [sflag:s25], $0x1000  }
0x150: {  	[sflag:s25] =	ssyncset.done $0x0  }
0x151: {  	[sflag:s25] =	ssyncadd.s32 $0xFFFFF000  }
0x152: {  	_ =	swait.ge [sflag:s25], $0x900  }
0x153: {  	[sflag:s25] =	ssyncset.done $0x0  }
0x154: {  	[sflag:s25] =	ssyncadd.s32 $0xFFFFF700  }
0x155: {  	_ =	swait.ge [sflag:s25], $0x1000  }
0x156: {  	[sflag:s25] =	ssyncset.done $0x0  }
0x157: {  	[sflag:s25] =	ssyncadd.s32 $0xFFFFF000  }
0x158: {  	_ =	swait.ge [sflag:s25], $0x900  }
0x159: {  	[sflag:s25] =	ssyncset.done $0x0  }
0x15a: {  	[sflag:s25] =	ssyncadd.s32 $0xFFFFF700  }
0x15b: {  	_ =	swait.ge [sflag:s25], $0x1000  }
0x15c: {  	[sflag:s25] =	ssyncset.done $0x0  }
0x15d: {  	[sflag:s25] =	ssyncadd.s32 $0xFFFFF000  }
0x15e: {  	s28 =	simm.s32 $0x8080;
	s6 =	simm.s32 $0xC80;
	_ =	swait.ge [sflag:s25], $0x900  }
0x15f: {  	s7 =	simm.s32 $0x8980;
	s8 =	simm.s32 $0x3580;
	[sflag:s25] =	ssyncset.done $0x0  }
0x160: {  	s11 =	simm.s32 $0x3E8;
	s13 =	simm.s32 $0x3E80;
	[sflag:s25] =	ssyncadd.s32 $0xFFFFF700  }
0x161: {  	s14 =	simm.s32 $0x210;
	s15 =	simm.s32 $0x4E80;
	_ =	swait.ge [sflag:s25], $0x1000  }
0x162: {  	s16 =	simm.s32 $0x258;
	s18 =	simm.s32 $0x5780;
	[sflag:s25] =	ssyncset.done $0x0  }
0x163: {  	s19 =	simm.s32 $0x2D8;
	s20 =	simm.s32 $0x6780;
	[sflag:s25] =	ssyncadd.s32 $0xFFFFF000  }
0x164: {  	s21 =	simm.s32 $0x320;
	s22 =	simm.s32 $0x7080;
	_ =	swait.ge [sflag:s25], $0x900  }
0x165: {  	s31 =	sadd.s32 $0x3200, s5;
	s1 =	smov.u32 s5;
	[sflag:s25] =	ssyncset.done $0x0  }
0x166: {  	s23 =	simm.s32 $0x3A0;
	s30 =	simm.s32 $0x320;
	[sflag:s25] =	ssyncadd.s32 $0xFFFFF700  }
.LBB2_2:
0x167: {  	[hbm4b:s1+s2] =	stream.linear.scatter [tilespmem:s17], [sflag:$0x4], $0xC800, $0x38;
	[tilespmem:$0x19C80] =	vst v63  }
0x168: {  	_ =	swait.ge [sflag:s26], $0xC800  }
0x169: {  	s0 =	smov.u32 s30;
	s4 =	rddreg [dreg:$0x3];
	[sflag:s26] =	ssyncset.done $0x0  }
0x16a: {  	[sflag:s26] =	ssyncadd.s32 $0xFFFF3800;
	s0 =	sadd.s32 s0, s4  }
0x16b: {  	[tilespmem:s2], [sflag:$0x5] =	stream.linear.gather [hbm4b:s0+s2], $0xC80, $0x38;
	[tilespmem:$0x19C80] =	vst v63  }
0x16c: {  	_ =	swait.ge [sflag:s9], $0xC80  }
0x16d: {  	[sflag:s9] =	ssyncset.done $0x0  }
0x16e: {  	[sflag:s9] =	ssyncadd.s32 $0xFFFFF380  }
0x16f: {  	[tilespmem:s6], [sflag:$0x1] =	stream.indirect.gather [hbm4b:s3+s10], $0x20, s2, s10, $0xb8;
	[tilespmem:$0x19C80] =	vst v63  }
0x170: {  	s4 =	simm.s32 $0x1C80  }
0x171: {  	[tilespmem:s4], [sflag:$0x1] =	stream.indirect.gather [hbm4b:s3+s12], $0x20, s10, s12, $0xb8;
	[tilespmem:$0x19C80] =	vst v63  }
0x172: {  	s5 =	simm.s32 $0x2580;
	s0 =	simm.s32 $0xC8  }
0x173: {  	[tilespmem:s5], [sflag:$0x1] =	stream.indirect.gather [hbm4b:s3+s10], $0x20, s0, s10, $0xb8;
	[tilespmem:$0x19C80] =	vst v63  }
0x174: {  	s5 =	simm.s32 $0x148  }
0x175: {  	[tilespmem:s8], [sflag:$0x1] =	stream.indirect.gather [hbm4b:s3+s12], $0x20, s5, s12, $0xb8;
	[tilespmem:$0x19C80] =	vst v63  }
0x176: {  	s5 =	simm.s32 $0x190  }
0x177: {  	[tilespmem:s13], [sflag:$0x1] =	stream.indirect.gather [hbm4b:s3+s10], $0x20, s5, s10, $0xb8;
	[tilespmem:$0x19C80] =	vst v63  }
0x178: {  	_ = 	snop  }
0x179: {  	[tilespmem:s15], [sflag:$0x1] =	stream.indirect.gather [hbm4b:s3+s12], $0x20, s14, s12, $0xb8;
	[tilespmem:$0x19C80] =	vst v63  }
0x17a: {  	_ = 	snop  }
0x17b: {  	[tilespmem:s18], [sflag:$0x1] =	stream.indirect.gather [hbm4b:s3+s10], $0x20, s16, s10, $0xb8;
	[tilespmem:$0x19C80] =	vst v63  }
0x17c: {  	_ = 	snop  }
0x17d: {  	[tilespmem:s20], [sflag:$0x1] =	stream.indirect.gather [hbm4b:s3+s12], $0x20, s19, s12, $0xb8;
	[tilespmem:$0x19C80] =	vst v63  }
0x17e: {  	_ = 	snop  }
0x17f: {  	[tilespmem:s22], [sflag:$0x1] =	stream.indirect.gather [hbm4b:s3+s10], $0x20, s21, s10, $0xb8;
	[tilespmem:$0x19C80] =	vst v63  }
0x180: {  	_ = 	snop  }
0x181: {  	[tilespmem:s28], [sflag:$0x1] =	stream.indirect.gather [hbm4b:s3+s12], $0x20, s23, s12, $0xb8;
	[tilespmem:$0x19C80] =	vst v63  }
0x182: {  	_ = 	snop  }
0x183: {  	[tilespmem:s7], [sflag:$0x1] =	stream.indirect.gather [hbm4b:s3+s10], $0x20, s11, s10, $0xb8;
	[tilespmem:$0x19C80] =	vst v63  }
0x184: {  	s0 =	simm.s32 $0x9980;
	s5 =	simm.s32 $0x468  }
0x185: {  	[tilespmem:s0], [sflag:$0x1] =	stream.indirect.gather [hbm4b:s3+s12], $0x20, s5, s12, $0xb8;
	[tilespmem:$0x19C80] =	vst v63  }
0x186: {  	s0 =	simm.s32 $0x4B0;
	s5 =	simm.s32 $0xA280  }
0x187: {  	[tilespmem:s5], [sflag:$0x1] =	stream.indirect.gather [hbm4b:s3+s10], $0x20, s0, s10, $0xb8;
	[tilespmem:$0x19C80] =	vst v63  }
0x188: {  	s0 =	simm.s32 $0x530;
	s5 =	simm.s32 $0xB280  }
0x189: {  	[tilespmem:s5], [sflag:$0x1] =	stream.indirect.gather [hbm4b:s3+s12], $0x20, s0, s12, $0xb8;
	[tilespmem:$0x19C80] =	vst v63  }
0x18a: {  	s0 =	simm.s32 $0x578;
	s5 =	simm.s32 $0xBB80  }
0x18b: {  	[tilespmem:s5], [sflag:$0x1] =	stream.indirect.gather [hbm4b:s3+s10], $0x20, s0, s10, $0xb8;
	[tilespmem:$0x19C80] =	vst v63  }
0x18c: {  	s0 =	simm.s32 $0x5F8;
	s5 =	simm.s32 $0xCB80  }
0x18d: {  	[tilespmem:s5], [sflag:$0x1] =	stream.indirect.gather [hbm4b:s3+s12], $0x20, s0, s12, $0xb8;
	[tilespmem:$0x19C80] =	vst v63  }
0x18e: {  	_ =	swait.ge [sflag:s29], $0xC800  }
0x18f: {  	[sflag:s29] =	ssyncset.done $0x0  }
0x190: {  	s5 =	simm.s32 $0x640;
	[sflag:s29] =	ssyncadd.s32 $0xFFFF3800  }
0x191: {  	[tilespmem:s17], [sflag:$0x2] =	stream.indirect.gather [hbm4b:s3+s10], $0x20, s5, s10, $0xb8;
	[tilespmem:$0x19C80] =	vst v63  }
0x192: {  	s0 =	simm.s32 $0x6C0;
	s5 =	simm.s32 $0xE480  }
0x193: {  	[tilespmem:s5], [sflag:$0x2] =	stream.indirect.gather [hbm4b:s3+s12], $0x20, s0, s12, $0xb8;
	[tilespmem:$0x19C80] =	vst v63  }
0x194: {  	s0 =	simm.s32 $0x708;
	s5 =	simm.s32 $0xED80  }
0x195: {  	[tilespmem:s5], [sflag:$0x2] =	stream.indirect.gather [hbm4b:s3+s10], $0x20, s0, s10, $0xb8;
	[tilespmem:$0x19C80] =	vst v63  }
0x196: {  	s0 =	simm.s32 $0x788;
	s5 =	simm.s32 $0xFD80  }
0x197: {  	[tilespmem:s5], [sflag:$0x2] =	stream.indirect.gather [hbm4b:s3+s12], $0x20, s0, s12, $0xb8;
	[tilespmem:$0x19C80] =	vst v63  }
0x198: {  	s0 =	simm.s32 $0x7D0;
	s5 =	simm.s32 $0x10680  }
0x199: {  	[tilespmem:s5], [sflag:$0x2] =	stream.indirect.gather [hbm4b:s3+s10], $0x20, s0, s10, $0xb8;
	[tilespmem:$0x19C80] =	vst v63  }
0x19a: {  	s0 =	simm.s32 $0x850;
	s5 =	simm.s32 $0x11680  }
0x19b: {  	[tilespmem:s5], [sflag:$0x2] =	stream.indirect.gather [hbm4b:s3+s12], $0x20, s0, s12, $0xb8;
	[tilespmem:$0x19C80] =	vst v63  }
0x19c: {  	s0 =	simm.s32 $0x898;
	s5 =	simm.s32 $0x11F80  }
0x19d: {  	[tilespmem:s5], [sflag:$0x2] =	stream.indirect.gather [hbm4b:s3+s10], $0x20, s0, s10, $0xb8;
	[tilespmem:$0x19C80] =	vst v63  }
0x19e: {  	s0 =	simm.s32 $0x918;
	s5 =	simm.s32 $0x12F80  }
0x19f: {  	[tilespmem:s5], [sflag:$0x2] =	stream.indirect.gather [hbm4b:s3+s12], $0x20, s0, s12, $0xb8;
	[tilespmem:$0x19C80] =	vst v63  }
0x1a0: {  	s0 =	simm.s32 $0x960;
	s5 =	simm.s32 $0x13880  }
0x1a1: {  	[tilespmem:s5], [sflag:$0x2] =	stream.indirect.gather [hbm4b:s3+s10], $0x20, s0, s10, $0xb8;
	[tilespmem:$0x19C80] =	vst v63  }
0x1a2: {  	s0 =	simm.s32 $0x9E0;
	s5 =	simm.s32 $0x14880  }
0x1a3: {  	[tilespmem:s5], [sflag:$0x2] =	stream.indirect.gather [hbm4b:s3+s12], $0x20, s0, s12, $0xb8;
	[tilespmem:$0x19C80] =	vst v63  }
0x1a4: {  	s0 =	simm.s32 $0xA28;
	s5 =	simm.s32 $0x15180  }
0x1a5: {  	[tilespmem:s5], [sflag:$0x2] =	stream.indirect.gather [hbm4b:s3+s10], $0x20, s0, s10, $0xb8;
	[tilespmem:$0x19C80] =	vst v63  }
0x1a6: {  	s0 =	simm.s32 $0xAA8;
	s5 =	simm.s32 $0x16180  }
0x1a7: {  	[tilespmem:s5], [sflag:$0x2] =	stream.indirect.gather [hbm4b:s3+s12], $0x20, s0, s12, $0xb8;
	[tilespmem:$0x19C80] =	vst v63  }
0x1a8: {  	s0 =	simm.s32 $0xAF0;
	s5 =	simm.s32 $0x16A80  }
0x1a9: {  	[tilespmem:s5], [sflag:$0x2] =	stream.indirect.gather [hbm4b:s3+s10], $0x20, s0, s10, $0xb8;
	[tilespmem:$0x19C80] =	vst v63  }
0x1aa: {  	s0 =	simm.s32 $0xB70;
	s5 =	simm.s32 $0x17A80  }
0x1ab: {  	[tilespmem:s5], [sflag:$0x2] =	stream.indirect.gather [hbm4b:s3+s12], $0x20, s0, s12, $0xb8;
	[tilespmem:$0x19C80] =	vst v63  }
0x1ac: {  	s0 =	simm.s32 $0xBB8;
	s5 =	simm.s32 $0x18380  }
0x1ad: {  	[tilespmem:s5], [sflag:$0x2] =	stream.indirect.gather [hbm4b:s3+s10], $0x20, s0, s10, $0xb8;
	[tilespmem:$0x19C80] =	vst v63  }
0x1ae: {  	s0 =	simm.s32 $0xC38;
	s5 =	simm.s32 $0x19380  }
0x1af: {  	[tilespmem:s5], [sflag:$0x2] =	stream.indirect.gather [hbm4b:s3+s12], $0x20, s0, s12, $0xb8;
	[tilespmem:$0x19C80] =	vst v63  }
0x1b0: {  	_ =	swait.ge [sflag:s24], $0x1000  }
0x1b1: {  	[sflag:s24] =	ssyncset.done $0x0  }
0x1b2: {  	[sflag:s24] =	ssyncadd.s32 $0xFFFFF000  }
0x1b3: {  	_ =	swait.ge [sflag:s24], $0x900  }
0x1b4: {  	[sflag:s24] =	ssyncset.done $0x0  }
0x1b5: {  	[sflag:s24] =	ssyncadd.s32 $0xFFFFF700  }
0x1b6: {  	_ =	swait.ge [sflag:s24], $0x1000  }
0x1b7: {  	[sflag:s24] =	ssyncset.done $0x0  }
0x1b8: {  	[sflag:s24] =	ssyncadd.s32 $0xFFFFF000  }
0x1b9: {  	_ =	swait.ge [sflag:s24], $0x900  }
0x1ba: {  	[sflag:s24] =	ssyncset.done $0x0  }
0x1bb: {  	[sflag:s24] =	ssyncadd.s32 $0xFFFFF700  }
0x1bc: {  	_ =	swait.ge [sflag:s24], $0x1000  }
0x1bd: {  	[sflag:s24] =	ssyncset.done $0x0  }
0x1be: {  	[sflag:s24] =	ssyncadd.s32 $0xFFFFF000  }
0x1bf: {  	_ =	swait.ge [sflag:s24], $0x900  }
0x1c0: {  	[sflag:s24] =	ssyncset.done $0x0  }
0x1c1: {  	[sflag:s24] =	ssyncadd.s32 $0xFFFFF700  }
0x1c2: {  	_ =	swait.ge [sflag:s24], $0x1000  }
0x1c3: {  	[sflag:s24] =	ssyncset.done $0x0  }
0x1c4: {  	[sflag:s24] =	ssyncadd.s32 $0xFFFFF000  }
0x1c5: {  	_ =	swait.ge [sflag:s24], $0x900  }
0x1c6: {  	[sflag:s24] =	ssyncset.done $0x0  }
0x1c7: {  	[sflag:s24] =	ssyncadd.s32 $0xFFFFF700  }
0x1c8: {  	_ =	swait.ge [sflag:s24], $0x1000  }
0x1c9: {  	[sflag:s24] =	ssyncset.done $0x0  }
0x1ca: {  	[sflag:s24] =	ssyncadd.s32 $0xFFFFF000  }
0x1cb: {  	_ =	swait.ge [sflag:s24], $0x900  }
0x1cc: {  	[sflag:s24] =	ssyncset.done $0x0  }
0x1cd: {  	[sflag:s24] =	ssyncadd.s32 $0xFFFFF700  }
0x1ce: {  	_ =	swait.ge [sflag:s24], $0x1000  }
0x1cf: {  	[sflag:s24] =	ssyncset.done $0x0  }
0x1d0: {  	[sflag:s24] =	ssyncadd.s32 $0xFFFFF000  }
0x1d1: {  	_ =	swait.ge [sflag:s24], $0x900  }
0x1d2: {  	[sflag:s24] =	ssyncset.done $0x0  }
0x1d3: {  	[sflag:s24] =	ssyncadd.s32 $0xFFFFF700  }
0x1d4: {  	_ =	swait.ge [sflag:s24], $0x1000  }
0x1d5: {  	[sflag:s24] =	ssyncset.done $0x0  }
0x1d6: {  	[sflag:s24] =	ssyncadd.s32 $0xFFFFF000  }
0x1d7: {  	_ =	swait.ge [sflag:s24], $0x900  }
0x1d8: {  	[sflag:s24] =	ssyncset.done $0x0  }
0x1d9: {  	[sflag:s24] =	ssyncadd.s32 $0xFFFFF700  }
0x1da: {  	_ =	swait.ge [sflag:s24], $0x1000  }
0x1db: {  	[sflag:s24] =	ssyncset.done $0x0  }
0x1dc: {  	[sflag:s24] =	ssyncadd.s32 $0xFFFFF000  }
0x1dd: {  	_ =	swait.ge [sflag:s24], $0x900  }
0x1de: {  	[sflag:s24] =	ssyncset.done $0x0  }
0x1df: {  	s5 =	sadd.s32 $0xFFFFE700, s31;
	[sflag:s24] =	ssyncadd.s32 $0xFFFFF700  }
0x1e0: {  	[hbm4b:s5+s2] =	stream.linear.scatter [tilespmem:s6], [sflag:$0x3], $0xC800, $0x38;
	[tilespmem:$0x19C80] =	vst v63  }
0x1e1: {  	_ =	swait.ge [sflag:s25], $0x1000  }
0x1e2: {  	[sflag:s25] =	ssyncset.done $0x0  }
0x1e3: {  	[sflag:s25] =	ssyncadd.s32 $0xFFFFF000  }
0x1e4: {  	_ =	swait.ge [sflag:s25], $0x900  }
0x1e5: {  	[sflag:s25] =	ssyncset.done $0x0  }
0x1e6: {  	[sflag:s25] =	ssyncadd.s32 $0xFFFFF700  }
0x1e7: {  	_ =	swait.ge [sflag:s25], $0x1000  }
0x1e8: {  	[sflag:s25] =	ssyncset.done $0x0  }
0x1e9: {  	[sflag:s25] =	ssyncadd.s32 $0xFFFFF000  }
0x1ea: {  	_ =	swait.ge [sflag:s25], $0x900  }
0x1eb: {  	[sflag:s25] =	ssyncset.done $0x0  }
0x1ec: {  	[sflag:s25] =	ssyncadd.s32 $0xFFFFF700  }
0x1ed: {  	_ =	swait.ge [sflag:s25], $0x1000  }
0x1ee: {  	[sflag:s25] =	ssyncset.done $0x0  }
0x1ef: {  	[sflag:s25] =	ssyncadd.s32 $0xFFFFF000  }
0x1f0: {  	_ =	swait.ge [sflag:s25], $0x900  }
0x1f1: {  	[sflag:s25] =	ssyncset.done $0x0  }
0x1f2: {  	[sflag:s25] =	ssyncadd.s32 $0xFFFFF700  }
0x1f3: {  	_ =	swait.ge [sflag:s25], $0x1000  }
0x1f4: {  	[sflag:s25] =	ssyncset.done $0x0  }
0x1f5: {  	[sflag:s25] =	ssyncadd.s32 $0xFFFFF000  }
0x1f6: {  	_ =	swait.ge [sflag:s25], $0x900  }
0x1f7: {  	[sflag:s25] =	ssyncset.done $0x0  }
0x1f8: {  	[sflag:s25] =	ssyncadd.s32 $0xFFFFF700  }
0x1f9: {  	_ =	swait.ge [sflag:s25], $0x1000  }
0x1fa: {  	[sflag:s25] =	ssyncset.done $0x0  }
0x1fb: {  	[sflag:s25] =	ssyncadd.s32 $0xFFFFF000  }
0x1fc: {  	_ =	swait.ge [sflag:s25], $0x900  }
0x1fd: {  	[sflag:s25] =	ssyncset.done $0x0  }
0x1fe: {  	[sflag:s25] =	ssyncadd.s32 $0xFFFFF700  }
0x1ff: {  	_ =	swait.ge [sflag:s25], $0x1000  }
0x200: {  	[sflag:s25] =	ssyncset.done $0x0  }
0x201: {  	[sflag:s25] =	ssyncadd.s32 $0xFFFFF000  }
0x202: {  	_ =	swait.ge [sflag:s25], $0x900  }
0x203: {  	[sflag:s25] =	ssyncset.done $0x0  }
0x204: {  	[sflag:s25] =	ssyncadd.s32 $0xFFFFF700  }
0x205: {  	_ =	swait.ge [sflag:s25], $0x1000  }
0x206: {  	[sflag:s25] =	ssyncset.done $0x0  }
0x207: {  	[sflag:s25] =	ssyncadd.s32 $0xFFFFF000  }
0x208: {  	_ =	swait.ge [sflag:s25], $0x900  }
0x209: {  	[sflag:s25] =	ssyncset.done $0x0  }
0x20a: {  	[sflag:s25] =	ssyncadd.s32 $0xFFFFF700  }
0x20b: {  	p0 =	sne.s32 s30, $0x3070;
	_ =	swait.ge [sflag:s25], $0x1000  }
.Ltmp0:
0x20c: {  	[sflag:s25] =	ssyncset.done $0x0;
	(pc) =	sbr.rel @p0 .LBB2_2-.Ltmp0, $4  }
0x20d: {  	[sflag:s25] =	ssyncadd.s32 $0xFFFFF000  }
0x20e: {  	_ =	swait.ge [sflag:s25], $0x900  }
0x20f: {  	s1 =	smov.u32 s31;
	[sflag:s25] =	ssyncset.done $0x0  }
0x210: {  	s30 =	sadd.s32 $0x190, s30;
	s31 =	sadd.s32 $0x3200, s31;
	[sflag:s25] =	ssyncadd.s32 $0xFFFFF700  }
0x211: {  	[hbm4b:s1+s2] =	stream.linear.scatter [tilespmem:s17], [sflag:$0x4], $0xC800, $0x38;
	[tilespmem:$0x19C80] =	vst v63  }
0x212: {  	_ =	swait.ge [sflag:s26], $0xC800  }
0x213: {  	[sflag:s26] =	ssyncset.done $0x0  }
0x214: {  	s6 =	simm.s32 $0xC8;
	[sflag:s26] =	ssyncadd.s32 $0xFFFF3800  }
0x215: {  	s7 =	simm.s32 $0x2580;
	s5 =	simm.s32 $0x148;
	_ =	swait.ge [sflag:s29], $0xC800  }
0x216: {  	s8 =	simm.s32 $0x3580;
	s13 =	simm.s32 $0x3E80;
	s23 =	rddreg [dreg:$0x9]  }
0x217: {  	s14 =	simm.s32 $0x210;
	s0 =	rddreg [dreg:$0x7];
	s1 =	sadd.s32 $0x1, s23  }
0x218: {  	s15 =	simm.s32 $0x4E80;
	s16 =	simm.s32 $0x258;
	p0 =	sne.s32 s1, s0  }
.Ltmp1:
0x219: {  	s18 =	simm.s32 $0x5780;
	s19 =	simm.s32 $0x2D8;
	(pc) =	sbr.rel @p0 .LBB2_1-.Ltmp1, $4  }
0x21a: {  	s20 =	simm.s32 $0x6780;
	s21 =	simm.s32 $0x320;
	s22 =	simm.s32 $0x7080  }
0x21b: {  	s28 =	simm.s32 $0x8080;
	s11 =	simm.s32 $0x3E8;
	[sflag:s29] =	ssyncset.done $0x0  }
0x21c: {  	s30 =	simm.s32 $0xC80;
	s31 =	simm.s32 $0x8980;
	[sflag:s29] =	ssyncadd.s32 $0xFFFF3800  }
0x21d: {  	s23 =	simm.s32 $0x3A0;
	[dreg:$0x9] =	wrdreg s1;
	s1 =	simm.s32 $0x468  }
0x21e: {  	_ =	sfence.sel $0x180000  }
0x21f: {  	[bflag:$0x0] =	sbarrier.arrive $0xFFFF  }
0x220: {  	_ =	strace $0x90000047  }
0x221: {  	s0 =	stileid.u32;
	[bflag:$0x2] =	sbarrier.arrive $0xFFFF  }
0x222: {  	p0 =	sne.s32 s0, $0x0;
	s0 =	rddreg [dreg:$0x2]  }
0x223: {  	s0 =	sadd.s32 @!p0 $0x100000, s0  }
0x224: {  	[sflag:s0] =	ssyncadd.tile.s32 @!p0 $0x1;
	_ =	shalt  }
.Lfunc_end2:
_tile_overlayer_lowered:
.L_overlay_start_2:
0x225: {  	(tag) =	ssettag $0x2  }
0x226: {  	s0 =	rddreg [dreg:$0x0];
	s2 =	stileid.u32  }
0x227: {  	s1 =	rddreg [dreg:$0x1];
	p0 =	sne.s32 s2, $0x0  }
0x228: {  	s3 =	rddreg [dreg:$0x2];
	[bflag:$0x3] =	sbarrier.arrive $0xFFFF;
	s2 =	simm.s32 @!p0 $0x1C05  }
0x229: {  	[timem:s3], [sflag:s2] =	dma.local @!p0 [hbm:s0], s1  }
0x22a: {  	s0 =	simm.s32 @!p0 $0x5  }
0x22b: {  	_ =	swait.ge @!p0 [sflag:s0], s1  }
0x22c: {  	s1 =	ssub.s32 @!p0 $0x0, s1;
	[sflag:s0] =	ssyncset.done @!p0 $0x0  }
0x22d: {  	[sflag:s0] =	ssyncadd.s32 @!p0 s1  }
0x22e: {  	[bflag:$0x3] =	sbarrier.arrive $0xFFFF  }
0x22f: {  	_ =	shalt  }

// kernel: sparse-core-data-format-call.cloned.1.call-start
scs
called_computation_lowered:
.L_overlay_start_0:
0x0: {  	s2 =	sld [smem:$0x3FD9]  }
0x1: {  	s3 =	sld [smem:$0x3FFE];
	_ =	sdelay $0x1  }
0x2: {  	s1 =	srdreg.scid  }
0x3: {  	s0 =	sand.u32 $0x1, s1  }
0x4: {  	s18 =	sshll.u32 s0, $0xA;
	s2 =	sadd.s32 s3, s2  }
0x5: {  	s2 =	sadd.s32 s2, s18  }
0x6: {  	[smem:$0x3FC6] =	sst s2  }
0x7: {  	_ = 	snop  }
0x8: {  	s2 =	sld [smem:$0x3FD0];
	(tm) =	ssettm $0x1  }
0x9: {  	s19 =	sld [smem:$0x3FFB];
	_ =	sdelay $0x3  }
0xa: {  	_ =	strace s19  }
0xb: {  	s3 =	sld [smem:$0x3FFC];
	_ =	sdelay $0x3  }
0xc: {  	_ =	strace s3  }
0xd: {  	s3 =	sld [smem:$0x3FFD];
	_ =	sdelay $0x3  }
0xe: {  	_ =	strace s3  }
0xf: {  	_ =	strace $0x8FFFFFFF  }
0x10: {  	s20 =	sld [smem:$0x3FDB];
	_ =	sdelay $0x1  }
0x11: {  	s4 =	simm.s32 $_scs_section_size  }
0x12: {  	s5 =	simm.s32 $_size__tile_overlayer_lowered;
	s6 =	simm.s32 $_tile_overlayer_lowered  }
0x13: {  	s23 =	simm.s32 $0x1BFF;
	s22 =	sshll.u32 s6, $0x1;
	s3 =	sadd.s32 s4, s20  }
0x14: {  	s7 =	simm.s32 $0x0;
	s21 =	sshll.u32 s5, $0x1;
	s5 =	sadd.s32 s22, s3  }
0x15: {  	[timem:s7], [sflag:s23] =	dma.local [hbm:s5], s21  }
0x16: {  	_ =	swait.ge [sflag:s23], s21  }
0x17: {  	s4 =	ssub.s32 $0x0, s21;
	[sflag:s23] =	ssyncset.done $0x0  }
0x18: {  	[sflag:s23] =	ssyncadd.s32 s4;
	_ =	sdelay $0x1  }
0x19: {  	s24 =	simm.s32 $0x1B8B  }
0x1a: {  	_ =	swait.ge [sflag:s24], $0x1  }
0x1b: {  	[sflag:s24] =	ssyncset.done $0x0  }
0x1c: {  	s26 =	simm.s32 $0x1B8E;
	s25 =	sld [smem:$0x3FFE];
	[sflag:s24] =	ssyncadd.s32 $0xFFFFFFFF  }
0x1d: {  	s27 =	simm.s32 $execute0_lowered;
	[smem:$0x3FD2] =	sst s26  }
0x1e: {  	s5 =	sshll.u32 s27, $0x1;
	_ =	strace $0x80000049;
	[dreg:$0x1] =	wrdreg $0xFFFFFFFF  }
0x1f: {  	s28 =	simm.s32 $_size_execute0_lowered;
	s3 =	sadd.s32 s3, s5;
	[dreg:$0x0] =	wrdreg $0x0  }
0x20: {  	s5 =	sshll.u32 s28, $0x1;
	[dreg:$0x2] =	wrdreg s3  }
0x21: {  	[dreg:$0x3] =	wrdreg s5  }
0x22: {  	[dreg:$0x4] =	wrdreg $0xC0  }
0x23: {  	_ =	task [dreg:s7], $0x5FFFF  }
0x24: {  	[dreg:$0x1] =	wrdreg $0xFFFFFFFF  }
0x25: {  	[dreg:$0x0] =	wrdreg $0x60  }
0x26: {  	[dreg:$0x2] =	wrdreg s25  }
0x27: {  	[dreg:$0x3] =	wrdreg s2  }
0x28: {  	[dreg:$0x4] =	wrdreg $0x9  }
0x29: {  	_ =	task.clear_ibuf [dreg:s7], $0x5FFFF;
	_ =	strace $0x90000049  }
0x2a: {  	s29 =	simm.s32 $0x9;
	_ =	strace $0x8000004B  }
0x2b: {  	_ =	swait.ge [sflag:s29], $0x1  }
0x2c: {  	[sflag:s29] =	ssyncadd.s32 $0xFFFFFFFF  }
0x2d: {  	_ =	strace $0x9000004B  }
0x2e: {  	_ =	sfence  }
0x2f: {  	s30 =	sld [smem:$0x0];
	_ =	sdelay $0x2  }
0x30: {  	s31 =	sshll.u32 s1, $0xD;
	s1 =	sshrl.u32 s1, $0x2  }
0x31: {  	s3 =	sand.u32 $0x4000, s31;
	s1 =	sadd.s32 s1, s30  }
0x32: {  	s0 =	sor.u32 s3, s0;
	s1 =	sshll.u32 s1, $0x11  }
0x33: {  	s0 =	sor.u32 s1, s0  }
0x34: {  	s0 =	sadd.s32 $0x8F2B, s0  }
0x35: {  	[sflag:s0] =	ssyncadd.remote.s32 $0x1  }
0x36: {  	_ =	sfence.sel $0xFFFF  }
0x37: {  	[dreg:$0x0] =	wrdreg $0xFFFFFFFF;
	(pc) =	sbr.abs _section_cstart, $3  }
0x38: {  	[dreg:$0x1] =	wrdreg $0xFFFFFFFF  }
0x39: {  	_ =	task.clear_ibuf [dreg:s7], $0x2FFFF;
	_ =	strace $0x9FFFFFFF  }
0x3a: {  	(tm) =	ssettm $0x7FFFFFFF  }
0x3b: {  	_ =	shalt  }
tec
execute0_lowered:
.L_overlay_start_1:
0x0: {  	(tag) =	ssettag $0x1  }
0x1: {  	s0 =	srdreg.scid  }
0x2: {  	s1 =	sshll.u32 s0, $0x4  }
0x3: {  	s0 =	stileid.u32;
	s1 =	sand.u32 $0x10, s1  }
0x4: {  	s1 =	sor.u32 s0, s1  }
0x5: {  	s6 =	rddreg [dreg:$0x0];
	s4 =	simm.s32 $0x1;
	s2 =	sshll.u32 s1, $0x7  }
0x6: {  	s7 =	simm.s32 $0x2;
	s12 =	simm.s32 $0x0;
	s1 =	ssub.s32 $0x4000, s2  }
0x7: {  	s8 =	simm.s32 $0x20000;
	s13 =	simm.s32 $0x0;
	s3 =	sand.u32 $0xF80, s1  }
0x8: {  	s9 =	simm.s32 $0x0;
	s5 =	sshrl.u32 s1, $0xC;
	p0 =	sne.s32 s3, $0x0  }
.Ltmp0:
0x9: {  	s1 =	rddreg [dreg:$0x2];
	s4 =	simm.s32 @!p0 $0x0;
	(pc) =	sbr.rel .LBB1_1-.Ltmp0, $4  }
0xa: {  	s11 =	simm.s32 $0x0;
	s3 =	rddreg [dreg:$0x1];
	s5 =	sadd.s32 s4, s5  }
0xb: {  	_ =	strace $0x8000004A;
	s4 =	simm.s32 $0x1;
	s5 =	smul.u32 $0xC8, s5  }
0xc: {  	s6 =	sadd.s32 $0x800, s6;
	s10 =	smov.u32 s2;
	[sflag:s4] =	ssyncpa.u1 $0x0  }
0xd: {  	p0 =	por $0x0, $0x0;
	[sflag:s7] =	ssyncpa.u1 $0x0;
	s7 =	sor.u32 $0x1, s5  }
.LBB1_4:
0xe: {  	s16 =	sshll.u32 s13, $0x3;
	s17 =	sand.u32 $0x78, s13  }
0xf: {  	s30 =	sand.u32 $0xF800, s13;
	s12 =	sshll.u32 s12, $0x10;
	s16 =	sand.u32 $0x3C00, s16  }
0x10: {  	s31 =	sand.u32 $0x7, s13;
	s16 =	sor.u32 s17, s16;
	s17 =	sadd.s32 s3, s30  }
0x11: {  	s13 =	sshll.u32 s31, $0x12;
	s16 =	sshrl.u32 s16, $0x3;
	s12 =	sadd.s32 s12, s17  }
0x12: {  	[tilespmem:s15+$0x0 ss:$0x81] =	vst.msk $0xffff, v0;
	s13 =	sor.u32 $0x400, s13;
	s12 =	sadd.s32 s16, s12  }
0x13: {  	[hbm4b:s12+s13] =	stream.strided.scatter [tilespmem:s14], [sflag:$0x2], $0x1000, s8, s13, $0x20;
	[tilespmem:$0x4040] =	vst v63  }
.LBB1_5:
0x14: {  	s14 =	sadd.s32 $0x1, s9  }
0x15: {  	s12 =	sadd.s32 $0x1000, s10;
	s16 =	smov.u32 s10;
	p2 =	sgt.s32 s14, $0xC7  }
0x16: {  	s16 =	smov.u32 @p2 s12  }
0x17: {  	s14 =	simm.s32 @p2 $0x0;
	p2 =	sgt.s32 s16, $0x3FFF  }
0x18: {  	s16 =	smov.u32 @p2 s2;
	p2 =	sne.s32 s11, s7  }
.Ltmp1:
0x19: {  	p1 =	slt.u32 s11, $0x2;
	(pc) =	sbr.rel @!p2 .LBB1_6-.Ltmp1, $4  }
0x1a: {  	s15 =	simm.s32 @!p1 $0x2  }
0x1b: {  	s13 =	smov.u32 s10;
	p0 =	por !p0, !p0;
	_ =	swait.ge @!p1 [sflag:s15], $0x1000  }
0x1c: {  	s12 =	smov.u32 s9;
	[sflag:s15] =	ssyncset.done @!p1 $0x0;
	s9 =	smov.u32 s14  }
0x1d: {  	s11 =	sadd.s32 $0x1, s11;
	[sflag:s15] =	ssyncadd.s32 @!p1 $0xFFFFF000;
	s10 =	smov.u32 s16  }
.LBB1_1:
0x1e: {  	p1 =	sge.u32 s11, s5  }
0x1f: {  	s14 =	sand.u32 @!p1 $0x1FFFFFF, s9  }
0x20: {  	s15 =	smulhi.u32 @!p1 $0x147AE15, s14;
	_ =	sdelay $0x1  }
0x21: {  	s15 =	smul.u32 @!p1 $0xC8, s15  }
0x22: {  	s16 =	sxor.u32 @!p1 $0xFFFFFFFF, s11;
	s17 =	smul.u32 @!p1 $0xC80, s10  }
0x23: {  	s31 =	sadd.s32 $0xFFFFFFFF, s11;
	s16 =	sshll.u32 @!p1 s16, $0xC;
	s14 =	ssub.s32 @!p1 s14, s15  }
0x24: {  	s15 =	sand.u32 @!p1 $0x1000, s16;
	s16 =	sadd.s32 @!p1 s6, s17;
	s14 =	sshll.u32 @!p1 s14, $0x4  }
0x25: {  	s17 =	simm.s32 @!p1 $0x6400;
	s14 =	sadd.s32 @!p1 s14, s16;
	s16 =	simm.s32 @!p1 $0x20  }
0x26: {  	[tilespmem:s15], [sflag:$0x1] =	stream.strided.gather @!p1 [hbm4b:s14+s16], $0x1000, s17, s16, $0x38;
	[tilespmem:$0x4040] =	vst v63  }
0x27: {  	p1 =	sge.u32 s31, s5  }
.Ltmp2:
0x28: {  	_ = 	snop;
	(pc) =	sbr.rel @p1 .LBB1_5-.Ltmp2, $1  }
0x29: {  	_ =	sdelay $0x3  }
0x2a: {  	s14 =	simm.s32 $0x1  }
0x2b: {  	_ =	swait.ge [sflag:s4], $0x1000;
	s14 =	simm.s32 @!p0 $0x0  }
0x2c: {  	[sflag:s4] =	ssyncset.done $0x0;
	s15 =	sshll.u32 s14, $0xC  }
0x2d: {  	[sflag:s4] =	ssyncadd.s32 $0xFFFFF000;
	s18 =	sor.u32 $0x10, s15  }
0x2e: {  	s14 =	smul.u32 $0x4080, s14;
	v1 =	vld [tilespmem:s18+$0x0]  }
0x2f: {  	s30 =	sand.u32 $0x1, s11;
	v0 =	vld [tilespmem:s18+$0xFFFFFFF0]  }
0x30: {  	s15 =	smul.u32 $0x4080, s30;
	s14 =	sshrl.u32 s14, $0x2  }
0x31: {  	s16 =	sor.u32 $0x2000, s14  }
0x32: {  	s31 =	sshrl.u32 s15, $0x2;
	s15 =	sadd.s32 $0x0, s16  }
0x33: {  	s17 =	simm.s32 $0x4;
	s18 =	sadd.s32 $0x20, s18;
	s14 =	sor.u32 $0x2000, s31;
	[tilespmem:s15+$0x810 ss:$0x81] =	vst.msk $0xffff, v1  }
.LBB1_3:
0x34: {  	v1 =	vld [tilespmem:s18+$0x0];
	p1 =	sne.s32 s17, $0x1FC;
	[tilespmem:s15+$0x0 ss:$0x81] =	vst.msk $0xffff, v0;
	s15 =	smov.u32 s17;
	s17 =	sadd.s32 $0x4, s17  }
.Ltmp3:
0x35: {  	v0 =	vld [tilespmem:s18+$0xFFFFFFF0];
	(pc) =	sbr.rel @p1 .LBB1_3-.Ltmp3, $4  }
0x36: {  	_ = 	snop  }
0x37: {  	s15 =	sshra.s32 s15, $0x2  }
0x38: {  	s15 =	sadd.s32 s15, s16  }
0x39: {  	s18 =	sadd.s32 $0x20, s18;
	[tilespmem:s15+$0x810 ss:$0x81] =	vst.msk $0xffff, v1  }
.Ltmp4:
0x3a: {  	_ = 	snop;
	(pc) =	sbr.rel .LBB1_4-.Ltmp4, $1  }
0x3b: {  	_ =	sdelay $0x3  }
.LBB1_6:
0x3c: {  	_ =	sfence.sel $0x180000  }
0x3d: {  	s2 =	simm.s32 $0x1;
	[bflag:$0x0] =	sbarrier.arrive $0xFFFF  }
0x3e: {  	s31 =	simm.s32 $0x2;
	[sflag:s2] =	ssyncpa.u1 $0x1  }
0x3f: {  	[sflag:s31] =	ssyncpa.u1 $0x1  }
0x40: {  	p0 =	sne.s32 s0, $0x0;
	_ =	strace $0x9000004A  }
0x41: {  	s0 =	sadd.s32 @!p0 $0x100000, s1;
	[bflag:$0x2] =	sbarrier.arrive $0xFFFF  }
0x42: {  	[sflag:s0] =	ssyncadd.tile.s32 @!p0 $0x1;
	_ =	shalt  }
.Lfunc_end1:
_tile_overlayer_lowered:
.L_overlay_start_2:
0x43: {  	(tag) =	ssettag $0x2  }
0x44: {  	s0 =	rddreg [dreg:$0x0];
	s2 =	stileid.u32  }
0x45: {  	s1 =	rddreg [dreg:$0x1];
	p0 =	sne.s32 s2, $0x0  }
0x46: {  	s3 =	rddreg [dreg:$0x2];
	[bflag:$0x3] =	sbarrier.arrive $0xFFFF;
	s2 =	simm.s32 @!p0 $0x1C01  }
0x47: {  	[timem:s3], [sflag:s2] =	dma.local @!p0 [hbm:s0], s1  }
0x48: {  	s0 =	simm.s32 @!p0 $0x1  }
0x49: {  	_ =	swait.ge @!p0 [sflag:s0], s1  }
0x4a: {  	s1 =	ssub.s32 @!p0 $0x0, s1;
	[sflag:s0] =	ssyncset.done @!p0 $0x0  }
0x4b: {  	[sflag:s0] =	ssyncadd.s32 @!p0 s1  }
0x4c: {  	[bflag:$0x3] =	sbarrier.arrive $0xFFFF  }
0x4d: {  	_ =	shalt  }

</sc_bundles>
